<compile_context>
chip_gen: v7x
topology: tpu7x:2x2x1
jax: 0.10.2.dev20260603
libtpu: 0.0.44.dev20260713+nightly
codegen_flags: <defaults>
</compile_context>

<pallas_src>
import functools

import numpy as np

import jax
import jax.numpy as jnp
from jax import lax
from jax.experimental import pallas as pl
from jax.experimental.pallas import tpu as pltpu
from jax.experimental.pallas import tpu_sc as plsc

N_NODES = 10000
NP = 10240
N_EDGES = 320000
CHUNK = 128
N_CHUNKS = 2560
EP = N_CHUNKS * CHUNK
CPT = 80
DH = 64
DW = 64
ROWS_PER_TILE = NP // 16

_PAD_IDX = (np.arange(EP - N_EDGES) % (NP - N_NODES) + N_NODES).astype(np.int32)

_mesh = plsc.VectorSubcoreMesh(core_axis_name="c", subcore_axis_name="s")


def _deg_body(dstc_hbm, out_hbm, dst_v, hist_v, tmp_v, acc_v, red_v, hist_sh):
    c = lax.axis_index("c")
    s = lax.axis_index("s")
    wid = c * 16 + s
    ones16 = jnp.ones((16,), jnp.float32)

    pltpu.sync_copy(dstc_hbm.at[pl.ds(wid * CPT, CPT)], dst_v)

    def fill_zero(i, carry):
        hist_v[pl.ds(i * 16, 16)] = jnp.zeros((16,), jnp.float32)
        return carry

    lax.fori_loop(0, NP // 16, fill_zero, 0)

    def body(r, carry):
        for k in range(CHUNK // 16):
            idx16 = dst_v[r, pl.ds(k * 16, 16)]
            plsc.addupdate_scatter(hist_v, [idx16], ones16)
        return carry

    lax.fori_loop(0, CPT, body, 0)

    pltpu.sync_copy(hist_v, hist_sh.at[pl.ds(s * NP, NP)])
    plsc.subcore_barrier()

    def zero_acc(i, carry):
        acc_v[pl.ds(i * 16, 16)] = jnp.zeros((16,), jnp.float32)
        return carry

    lax.fori_loop(0, ROWS_PER_TILE // 16, zero_acc, 0)
    for t in range(16):
        pltpu.sync_copy(
            hist_sh.at[pl.ds(t * NP + s * ROWS_PER_TILE, ROWS_PER_TILE)],
            tmp_v)

        def add_part(i, carry):
            sl = pl.ds(i * 16, 16)
            acc_v[sl] = acc_v[sl] + tmp_v[sl]
            return carry

        lax.fori_loop(0, ROWS_PER_TILE // 16, add_part, 0)

    def widen(g, carry):
        vec = acc_v[pl.ds(g * 16, 16)]
        for l in range(16):
            row = jnp.full((16,), vec[l], jnp.float32)
            for k in range(DW // 16):
                red_v[g * 16 + l, pl.ds(k * 16, 16)] = row
        return carry

    lax.fori_loop(0, ROWS_PER_TILE // 16, widen, 0)
    pltpu.sync_copy(red_v,
                    out_hbm.at[c, pl.ds(s * ROWS_PER_TILE, ROWS_PER_TILE)])


_deg_kernel = functools.partial(
    pl.kernel,
    out_type=jax.ShapeDtypeStruct((2, NP, DW), jnp.float32),
    mesh=_mesh,
    scratch_types=[
        pltpu.VMEM((CPT, CHUNK), jnp.int32),
        pltpu.VMEM((NP,), jnp.float32),
        pltpu.VMEM((ROWS_PER_TILE,), jnp.float32),
        pltpu.VMEM((ROWS_PER_TILE,), jnp.float32),
        pltpu.VMEM((ROWS_PER_TILE, DW), jnp.float32),
        pltpu.VMEM_SHARED((16 * NP,), jnp.float32),
    ],
    compiler_params=pltpu.CompilerParams(
        needs_layout_passes=False, use_tc_tiling_on_sc=False),
)(_deg_body)


HCPT = CPT // 2
HPAIRS = HCPT // 2


def _agg_body(hs_hbm, srcc_hbm, dstc_hbm, out_hbm,
              src_v, dst_v, buf0, buf1, acc_sh, gsem, ssem):
    c = lax.axis_index("c")
    s = lax.axis_index("s")
    wid = c * 16 + s

    def fill_zero(i, carry):
        for k in range(DW // 16):
            buf0[i, pl.ds(k * 16, 16)] = jnp.zeros((16,), jnp.float32)
        return carry

    lax.fori_loop(0, CHUNK, fill_zero, 0)
    for q in range(ROWS_PER_TILE // CHUNK):
        pltpu.sync_copy(
            buf0, acc_sh.at[pl.ds(s * ROWS_PER_TILE + q * CHUNK, CHUNK)])
    plsc.subcore_barrier()

    def g_start(k, buf):
        pltpu.async_copy(hs_hbm.at[src_v.at[k]], buf, gsem)

    def g_wait(buf):
        pltpu.make_async_copy(hs_hbm.at[pl.ds(0, CHUNK)], buf, gsem).wait()

    def s_start(k, buf):
        pltpu.async_copy(buf, acc_sh.at[dst_v.at[k]], ssem, add=True)

    def s_wait(buf):
        pltpu.make_async_copy(hs_hbm.at[pl.ds(0, CHUNK)], buf, ssem).wait()

    for h in range(2):
        base = wid * CPT + h * HCPT
        pltpu.sync_copy(srcc_hbm.at[pl.ds(base, HCPT)], src_v)
        pltpu.sync_copy(dstc_hbm.at[pl.ds(base, HCPT)], dst_v)
        g_start(0, buf0)

        def body(i, carry):
            a = 2 * i
            g_wait(buf0)
            pl.when(i > 0)(lambda: s_wait(buf1))
            g_start(a + 1, buf1)
            s_start(a, buf0)
            g_wait(buf1)
            s_wait(buf0)
            pl.when(i < HPAIRS - 1)(lambda: g_start(a + 2, buf0))
            s_start(a + 1, buf1)
            return carry

        lax.fori_loop(0, HPAIRS, body, 0)
        s_wait(buf1)

    plsc.subcore_barrier()
    pltpu.sync_copy(acc_sh.at[pl.ds(s * ROWS_PER_TILE, ROWS_PER_TILE)],
                    out_hbm.at[c, pl.ds(s * ROWS_PER_TILE, ROWS_PER_TILE)])


_agg_kernel = functools.partial(
    pl.kernel,
    out_type=jax.ShapeDtypeStruct((2, NP, DW), jnp.float32),
    mesh=_mesh,
    scratch_types=[
        pltpu.VMEM((HCPT, CHUNK), jnp.int32),
        pltpu.VMEM((HCPT, CHUNK), jnp.int32),
        pltpu.VMEM((CHUNK, DW), jnp.float32),
        pltpu.VMEM((CHUNK, DW), jnp.float32),
        pltpu.VMEM_SHARED((NP, DW), jnp.float32),
        pltpu.SemaphoreType.DMA,
        pltpu.SemaphoreType.DMA,
    ],
    compiler_params=pltpu.CompilerParams(
        needs_layout_passes=False, use_tc_tiling_on_sc=False),
)(_agg_body)


_GRID = 8
_BR = NP // _GRID


def _dinv(d0, d1):
    return lax.rsqrt(d0 + d1 + 1.0)


def _tc1_body(x_ref, w1_ref, d0_ref, d1_ref, hs_ref):
    dinv = _dinv(d0_ref[...], d1_ref[...])
    h = jnp.dot(x_ref[...], w1_ref[...], preferred_element_type=jnp.float32)
    hs_ref[...] = h * dinv


def _tc2_body(p0_ref, p1_ref, hs1_ref, d0_ref, d1_ref, w2_ref, b1_ref, hs2_ref):
    dinv = _dinv(d0_ref[...], d1_ref[...])
    tot = p0_ref[...] + p1_ref[...] + hs1_ref[...]
    o1 = jnp.maximum(tot * dinv + b1_ref[...], 0.0)
    hs2_ref[...] = jnp.dot(
        o1, w2_ref[...], preferred_element_type=jnp.float32) * dinv


def _tc3_body(p0_ref, p1_ref, hs2_ref, d0_ref, d1_ref, w3_ref, b2_ref, b3_ref,
              out_ref):
    dinv = _dinv(d0_ref[...], d1_ref[...])
    tot = p0_ref[...] + p1_ref[...] + hs2_ref[...]
    o2 = jnp.maximum(tot * dinv + b2_ref[...], 0.0)
    out_ref[...] = jnp.dot(
        o2, w3_ref[...], preferred_element_type=jnp.float32) + b3_ref[...]


def _row_spec(width):
    return pl.BlockSpec((_BR, width), lambda i: (i, 0))


def _full_spec(shape):
    return pl.BlockSpec(shape, lambda i: (0,) * len(shape))


def kernel(x, edge_index, W1, b1, W2, b2, W3, b3):
    pad_idx = jnp.asarray(_PAD_IDX)
    src = jnp.concatenate(
        [edge_index[0], pad_idx]).reshape(N_CHUNKS, CHUNK)
    dst = jnp.concatenate(
        [edge_index[1], pad_idx]).reshape(N_CHUNKS, CHUNK)
    xp = jnp.pad(x, ((0, NP - N_NODES), (0, 0)))
    b1r = b1.reshape(1, DH)
    b2r = b2.reshape(1, DH)
    b3r = b3.reshape(1, W3.shape[1])

    degb = _deg_kernel(dst)
    d0, d1 = degb[0], degb[1]

    hs1 = pl.pallas_call(
        _tc1_body,
        grid=(_GRID,),
        in_specs=[_row_spec(x.shape[1]), _full_spec(W1.shape),
                  _row_spec(DW), _row_spec(DW)],
        out_specs=_row_spec(DW),
        out_shape=jax.ShapeDtypeStruct((NP, DW), jnp.float32),
    )(xp, W1, d0, d1)

    p1 = _agg_kernel(hs1, src, dst)

    hs2 = pl.pallas_call(
        _tc2_body,
        grid=(_GRID,),
        in_specs=[_row_spec(DW), _row_spec(DW), _row_spec(DW),
                  _row_spec(DW), _row_spec(DW),
                  _full_spec(W2.shape), _full_spec(b1r.shape)],
        out_specs=_row_spec(DW),
        out_shape=jax.ShapeDtypeStruct((NP, DW), jnp.float32),
    )(p1[0], p1[1], hs1, d0, d1, W2, b1r)

    p2 = _agg_kernel(hs2, src, dst)

    out = pl.pallas_call(
        _tc3_body,
        grid=(_GRID,),
        in_specs=[_row_spec(DW), _row_spec(DW), _row_spec(DW),
                  _row_spec(DW), _row_spec(DW),
                  _full_spec(W3.shape), _full_spec(b2r.shape),
                  _full_spec(b3r.shape)],
        out_specs=_row_spec(W3.shape[1]),
        out_shape=jax.ShapeDtypeStruct((NP, W3.shape[1]), jnp.float32),
    )(p2[0], p2[1], hs2, d0, d1, W3, b2r, b3r)

    return out[:N_NODES]

# --- scband reference (transcript-rebuilt; emitter-appended) ---
"""Pipeline reference for scband-net-30425548325001 (READ-ONLY COPY).

The authoritative reference and input builder live on the scoring server;
editing this copy changes nothing except your own understanding.
"""

import jax, jax.numpy as jnp
import numpy as np

N_NODES = 10000
N_EDGES = 320000
D_IN = 128
D_HID = 64
N_CLASSES = 16


def gcn_conv(x, edge_index, W, b):
    # Faithful GCNConv: add self-loops, symmetric deg^-1/2 normalization,
    # linear transform, gather->scale->scatter-add, add bias.
    num_nodes = x.shape[0]
    src = edge_index[0]
    dst = edge_index[1]
    loop = jnp.arange(num_nodes, dtype=src.dtype)
    src = jnp.concatenate([src, loop])
    dst = jnp.concatenate([dst, loop])
    ones = jnp.ones(src.shape[0], dtype=x.dtype)
    deg = jnp.zeros((num_nodes,), dtype=x.dtype).at[dst].add(ones)
    dinv = jnp.where(deg > 0, deg ** -0.5, 0.0)
    norm = dinv[src] * dinv[dst]
    h = x @ W
    msg = jnp.take(h, src, axis=0) * norm[:, None]
    out = jnp.zeros((num_nodes, W.shape[1]), dtype=x.dtype).at[dst].add(msg)
    return out + b


def setup_inputs(seed: int = 0) -> dict:
    key = jax.random.key(seed)
    ks = jax.random.split(key, 9)
    x = jax.random.normal(ks[0], (N_NODES, D_IN), dtype=jnp.float32)
    edge_index = jax.random.randint(ks[1], (2, N_EDGES), 0, N_NODES, dtype=jnp.int32)
    W1 = jax.random.normal(ks[2], (D_IN, D_HID), dtype=jnp.float32) / np.sqrt(D_IN)
    b1 = jnp.zeros((D_HID,), dtype=jnp.float32)
    W2 = jax.random.normal(ks[3], (D_HID, D_HID), dtype=jnp.float32) / np.sqrt(D_HID)
    b2 = jnp.zeros((D_HID,), dtype=jnp.float32)
    W3 = jax.random.normal(ks[4], (D_HID, N_CLASSES), dtype=jnp.float32) / np.sqrt(D_HID)
    b3 = jnp.zeros((N_CLASSES,), dtype=jnp.float32)
    return {"x": x, "edge_index": edge_index, "W1": W1, "b1": b1, "W2": W2, "b2": b2, "W3": W3, "b3": b3}


def reference(x, edge_index, W1, b1, W2, b2, W3, b3):
    h = jax.nn.relu(gcn_conv(x, edge_index, W1, b1))
    h = jax.nn.relu(gcn_conv(h, edge_index, W2, b2))
    out = h @ W3 + b3
    return out

if __name__ == "__main__":
    import jax
    _d = setup_inputs()
    print(jax.jit(kernel)(*tuple(_d.values())))

</pallas_src>

<mosaic_0001>
#map = affine_map<(d0, d1) -> (0, 0)>
#map1 = affine_map<(d0, d1) -> (0, 0, 0)>
module attributes {stable_mosaic.version = 14 : i64} {
  func.func @_agg_body(%arg0: i32, %arg1: i32, %arg2: memref<10240x64xf32, #tpu.memory_space<hbm>>, %arg3: memref<2560x128xi32, #tpu.memory_space<hbm>>, %arg4: memref<2560x128xi32, #tpu.memory_space<hbm>>, %arg5: memref<2x10240x64xf32, #tpu.memory_space<hbm>>, %arg6: memref<40x128xi32, #tpu.memory_space<vmem>>, %arg7: memref<40x128xi32, #tpu.memory_space<vmem>>, %arg8: memref<128x64xf32, #tpu.memory_space<vmem>>, %arg9: memref<128x64xf32, #tpu.memory_space<vmem>>, %arg10: memref<10240x64xf32, #tpu.memory_space<vmem_shared>>, %arg11: memref<!tpu.dma_semaphore, #tpu.memory_space<semaphore_mem>>, %arg12: memref<!tpu.dma_semaphore, #tpu.memory_space<semaphore_mem>>) attributes {dimension_semantics = [#tpu.dimension_semantics<core_parallel>, #tpu.dimension_semantics<subcore_parallel>], iteration_bounds = array<i64: 2, 16>, scalar_prefetch = 0 : i64, scratch_operands = 7 : i64, tpu.core_type = #tpu.core_type<sc_vector_subcore>, window_params = [{transform_indices = #map}, {transform_indices = #map}, {transform_indices = #map}, {transform_indices = #map1}]} {
    %mul3A = arith.constant 16 : i32
    %mul3A_0 = arith.muli %arg0, %mul3A : i32
    %add3A = arith.addi %mul3A_0, %arg1 : i32
    %scan3A = arith.constant 0 : i32
    %scan3A_1 = arith.constant 0 : i32
    %scan3A_2 = arith.constant 128 : i32
    %scan3A_3 = arith.addi %scan3A_1, %scan3A_2 : i32
    %scan3A_4 = arith.constant 1 : i32
    scf.for %scan3A_75 = %scan3A_1 to %scan3A_3 step %scan3A_4  : i32 {
      %broadcast_in_dim3A = arith.constant 0.000000e+00 : f32
      %broadcast_in_dim3A_76 = vector.broadcast %broadcast_in_dim3A : f32 to vector<16xf32>
      %swap3A = arith.index_cast %scan3A_75 : i32 to index
      %swap3A_77 = arith.constant 0 : index
      %swap3A_78 = tpu.vector_load %arg8[%swap3A, %swap3A_77] {strides = array<i32>} : memref<128x64xf32, #tpu.memory_space<vmem>>, vector<16xf32>,
      tpu.vector_store %arg8[%swap3A, %swap3A_77], %broadcast_in_dim3A_76 {strides = array<i32>} : memref<128x64xf32, #tpu.memory_space<vmem>>, vector<16xf32>,
      %broadcast_in_dim3A_79 = arith.constant 0.000000e+00 : f32
      %broadcast_in_dim3A_80 = vector.broadcast %broadcast_in_dim3A_79 : f32 to vector<16xf32>
      %swap3A_81 = arith.index_cast %scan3A_75 : i32 to index
      %swap3A_82 = arith.constant 16 : index
      %swap3A_83 = tpu.vector_load %arg8[%swap3A_81, %swap3A_82] {strides = array<i32>} : memref<128x64xf32, #tpu.memory_space<vmem>>, vector<16xf32>,
      tpu.vector_store %arg8[%swap3A_81, %swap3A_82], %broadcast_in_dim3A_80 {strides = array<i32>} : memref<128x64xf32, #tpu.memory_space<vmem>>, vector<16xf32>,
      %broadcast_in_dim3A_84 = arith.constant 0.000000e+00 : f32
      %broadcast_in_dim3A_85 = vector.broadcast %broadcast_in_dim3A_84 : f32 to vector<16xf32>
      %swap3A_86 = arith.index_cast %scan3A_75 : i32 to index
      %swap3A_87 = arith.constant 32 : index
      %swap3A_88 = tpu.vector_load %arg8[%swap3A_86, %swap3A_87] {strides = array<i32>} : memref<128x64xf32, #tpu.memory_space<vmem>>, vector<16xf32>,
      tpu.vector_store %arg8[%swap3A_86, %swap3A_87], %broadcast_in_dim3A_85 {strides = array<i32>} : memref<128x64xf32, #tpu.memory_space<vmem>>, vector<16xf32>,
      %broadcast_in_dim3A_89 = arith.constant 0.000000e+00 : f32
      %broadcast_in_dim3A_90 = vector.broadcast %broadcast_in_dim3A_89 : f32 to vector<16xf32>
      %swap3A_91 = arith.index_cast %scan3A_75 : i32 to index
      %swap3A_92 = arith.constant 48 : index
      %swap3A_93 = tpu.vector_load %arg8[%swap3A_91, %swap3A_92] {strides = array<i32>} : memref<128x64xf32, #tpu.memory_space<vmem>>, vector<16xf32>,
      tpu.vector_store %arg8[%swap3A_91, %swap3A_92], %broadcast_in_dim3A_90 {strides = array<i32>} : memref<128x64xf32, #tpu.memory_space<vmem>>, vector<16xf32>,
    }
    %scan3A_5 = arith.constant 128 : i32
    %mul3A_6 = arith.constant 640 : i32
    %mul3A_7 = arith.muli %arg1, %mul3A_6 : i32
    %add3A_8 = arith.constant 0 : i32
    %add3A_9 = arith.addi %mul3A_7, %add3A_8 : i32
    "tpu.region"() ({
      %run_scoped3A = tpu.sem_alloc : memref<!tpu.dma_semaphore, #tpu.memory_space<semaphore_mem>>
      %dma_start3A_75 = arith.constant 0 : i32
      %dma_start3A_76 = tpu.memref_slice %arg10[%add3A_9, %dma_start3A_75] : memref<10240x64xf32, #tpu.memory_space<vmem_shared>> -> memref<128x64xf32, #tpu.memory_space<vmem_shared>>
      %dma_start3A_77 = arith.constant 0 : i32
      %dma_start3A_78 = tpu.memref_slice %arg10[%add3A_9, %dma_start3A_77] : memref<10240x64xf32, #tpu.memory_space<vmem_shared>> -> memref<128x64xf32, #tpu.memory_space<vmem_shared>>
      tpu.enqueue_dma source(%arg8 : memref<128x64xf32, #tpu.memory_space<vmem>>) target(%dma_start3A_78 : memref<128x64xf32, #tpu.memory_space<vmem_shared>>) target_semaphore(%run_scoped3A : memref<!tpu.dma_semaphore, #tpu.memory_space<semaphore_mem>>)
      %dma_wait3A_79 = arith.constant 0 : i32
      %dma_wait3A_80 = tpu.memref_slice %arg10[%add3A_9, %dma_wait3A_79] : memref<10240x64xf32, #tpu.memory_space<vmem_shared>> -> memref<128x64xf32, #tpu.memory_space<vmem_shared>>
      %dma_wait3A_81 = arith.constant 0 : i32
      %dma_wait3A_82 = tpu.memref_slice %arg10[%add3A_9, %dma_wait3A_81] : memref<10240x64xf32, #tpu.memory_space<vmem_shared>> -> memref<128x64xf32, #tpu.memory_space<vmem_shared>>
      tpu.wait_dma2 semaphore(%run_scoped3A : memref<!tpu.dma_semaphore, #tpu.memory_space<semaphore_mem>>) src(%arg8 : memref<128x64xf32, #tpu.memory_space<vmem>>) dst(%dma_wait3A_82 : memref<128x64xf32, #tpu.memory_space<vmem_shared>>)
      tpu.yield
    }) : () -> ()
    %mul3A_10 = arith.constant 640 : i32
    %mul3A_11 = arith.muli %arg1, %mul3A_10 : i32
    %add3A_12 = arith.constant 128 : i32
    %add3A_13 = arith.addi %mul3A_11, %add3A_12 : i32
    "tpu.region"() ({
      %run_scoped3A = tpu.sem_alloc : memref<!tpu.dma_semaphore, #tpu.memory_space<semaphore_mem>>
      %dma_start3A_75 = arith.constant 0 : i32
      %dma_start3A_76 = tpu.memref_slice %arg10[%add3A_13, %dma_start3A_75] : memref<10240x64xf32, #tpu.memory_space<vmem_shared>> -> memref<128x64xf32, #tpu.memory_space<vmem_shared>>
      %dma_start3A_77 = arith.constant 0 : i32
      %dma_start3A_78 = tpu.memref_slice %arg10[%add3A_13, %dma_start3A_77] : memref<10240x64xf32, #tpu.memory_space<vmem_shared>> -> memref<128x64xf32, #tpu.memory_space<vmem_shared>>
      tpu.enqueue_dma source(%arg8 : memref<128x64xf32, #tpu.memory_space<vmem>>) target(%dma_start3A_78 : memref<128x64xf32, #tpu.memory_space<vmem_shared>>) target_semaphore(%run_scoped3A : memref<!tpu.dma_semaphore, #tpu.memory_space<semaphore_mem>>)
      %dma_wait3A_79 = arith.constant 0 : i32
      %dma_wait3A_80 = tpu.memref_slice %arg10[%add3A_13, %dma_wait3A_79] : memref<10240x64xf32, #tpu.memory_space<vmem_shared>> -> memref<128x64xf32, #tpu.memory_space<vmem_shared>>
      %dma_wait3A_81 = arith.constant 0 : i32
      %dma_wait3A_82 = tpu.memref_slice %arg10[%add3A_13, %dma_wait3A_81] : memref<10240x64xf32, #tpu.memory_space<vmem_shared>> -> memref<128x64xf32, #tpu.memory_space<vmem_shared>>
      tpu.wait_dma2 semaphore(%run_scoped3A : memref<!tpu.dma_semaphore, #tpu.memory_space<semaphore_mem>>) src(%arg8 : memref<128x64xf32, #tpu.memory_space<vmem>>) dst(%dma_wait3A_82 : memref<128x64xf32, #tpu.memory_space<vmem_shared>>)
      tpu.yield
    }) : () -> ()
    %mul3A_14 = arith.constant 640 : i32
    %mul3A_15 = arith.muli %arg1, %mul3A_14 : i32
    %add3A_16 = arith.constant 256 : i32
    %add3A_17 = arith.addi %mul3A_15, %add3A_16 : i32
    "tpu.region"() ({
      %run_scoped3A = tpu.sem_alloc : memref<!tpu.dma_semaphore, #tpu.memory_space<semaphore_mem>>
      %dma_start3A_75 = arith.constant 0 : i32
      %dma_start3A_76 = tpu.memref_slice %arg10[%add3A_17, %dma_start3A_75] : memref<10240x64xf32, #tpu.memory_space<vmem_shared>> -> memref<128x64xf32, #tpu.memory_space<vmem_shared>>
      %dma_start3A_77 = arith.constant 0 : i32
      %dma_start3A_78 = tpu.memref_slice %arg10[%add3A_17, %dma_start3A_77] : memref<10240x64xf32, #tpu.memory_space<vmem_shared>> -> memref<128x64xf32, #tpu.memory_space<vmem_shared>>
      tpu.enqueue_dma source(%arg8 : memref<128x64xf32, #tpu.memory_space<vmem>>) target(%dma_start3A_78 : memref<128x64xf32, #tpu.memory_space<vmem_shared>>) target_semaphore(%run_scoped3A : memref<!tpu.dma_semaphore, #tpu.memory_space<semaphore_mem>>)
      %dma_wait3A_79 = arith.constant 0 : i32
      %dma_wait3A_80 = tpu.memref_slice %arg10[%add3A_17, %dma_wait3A_79] : memref<10240x64xf32, #tpu.memory_space<vmem_shared>> -> memref<128x64xf32, #tpu.memory_space<vmem_shared>>
      %dma_wait3A_81 = arith.constant 0 : i32
      %dma_wait3A_82 = tpu.memref_slice %arg10[%add3A_17, %dma_wait3A_81] : memref<10240x64xf32, #tpu.memory_space<vmem_shared>> -> memref<128x64xf32, #tpu.memory_space<vmem_shared>>
      tpu.wait_dma2 semaphore(%run_scoped3A : memref<!tpu.dma_semaphore, #tpu.memory_space<semaphore_mem>>) src(%arg8 : memref<128x64xf32, #tpu.memory_space<vmem>>) dst(%dma_wait3A_82 : memref<128x64xf32, #tpu.memory_space<vmem_shared>>)
      tpu.yield
    }) : () -> ()
    %mul3A_18 = arith.constant 640 : i32
    %mul3A_19 = arith.muli %arg1, %mul3A_18 : i32
    %add3A_20 = arith.constant 384 : i32
    %add3A_21 = arith.addi %mul3A_19, %add3A_20 : i32
    "tpu.region"() ({
      %run_scoped3A = tpu.sem_alloc : memref<!tpu.dma_semaphore, #tpu.memory_space<semaphore_mem>>
      %dma_start3A_75 = arith.constant 0 : i32
      %dma_start3A_76 = tpu.memref_slice %arg10[%add3A_21, %dma_start3A_75] : memref<10240x64xf32, #tpu.memory_space<vmem_shared>> -> memref<128x64xf32, #tpu.memory_space<vmem_shared>>
      %dma_start3A_77 = arith.constant 0 : i32
      %dma_start3A_78 = tpu.memref_slice %arg10[%add3A_21, %dma_start3A_77] : memref<10240x64xf32, #tpu.memory_space<vmem_shared>> -> memref<128x64xf32, #tpu.memory_space<vmem_shared>>
      tpu.enqueue_dma source(%arg8 : memref<128x64xf32, #tpu.memory_space<vmem>>) target(%dma_start3A_78 : memref<128x64xf32, #tpu.memory_space<vmem_shared>>) target_semaphore(%run_scoped3A : memref<!tpu.dma_semaphore, #tpu.memory_space<semaphore_mem>>)
      %dma_wait3A_79 = arith.constant 0 : i32
      %dma_wait3A_80 = tpu.memref_slice %arg10[%add3A_21, %dma_wait3A_79] : memref<10240x64xf32, #tpu.memory_space<vmem_shared>> -> memref<128x64xf32, #tpu.memory_space<vmem_shared>>
      %dma_wait3A_81 = arith.constant 0 : i32
      %dma_wait3A_82 = tpu.memref_slice %arg10[%add3A_21, %dma_wait3A_81] : memref<10240x64xf32, #tpu.memory_space<vmem_shared>> -> memref<128x64xf32, #tpu.memory_space<vmem_shared>>
      tpu.wait_dma2 semaphore(%run_scoped3A : memref<!tpu.dma_semaphore, #tpu.memory_space<semaphore_mem>>) src(%arg8 : memref<128x64xf32, #tpu.memory_space<vmem>>) dst(%dma_wait3A_82 : memref<128x64xf32, #tpu.memory_space<vmem_shared>>)
      tpu.yield
    }) : () -> ()
    %mul3A_22 = arith.constant 640 : i32
    %mul3A_23 = arith.muli %arg1, %mul3A_22 : i32
    %add3A_24 = arith.constant 512 : i32
    %add3A_25 = arith.addi %mul3A_23, %add3A_24 : i32
    "tpu.region"() ({
      %run_scoped3A = tpu.sem_alloc : memref<!tpu.dma_semaphore, #tpu.memory_space<semaphore_mem>>
      %dma_start3A_75 = arith.constant 0 : i32
      %dma_start3A_76 = tpu.memref_slice %arg10[%add3A_25, %dma_start3A_75] : memref<10240x64xf32, #tpu.memory_space<vmem_shared>> -> memref<128x64xf32, #tpu.memory_space<vmem_shared>>
      %dma_start3A_77 = arith.constant 0 : i32
      %dma_start3A_78 = tpu.memref_slice %arg10[%add3A_25, %dma_start3A_77] : memref<10240x64xf32, #tpu.memory_space<vmem_shared>> -> memref<128x64xf32, #tpu.memory_space<vmem_shared>>
      tpu.enqueue_dma source(%arg8 : memref<128x64xf32, #tpu.memory_space<vmem>>) target(%dma_start3A_78 : memref<128x64xf32, #tpu.memory_space<vmem_shared>>) target_semaphore(%run_scoped3A : memref<!tpu.dma_semaphore, #tpu.memory_space<semaphore_mem>>)
      %dma_wait3A_79 = arith.constant 0 : i32
      %dma_wait3A_80 = tpu.memref_slice %arg10[%add3A_25, %dma_wait3A_79] : memref<10240x64xf32, #tpu.memory_space<vmem_shared>> -> memref<128x64xf32, #tpu.memory_space<vmem_shared>>
      %dma_wait3A_81 = arith.constant 0 : i32
      %dma_wait3A_82 = tpu.memref_slice %arg10[%add3A_25, %dma_wait3A_81] : memref<10240x64xf32, #tpu.memory_space<vmem_shared>> -> memref<128x64xf32, #tpu.memory_space<vmem_shared>>
      tpu.wait_dma2 semaphore(%run_scoped3A : memref<!tpu.dma_semaphore, #tpu.memory_space<semaphore_mem>>) src(%arg8 : memref<128x64xf32, #tpu.memory_space<vmem>>) dst(%dma_wait3A_82 : memref<128x64xf32, #tpu.memory_space<vmem_shared>>)
      tpu.yield
    }) : () -> ()
    %barrier3A = arith.constant 0 : index
    tpu.barrier barrier_id(%barrier3A)
    %mul3A_26 = arith.constant 80 : i32
    %mul3A_27 = arith.muli %add3A, %mul3A_26 : i32
    %add3A_28 = arith.constant 0 : i32
    %add3A_29 = arith.addi %mul3A_27, %add3A_28 : i32
    "tpu.region"() ({
      %run_scoped3A = tpu.sem_alloc : memref<!tpu.dma_semaphore, #tpu.memory_space<semaphore_mem>>
      %dma_start3A_75 = arith.constant 0 : i32
      %dma_start3A_76 = tpu.memref_slice %arg3[%add3A_29, %dma_start3A_75] : memref<2560x128xi32, #tpu.memory_space<hbm>> -> memref<40x128xi32, #tpu.memory_space<hbm>>
      %dma_start3A_77 = arith.constant 0 : i32
      %dma_start3A_78 = tpu.memref_slice %arg3[%add3A_29, %dma_start3A_77] : memref<2560x128xi32, #tpu.memory_space<hbm>> -> memref<40x128xi32, #tpu.memory_space<hbm>>
      tpu.enqueue_dma source(%dma_start3A_78 : memref<40x128xi32, #tpu.memory_space<hbm>>) target(%arg6 : memref<40x128xi32, #tpu.memory_space<vmem>>) target_semaphore(%run_scoped3A : memref<!tpu.dma_semaphore, #tpu.memory_space<semaphore_mem>>)
      %dma_wait3A_79 = arith.constant 0 : i32
      %dma_wait3A_80 = tpu.memref_slice %arg3[%add3A_29, %dma_wait3A_79] : memref<2560x128xi32, #tpu.memory_space<hbm>> -> memref<40x128xi32, #tpu.memory_space<hbm>>
      %dma_wait3A_81 = arith.constant 0 : i32
      %dma_wait3A_82 = tpu.memref_slice %arg3[%add3A_29, %dma_wait3A_81] : memref<2560x128xi32, #tpu.memory_space<hbm>> -> memref<40x128xi32, #tpu.memory_space<hbm>>
      tpu.wait_dma2 semaphore(%run_scoped3A : memref<!tpu.dma_semaphore, #tpu.memory_space<semaphore_mem>>) src(%dma_wait3A_82 : memref<40x128xi32, #tpu.memory_space<hbm>>) dst(%arg6 : memref<40x128xi32, #tpu.memory_space<vmem>>)
      tpu.yield
    }) : () -> ()
    "tpu.region"() ({
      %run_scoped3A = tpu.sem_alloc : memref<!tpu.dma_semaphore, #tpu.memory_space<semaphore_mem>>
      %dma_start3A_75 = arith.constant 0 : i32
      %dma_start3A_76 = tpu.memref_slice %arg4[%add3A_29, %dma_start3A_75] : memref<2560x128xi32, #tpu.memory_space<hbm>> -> memref<40x128xi32, #tpu.memory_space<hbm>>
      %dma_start3A_77 = arith.constant 0 : i32
      %dma_start3A_78 = tpu.memref_slice %arg4[%add3A_29, %dma_start3A_77] : memref<2560x128xi32, #tpu.memory_space<hbm>> -> memref<40x128xi32, #tpu.memory_space<hbm>>
      tpu.enqueue_dma source(%dma_start3A_78 : memref<40x128xi32, #tpu.memory_space<hbm>>) target(%arg7 : memref<40x128xi32, #tpu.memory_space<vmem>>) target_semaphore(%run_scoped3A : memref<!tpu.dma_semaphore, #tpu.memory_space<semaphore_mem>>)
      %dma_wait3A_79 = arith.constant 0 : i32
      %dma_wait3A_80 = tpu.memref_slice %arg4[%add3A_29, %dma_wait3A_79] : memref<2560x128xi32, #tpu.memory_space<hbm>> -> memref<40x128xi32, #tpu.memory_space<hbm>>
      %dma_wait3A_81 = arith.constant 0 : i32
      %dma_wait3A_82 = tpu.memref_slice %arg4[%add3A_29, %dma_wait3A_81] : memref<2560x128xi32, #tpu.memory_space<hbm>> -> memref<40x128xi32, #tpu.memory_space<hbm>>
      tpu.wait_dma2 semaphore(%run_scoped3A : memref<!tpu.dma_semaphore, #tpu.memory_space<semaphore_mem>>) src(%dma_wait3A_82 : memref<40x128xi32, #tpu.memory_space<hbm>>) dst(%arg7 : memref<40x128xi32, #tpu.memory_space<vmem>>)
      tpu.yield
    }) : () -> ()
    %dma_start3A = arith.constant 0 : i32
    %dma_start3A_30 = arith.constant 0 : i32
    %dma_start3A_31 = tpu.memref_slice %arg6[%dma_start3A, %dma_start3A_30] : memref<40x128xi32, #tpu.memory_space<vmem>> -> memref<1x128xi32, #tpu.memory_space<vmem>>
    %dma_start3A_32 = tpu.memref_squeeze %dma_start3A_31 : memref<1x128xi32, #tpu.memory_space<vmem>> -> memref<128xi32, #tpu.memory_space<vmem>>
    %dma_start3A_33 = arith.constant 0 : i32
    %dma_start3A_34 = arith.constant 0 : i32
    %dma_start3A_35 = tpu.memref_slice %arg2[%dma_start3A_33, %dma_start3A_34] : memref<10240x64xf32, #tpu.memory_space<hbm>> -> memref<10240x64xf32, #tpu.memory_space<hbm>>
    tpu.enqueue_indirect_dma source(%dma_start3A_35 : memref<10240x64xf32, #tpu.memory_space<hbm>>) target(%arg8 : memref<128x64xf32, #tpu.memory_space<vmem>>) offsets(%dma_start3A_32 : memref<128xi32, #tpu.memory_space<vmem>>) semaphore(%arg11 : memref<!tpu.dma_semaphore, #tpu.memory_space<semaphore_mem>>)
    %scan3A_36 = arith.constant 0 : i32
    %scan3A_37 = arith.constant 0 : i32
    %scan3A_38 = arith.constant 20 : i32
    %scan3A_39 = arith.addi %scan3A_37, %scan3A_38 : i32
    %scan3A_40 = arith.constant 1 : i32
    scf.for %scan3A_75 = %scan3A_37 to %scan3A_39 step %scan3A_40  : i32 {
      %mul3A_76 = arith.constant 2 : i32
      %mul3A_77 = arith.muli %mul3A_76, %scan3A_75 : i32
      %dma_wait3A_78 = arith.constant 0 : i32
      %dma_wait3A_79 = arith.constant 0 : i32
      %dma_wait3A_80 = tpu.memref_slice %arg2[%dma_wait3A_78, %dma_wait3A_79] : memref<10240x64xf32, #tpu.memory_space<hbm>> -> memref<128x64xf32, #tpu.memory_space<hbm>>
      %dma_wait3A_81 = arith.constant 0 : i32
      %dma_wait3A_82 = arith.constant 0 : i32
      %dma_wait3A_83 = tpu.memref_slice %arg2[%dma_wait3A_81, %dma_wait3A_82] : memref<10240x64xf32, #tpu.memory_space<hbm>> -> memref<128x64xf32, #tpu.memory_space<hbm>>
      tpu.wait_dma2 semaphore(%arg11 : memref<!tpu.dma_semaphore, #tpu.memory_space<semaphore_mem>>) src(%dma_wait3A_83 : memref<128x64xf32, #tpu.memory_space<hbm>>) dst(%arg8 : memref<128x64xf32, #tpu.memory_space<vmem>>)
      %gt3A = arith.constant 0 : i32
      %gt3A_84 = arith.cmpi sgt, %scan3A_75, %gt3A : i32
      %convert_element_type3A = arith.extui %gt3A_84 : i1 to i32
      %cond3A = arith.constant 0 : i32
      %cond3A_85 = arith.cmpi ne, %convert_element_type3A, %cond3A : i32
      scf.if %cond3A_85 {
        %dma_wait3A_124 = arith.constant 0 : i32
        %dma_wait3A_125 = arith.constant 0 : i32
        %dma_wait3A_126 = tpu.memref_slice %arg2[%dma_wait3A_124, %dma_wait3A_125] : memref<10240x64xf32, #tpu.memory_space<hbm>> -> memref<128x64xf32, #tpu.memory_space<hbm>>
        %dma_wait3A_127 = arith.constant 0 : i32
        %dma_wait3A_128 = arith.constant 0 : i32
        %dma_wait3A_129 = tpu.memref_slice %arg2[%dma_wait3A_127, %dma_wait3A_128] : memref<10240x64xf32, #tpu.memory_space<hbm>> -> memref<128x64xf32, #tpu.memory_space<hbm>>
        tpu.wait_dma2 semaphore(%arg12 : memref<!tpu.dma_semaphore, #tpu.memory_space<semaphore_mem>>) src(%dma_wait3A_129 : memref<128x64xf32, #tpu.memory_space<hbm>>) dst(%arg9 : memref<128x64xf32, #tpu.memory_space<vmem>>)
      } else {
      }
      %add3A_86 = arith.constant 1 : i32
      %add3A_87 = arith.addi %mul3A_77, %add3A_86 : i32
      %dma_start3A_88 = arith.constant 0 : i32
      %dma_start3A_89 = tpu.memref_slice %arg6[%add3A_87, %dma_start3A_88] : memref<40x128xi32, #tpu.memory_space<vmem>> -> memref<1x128xi32, #tpu.memory_space<vmem>>
      %dma_start3A_90 = tpu.memref_squeeze %dma_start3A_89 : memref<1x128xi32, #tpu.memory_space<vmem>> -> memref<128xi32, #tpu.memory_space<vmem>>
      %dma_start3A_91 = arith.constant 0 : i32
      %dma_start3A_92 = arith.constant 0 : i32
      %dma_start3A_93 = tpu.memref_slice %arg2[%dma_start3A_91, %dma_start3A_92] : memref<10240x64xf32, #tpu.memory_space<hbm>> -> memref<10240x64xf32, #tpu.memory_space<hbm>>
      tpu.enqueue_indirect_dma source(%dma_start3A_93 : memref<10240x64xf32, #tpu.memory_space<hbm>>) target(%arg9 : memref<128x64xf32, #tpu.memory_space<vmem>>) offsets(%dma_start3A_90 : memref<128xi32, #tpu.memory_space<vmem>>) semaphore(%arg11 : memref<!tpu.dma_semaphore, #tpu.memory_space<semaphore_mem>>)
      %dma_start3A_94 = arith.constant 0 : i32
      %dma_start3A_95 = tpu.memref_slice %arg7[%mul3A_77, %dma_start3A_94] : memref<40x128xi32, #tpu.memory_space<vmem>> -> memref<1x128xi32, #tpu.memory_space<vmem>>
      %dma_start3A_96 = tpu.memref_squeeze %dma_start3A_95 : memref<1x128xi32, #tpu.memory_space<vmem>> -> memref<128xi32, #tpu.memory_space<vmem>>
      %dma_start3A_97 = arith.constant 0 : i32
      %dma_start3A_98 = arith.constant 0 : i32
      %dma_start3A_99 = tpu.memref_slice %arg10[%dma_start3A_97, %dma_start3A_98] : memref<10240x64xf32, #tpu.memory_space<vmem_shared>> -> memref<10240x64xf32, #tpu.memory_space<vmem_shared>>
      tpu.enqueue_indirect_dma source(%arg8 : memref<128x64xf32, #tpu.memory_space<vmem>>) target(%dma_start3A_99 : memref<10240x64xf32, #tpu.memory_space<vmem_shared>>) offsets(%dma_start3A_96 : memref<128xi32, #tpu.memory_space<vmem>>) semaphore(%arg12 : memref<!tpu.dma_semaphore, #tpu.memory_space<semaphore_mem>>) {add = true}
      %dma_wait3A_100 = arith.constant 0 : i32
      %dma_wait3A_101 = arith.constant 0 : i32
      %dma_wait3A_102 = tpu.memref_slice %arg2[%dma_wait3A_100, %dma_wait3A_101] : memref<10240x64xf32, #tpu.memory_space<hbm>> -> memref<128x64xf32, #tpu.memory_space<hbm>>
      %dma_wait3A_103 = arith.constant 0 : i32
      %dma_wait3A_104 = arith.constant 0 : i32
      %dma_wait3A_105 = tpu.memref_slice %arg2[%dma_wait3A_103, %dma_wait3A_104] : memref<10240x64xf32, #tpu.memory_space<hbm>> -> memref<128x64xf32, #tpu.memory_space<hbm>>
      tpu.wait_dma2 semaphore(%arg11 : memref<!tpu.dma_semaphore, #tpu.memory_space<semaphore_mem>>) src(%dma_wait3A_105 : memref<128x64xf32, #tpu.memory_space<hbm>>) dst(%arg9 : memref<128x64xf32, #tpu.memory_space<vmem>>)
      %dma_wait3A_106 = arith.constant 0 : i32
      %dma_wait3A_107 = arith.constant 0 : i32
      %dma_wait3A_108 = tpu.memref_slice %arg2[%dma_wait3A_106, %dma_wait3A_107] : memref<10240x64xf32, #tpu.memory_space<hbm>> -> memref<128x64xf32, #tpu.memory_space<hbm>>
      %dma_wait3A_109 = arith.constant 0 : i32
      %dma_wait3A_110 = arith.constant 0 : i32
      %dma_wait3A_111 = tpu.memref_slice %arg2[%dma_wait3A_109, %dma_wait3A_110] : memref<10240x64xf32, #tpu.memory_space<hbm>> -> memref<128x64xf32, #tpu.memory_space<hbm>>
      tpu.wait_dma2 semaphore(%arg12 : memref<!tpu.dma_semaphore, #tpu.memory_space<semaphore_mem>>) src(%dma_wait3A_111 : memref<128x64xf32, #tpu.memory_space<hbm>>) dst(%arg8 : memref<128x64xf32, #tpu.memory_space<vmem>>)
      %lt3A = arith.constant 19 : i32
      %lt3A_112 = arith.cmpi slt, %scan3A_75, %lt3A : i32
      %convert_element_type3A_113 = arith.extui %lt3A_112 : i1 to i32
      %cond3A_114 = arith.constant 0 : i32
      %cond3A_115 = arith.cmpi ne, %convert_element_type3A_113, %cond3A_114 : i32
      scf.if %cond3A_115 {
        %add3A_124 = arith.constant 2 : i32
        %add3A_125 = arith.addi %mul3A_77, %add3A_124 : i32
        %dma_start3A_126 = arith.constant 0 : i32
        %dma_start3A_127 = tpu.memref_slice %arg6[%add3A_125, %dma_start3A_126] : memref<40x128xi32, #tpu.memory_space<vmem>> -> memref<1x128xi32, #tpu.memory_space<vmem>>
        %dma_start3A_128 = tpu.memref_squeeze %dma_start3A_127 : memref<1x128xi32, #tpu.memory_space<vmem>> -> memref<128xi32, #tpu.memory_space<vmem>>
        %dma_start3A_129 = arith.constant 0 : i32
        %dma_start3A_130 = arith.constant 0 : i32
        %dma_start3A_131 = tpu.memref_slice %arg2[%dma_start3A_129, %dma_start3A_130] : memref<10240x64xf32, #tpu.memory_space<hbm>> -> memref<10240x64xf32, #tpu.memory_space<hbm>>
        tpu.enqueue_indirect_dma source(%dma_start3A_131 : memref<10240x64xf32, #tpu.memory_space<hbm>>) target(%arg8 : memref<128x64xf32, #tpu.memory_space<vmem>>) offsets(%dma_start3A_128 : memref<128xi32, #tpu.memory_space<vmem>>) semaphore(%arg11 : memref<!tpu.dma_semaphore, #tpu.memory_space<semaphore_mem>>)
      } else {
      }
      %add3A_116 = arith.constant 1 : i32
      %add3A_117 = arith.addi %mul3A_77, %add3A_116 : i32
      %dma_start3A_118 = arith.constant 0 : i32
      %dma_start3A_119 = tpu.memref_slice %arg7[%add3A_117, %dma_start3A_118] : memref<40x128xi32, #tpu.memory_space<vmem>> -> memref<1x128xi32, #tpu.memory_space<vmem>>
      %dma_start3A_120 = tpu.memref_squeeze %dma_start3A_119 : memref<1x128xi32, #tpu.memory_space<vmem>> -> memref<128xi32, #tpu.memory_space<vmem>>
      %dma_start3A_121 = arith.constant 0 : i32
      %dma_start3A_122 = arith.constant 0 : i32
      %dma_start3A_123 = tpu.memref_slice %arg10[%dma_start3A_121, %dma_start3A_122] : memref<10240x64xf32, #tpu.memory_space<vmem_shared>> -> memref<10240x64xf32, #tpu.memory_space<vmem_shared>>
      tpu.enqueue_indirect_dma source(%arg9 : memref<128x64xf32, #tpu.memory_space<vmem>>) target(%dma_start3A_123 : memref<10240x64xf32, #tpu.memory_space<vmem_shared>>) offsets(%dma_start3A_120 : memref<128xi32, #tpu.memory_space<vmem>>) semaphore(%arg12 : memref<!tpu.dma_semaphore, #tpu.memory_space<semaphore_mem>>) {add = true}
    }
    %scan3A_41 = arith.constant 20 : i32
    %dma_wait3A = arith.constant 0 : i32
    %dma_wait3A_42 = arith.constant 0 : i32
    %dma_wait3A_43 = tpu.memref_slice %arg2[%dma_wait3A, %dma_wait3A_42] : memref<10240x64xf32, #tpu.memory_space<hbm>> -> memref<128x64xf32, #tpu.memory_space<hbm>>
    %dma_wait3A_44 = arith.constant 0 : i32
    %dma_wait3A_45 = arith.constant 0 : i32
    %dma_wait3A_46 = tpu.memref_slice %arg2[%dma_wait3A_44, %dma_wait3A_45] : memref<10240x64xf32, #tpu.memory_space<hbm>> -> memref<128x64xf32, #tpu.memory_space<hbm>>
    tpu.wait_dma2 semaphore(%arg12 : memref<!tpu.dma_semaphore, #tpu.memory_space<semaphore_mem>>) src(%dma_wait3A_46 : memref<128x64xf32, #tpu.memory_space<hbm>>) dst(%arg9 : memref<128x64xf32, #tpu.memory_space<vmem>>)
    %mul3A_47 = arith.constant 80 : i32
    %mul3A_48 = arith.muli %add3A, %mul3A_47 : i32
    %add3A_49 = arith.constant 40 : i32
    %add3A_50 = arith.addi %mul3A_48, %add3A_49 : i32
    "tpu.region"() ({
      %run_scoped3A = tpu.sem_alloc : memref<!tpu.dma_semaphore, #tpu.memory_space<semaphore_mem>>
      %dma_start3A_75 = arith.constant 0 : i32
      %dma_start3A_76 = tpu.memref_slice %arg3[%add3A_50, %dma_start3A_75] : memref<2560x128xi32, #tpu.memory_space<hbm>> -> memref<40x128xi32, #tpu.memory_space<hbm>>
      %dma_start3A_77 = arith.constant 0 : i32
      %dma_start3A_78 = tpu.memref_slice %arg3[%add3A_50, %dma_start3A_77] : memref<2560x128xi32, #tpu.memory_space<hbm>> -> memref<40x128xi32, #tpu.memory_space<hbm>>
      tpu.enqueue_dma source(%dma_start3A_78 : memref<40x128xi32, #tpu.memory_space<hbm>>) target(%arg6 : memref<40x128xi32, #tpu.memory_space<vmem>>) target_semaphore(%run_scoped3A : memref<!tpu.dma_semaphore, #tpu.memory_space<semaphore_mem>>)
      %dma_wait3A_79 = arith.constant 0 : i32
      %dma_wait3A_80 = tpu.memref_slice %arg3[%add3A_50, %dma_wait3A_79] : memref<2560x128xi32, #tpu.memory_space<hbm>> -> memref<40x128xi32, #tpu.memory_space<hbm>>
      %dma_wait3A_81 = arith.constant 0 : i32
      %dma_wait3A_82 = tpu.memref_slice %arg3[%add3A_50, %dma_wait3A_81] : memref<2560x128xi32, #tpu.memory_space<hbm>> -> memref<40x128xi32, #tpu.memory_space<hbm>>
      tpu.wait_dma2 semaphore(%run_scoped3A : memref<!tpu.dma_semaphore, #tpu.memory_space<semaphore_mem>>) src(%dma_wait3A_82 : memref<40x128xi32, #tpu.memory_space<hbm>>) dst(%arg6 : memref<40x128xi32, #tpu.memory_space<vmem>>)
      tpu.yield
    }) : () -> ()
    "tpu.region"() ({
      %run_scoped3A = tpu.sem_alloc : memref<!tpu.dma_semaphore, #tpu.memory_space<semaphore_mem>>
      %dma_start3A_75 = arith.constant 0 : i32
      %dma_start3A_76 = tpu.memref_slice %arg4[%add3A_50, %dma_start3A_75] : memref<2560x128xi32, #tpu.memory_space<hbm>> -> memref<40x128xi32, #tpu.memory_space<hbm>>
      %dma_start3A_77 = arith.constant 0 : i32
      %dma_start3A_78 = tpu.memref_slice %arg4[%add3A_50, %dma_start3A_77] : memref<2560x128xi32, #tpu.memory_space<hbm>> -> memref<40x128xi32, #tpu.memory_space<hbm>>
      tpu.enqueue_dma source(%dma_start3A_78 : memref<40x128xi32, #tpu.memory_space<hbm>>) target(%arg7 : memref<40x128xi32, #tpu.memory_space<vmem>>) target_semaphore(%run_scoped3A : memref<!tpu.dma_semaphore, #tpu.memory_space<semaphore_mem>>)
      %dma_wait3A_79 = arith.constant 0 : i32
      %dma_wait3A_80 = tpu.memref_slice %arg4[%add3A_50, %dma_wait3A_79] : memref<2560x128xi32, #tpu.memory_space<hbm>> -> memref<40x128xi32, #tpu.memory_space<hbm>>
      %dma_wait3A_81 = arith.constant 0 : i32
      %dma_wait3A_82 = tpu.memref_slice %arg4[%add3A_50, %dma_wait3A_81] : memref<2560x128xi32, #tpu.memory_space<hbm>> -> memref<40x128xi32, #tpu.memory_space<hbm>>
      tpu.wait_dma2 semaphore(%run_scoped3A : memref<!tpu.dma_semaphore, #tpu.memory_space<semaphore_mem>>) src(%dma_wait3A_82 : memref<40x128xi32, #tpu.memory_space<hbm>>) dst(%arg7 : memref<40x128xi32, #tpu.memory_space<vmem>>)
      tpu.yield
    }) : () -> ()
    %dma_start3A_51 = arith.constant 0 : i32
    %dma_start3A_52 = arith.constant 0 : i32
    %dma_start3A_53 = tpu.memref_slice %arg6[%dma_start3A_51, %dma_start3A_52] : memref<40x128xi32, #tpu.memory_space<vmem>> -> memref<1x128xi32, #tpu.memory_space<vmem>>
    %dma_start3A_54 = tpu.memref_squeeze %dma_start3A_53 : memref<1x128xi32, #tpu.memory_space<vmem>> -> memref<128xi32, #tpu.memory_space<vmem>>
    %dma_start3A_55 = arith.constant 0 : i32
    %dma_start3A_56 = arith.constant 0 : i32
    %dma_start3A_57 = tpu.memref_slice %arg2[%dma_start3A_55, %dma_start3A_56] : memref<10240x64xf32, #tpu.memory_space<hbm>> -> memref<10240x64xf32, #tpu.memory_space<hbm>>
    tpu.enqueue_indirect_dma source(%dma_start3A_57 : memref<10240x64xf32, #tpu.memory_space<hbm>>) target(%arg8 : memref<128x64xf32, #tpu.memory_space<vmem>>) offsets(%dma_start3A_54 : memref<128xi32, #tpu.memory_space<vmem>>) semaphore(%arg11 : memref<!tpu.dma_semaphore, #tpu.memory_space<semaphore_mem>>)
    %scan3A_58 = arith.constant 0 : i32
    %scan3A_59 = arith.constant 0 : i32
    %scan3A_60 = arith.constant 20 : i32
    %scan3A_61 = arith.addi %scan3A_59, %scan3A_60 : i32
    %scan3A_62 = arith.constant 1 : i32
    scf.for %scan3A_75 = %scan3A_59 to %scan3A_61 step %scan3A_62  : i32 {
      %mul3A_76 = arith.constant 2 : i32
      %mul3A_77 = arith.muli %mul3A_76, %scan3A_75 : i32
      %dma_wait3A_78 = arith.constant 0 : i32
      %dma_wait3A_79 = arith.constant 0 : i32
      %dma_wait3A_80 = tpu.memref_slice %arg2[%dma_wait3A_78, %dma_wait3A_79] : memref<10240x64xf32, #tpu.memory_space<hbm>> -> memref<128x64xf32, #tpu.memory_space<hbm>>
      %dma_wait3A_81 = arith.constant 0 : i32
      %dma_wait3A_82 = arith.constant 0 : i32
      %dma_wait3A_83 = tpu.memref_slice %arg2[%dma_wait3A_81, %dma_wait3A_82] : memref<10240x64xf32, #tpu.memory_space<hbm>> -> memref<128x64xf32, #tpu.memory_space<hbm>>
      tpu.wait_dma2 semaphore(%arg11 : memref<!tpu.dma_semaphore, #tpu.memory_space<semaphore_mem>>) src(%dma_wait3A_83 : memref<128x64xf32, #tpu.memory_space<hbm>>) dst(%arg8 : memref<128x64xf32, #tpu.memory_space<vmem>>)
      %gt3A = arith.constant 0 : i32
      %gt3A_84 = arith.cmpi sgt, %scan3A_75, %gt3A : i32
      %convert_element_type3A = arith.extui %gt3A_84 : i1 to i32
      %cond3A = arith.constant 0 : i32
      %cond3A_85 = arith.cmpi ne, %convert_element_type3A, %cond3A : i32
      scf.if %cond3A_85 {
        %dma_wait3A_124 = arith.constant 0 : i32
        %dma_wait3A_125 = arith.constant 0 : i32
        %dma_wait3A_126 = tpu.memref_slice %arg2[%dma_wait3A_124, %dma_wait3A_125] : memref<10240x64xf32, #tpu.memory_space<hbm>> -> memref<128x64xf32, #tpu.memory_space<hbm>>
        %dma_wait3A_127 = arith.constant 0 : i32
        %dma_wait3A_128 = arith.constant 0 : i32
        %dma_wait3A_129 = tpu.memref_slice %arg2[%dma_wait3A_127, %dma_wait3A_128] : memref<10240x64xf32, #tpu.memory_space<hbm>> -> memref<128x64xf32, #tpu.memory_space<hbm>>
        tpu.wait_dma2 semaphore(%arg12 : memref<!tpu.dma_semaphore, #tpu.memory_space<semaphore_mem>>) src(%dma_wait3A_129 : memref<128x64xf32, #tpu.memory_space<hbm>>) dst(%arg9 : memref<128x64xf32, #tpu.memory_space<vmem>>)
      } else {
      }
      %add3A_86 = arith.constant 1 : i32
      %add3A_87 = arith.addi %mul3A_77, %add3A_86 : i32
      %dma_start3A_88 = arith.constant 0 : i32
      %dma_start3A_89 = tpu.memref_slice %arg6[%add3A_87, %dma_start3A_88] : memref<40x128xi32, #tpu.memory_space<vmem>> -> memref<1x128xi32, #tpu.memory_space<vmem>>
      %dma_start3A_90 = tpu.memref_squeeze %dma_start3A_89 : memref<1x128xi32, #tpu.memory_space<vmem>> -> memref<128xi32, #tpu.memory_space<vmem>>
      %dma_start3A_91 = arith.constant 0 : i32
      %dma_start3A_92 = arith.constant 0 : i32
      %dma_start3A_93 = tpu.memref_slice %arg2[%dma_start3A_91, %dma_start3A_92] : memref<10240x64xf32, #tpu.memory_space<hbm>> -> memref<10240x64xf32, #tpu.memory_space<hbm>>
      tpu.enqueue_indirect_dma source(%dma_start3A_93 : memref<10240x64xf32, #tpu.memory_space<hbm>>) target(%arg9 : memref<128x64xf32, #tpu.memory_space<vmem>>) offsets(%dma_start3A_90 : memref<128xi32, #tpu.memory_space<vmem>>) semaphore(%arg11 : memref<!tpu.dma_semaphore, #tpu.memory_space<semaphore_mem>>)
      %dma_start3A_94 = arith.constant 0 : i32
      %dma_start3A_95 = tpu.memref_slice %arg7[%mul3A_77, %dma_start3A_94] : memref<40x128xi32, #tpu.memory_space<vmem>> -> memref<1x128xi32, #tpu.memory_space<vmem>>
      %dma_start3A_96 = tpu.memref_squeeze %dma_start3A_95 : memref<1x128xi32, #tpu.memory_space<vmem>> -> memref<128xi32, #tpu.memory_space<vmem>>
      %dma_start3A_97 = arith.constant 0 : i32
      %dma_start3A_98 = arith.constant 0 : i32
      %dma_start3A_99 = tpu.memref_slice %arg10[%dma_start3A_97, %dma_start3A_98] : memref<10240x64xf32, #tpu.memory_space<vmem_shared>> -> memref<10240x64xf32, #tpu.memory_space<vmem_shared>>
      tpu.enqueue_indirect_dma source(%arg8 : memref<128x64xf32, #tpu.memory_space<vmem>>) target(%dma_start3A_99 : memref<10240x64xf32, #tpu.memory_space<vmem_shared>>) offsets(%dma_start3A_96 : memref<128xi32, #tpu.memory_space<vmem>>) semaphore(%arg12 : memref<!tpu.dma_semaphore, #tpu.memory_space<semaphore_mem>>) {add = true}
      %dma_wait3A_100 = arith.constant 0 : i32
      %dma_wait3A_101 = arith.constant 0 : i32
      %dma_wait3A_102 = tpu.memref_slice %arg2[%dma_wait3A_100, %dma_wait3A_101] : memref<10240x64xf32, #tpu.memory_space<hbm>> -> memref<128x64xf32, #tpu.memory_space<hbm>>
      %dma_wait3A_103 = arith.constant 0 : i32
      %dma_wait3A_104 = arith.constant 0 : i32
      %dma_wait3A_105 = tpu.memref_slice %arg2[%dma_wait3A_103, %dma_wait3A_104] : memref<10240x64xf32, #tpu.memory_space<hbm>> -> memref<128x64xf32, #tpu.memory_space<hbm>>
      tpu.wait_dma2 semaphore(%arg11 : memref<!tpu.dma_semaphore, #tpu.memory_space<semaphore_mem>>) src(%dma_wait3A_105 : memref<128x64xf32, #tpu.memory_space<hbm>>) dst(%arg9 : memref<128x64xf32, #tpu.memory_space<vmem>>)
      %dma_wait3A_106 = arith.constant 0 : i32
      %dma_wait3A_107 = arith.constant 0 : i32
      %dma_wait3A_108 = tpu.memref_slice %arg2[%dma_wait3A_106, %dma_wait3A_107] : memref<10240x64xf32, #tpu.memory_space<hbm>> -> memref<128x64xf32, #tpu.memory_space<hbm>>
      %dma_wait3A_109 = arith.constant 0 : i32
      %dma_wait3A_110 = arith.constant 0 : i32
      %dma_wait3A_111 = tpu.memref_slice %arg2[%dma_wait3A_109, %dma_wait3A_110] : memref<10240x64xf32, #tpu.memory_space<hbm>> -> memref<128x64xf32, #tpu.memory_space<hbm>>
      tpu.wait_dma2 semaphore(%arg12 : memref<!tpu.dma_semaphore, #tpu.memory_space<semaphore_mem>>) src(%dma_wait3A_111 : memref<128x64xf32, #tpu.memory_space<hbm>>) dst(%arg8 : memref<128x64xf32, #tpu.memory_space<vmem>>)
      %lt3A = arith.constant 19 : i32
      %lt3A_112 = arith.cmpi slt, %scan3A_75, %lt3A : i32
      %convert_element_type3A_113 = arith.extui %lt3A_112 : i1 to i32
      %cond3A_114 = arith.constant 0 : i32
      %cond3A_115 = arith.cmpi ne, %convert_element_type3A_113, %cond3A_114 : i32
      scf.if %cond3A_115 {
        %add3A_124 = arith.constant 2 : i32
        %add3A_125 = arith.addi %mul3A_77, %add3A_124 : i32
        %dma_start3A_126 = arith.constant 0 : i32
        %dma_start3A_127 = tpu.memref_slice %arg6[%add3A_125, %dma_start3A_126] : memref<40x128xi32, #tpu.memory_space<vmem>> -> memref<1x128xi32, #tpu.memory_space<vmem>>
        %dma_start3A_128 = tpu.memref_squeeze %dma_start3A_127 : memref<1x128xi32, #tpu.memory_space<vmem>> -> memref<128xi32, #tpu.memory_space<vmem>>
        %dma_start3A_129 = arith.constant 0 : i32
        %dma_start3A_130 = arith.constant 0 : i32
        %dma_start3A_131 = tpu.memref_slice %arg2[%dma_start3A_129, %dma_start3A_130] : memref<10240x64xf32, #tpu.memory_space<hbm>> -> memref<10240x64xf32, #tpu.memory_space<hbm>>
        tpu.enqueue_indirect_dma source(%dma_start3A_131 : memref<10240x64xf32, #tpu.memory_space<hbm>>) target(%arg8 : memref<128x64xf32, #tpu.memory_space<vmem>>) offsets(%dma_start3A_128 : memref<128xi32, #tpu.memory_space<vmem>>) semaphore(%arg11 : memref<!tpu.dma_semaphore, #tpu.memory_space<semaphore_mem>>)
      } else {
      }
      %add3A_116 = arith.constant 1 : i32
      %add3A_117 = arith.addi %mul3A_77, %add3A_116 : i32
      %dma_start3A_118 = arith.constant 0 : i32
      %dma_start3A_119 = tpu.memref_slice %arg7[%add3A_117, %dma_start3A_118] : memref<40x128xi32, #tpu.memory_space<vmem>> -> memref<1x128xi32, #tpu.memory_space<vmem>>
      %dma_start3A_120 = tpu.memref_squeeze %dma_start3A_119 : memref<1x128xi32, #tpu.memory_space<vmem>> -> memref<128xi32, #tpu.memory_space<vmem>>
      %dma_start3A_121 = arith.constant 0 : i32
      %dma_start3A_122 = arith.constant 0 : i32
      %dma_start3A_123 = tpu.memref_slice %arg10[%dma_start3A_121, %dma_start3A_122] : memref<10240x64xf32, #tpu.memory_space<vmem_shared>> -> memref<10240x64xf32, #tpu.memory_space<vmem_shared>>
      tpu.enqueue_indirect_dma source(%arg9 : memref<128x64xf32, #tpu.memory_space<vmem>>) target(%dma_start3A_123 : memref<10240x64xf32, #tpu.memory_space<vmem_shared>>) offsets(%dma_start3A_120 : memref<128xi32, #tpu.memory_space<vmem>>) semaphore(%arg12 : memref<!tpu.dma_semaphore, #tpu.memory_space<semaphore_mem>>) {add = true}
    }
    %scan3A_63 = arith.constant 20 : i32
    %dma_wait3A_64 = arith.constant 0 : i32
    %dma_wait3A_65 = arith.constant 0 : i32
    %dma_wait3A_66 = tpu.memref_slice %arg2[%dma_wait3A_64, %dma_wait3A_65] : memref<10240x64xf32, #tpu.memory_space<hbm>> -> memref<128x64xf32, #tpu.memory_space<hbm>>
    %dma_wait3A_67 = arith.constant 0 : i32
    %dma_wait3A_68 = arith.constant 0 : i32
    %dma_wait3A_69 = tpu.memref_slice %arg2[%dma_wait3A_67, %dma_wait3A_68] : memref<10240x64xf32, #tpu.memory_space<hbm>> -> memref<128x64xf32, #tpu.memory_space<hbm>>
    tpu.wait_dma2 semaphore(%arg12 : memref<!tpu.dma_semaphore, #tpu.memory_space<semaphore_mem>>) src(%dma_wait3A_69 : memref<128x64xf32, #tpu.memory_space<hbm>>) dst(%arg9 : memref<128x64xf32, #tpu.memory_space<vmem>>)
    %barrier3A_70 = arith.constant 0 : index
    tpu.barrier barrier_id(%barrier3A_70)
    %mul3A_71 = arith.constant 640 : i32
    %mul3A_72 = arith.muli %arg1, %mul3A_71 : i32
    %mul3A_73 = arith.constant 640 : i32
    %mul3A_74 = arith.muli %arg1, %mul3A_73 : i32
    "tpu.region"() ({
      %run_scoped3A = tpu.sem_alloc : memref<!tpu.dma_semaphore, #tpu.memory_space<semaphore_mem>>
      %dma_start3A_75 = arith.constant 0 : i32
      %dma_start3A_76 = tpu.memref_slice %arg5[%arg0, %mul3A_74, %dma_start3A_75] : memref<2x10240x64xf32, #tpu.memory_space<hbm>> -> memref<1x640x64xf32, #tpu.memory_space<hbm>>
      %dma_start3A_77 = tpu.memref_squeeze %dma_start3A_76 : memref<1x640x64xf32, #tpu.memory_space<hbm>> -> memref<640x64xf32, #tpu.memory_space<hbm>>
      %dma_start3A_78 = arith.constant 0 : i32
      %dma_start3A_79 = tpu.memref_slice %arg10[%mul3A_72, %dma_start3A_78] : memref<10240x64xf32, #tpu.memory_space<vmem_shared>> -> memref<640x64xf32, #tpu.memory_space<vmem_shared>>
      tpu.enqueue_dma source(%dma_start3A_79 : memref<640x64xf32, #tpu.memory_space<vmem_shared>>) target(%dma_start3A_77 : memref<640x64xf32, #tpu.memory_space<hbm>>) target_semaphore(%run_scoped3A : memref<!tpu.dma_semaphore, #tpu.memory_space<semaphore_mem>>)
      %dma_wait3A_80 = arith.constant 0 : i32
      %dma_wait3A_81 = tpu.memref_slice %arg5[%arg0, %mul3A_74, %dma_wait3A_80] : memref<2x10240x64xf32, #tpu.memory_space<hbm>> -> memref<1x640x64xf32, #tpu.memory_space<hbm>>
      %dma_wait3A_82 = tpu.memref_squeeze %dma_wait3A_81 : memref<1x640x64xf32, #tpu.memory_space<hbm>> -> memref<640x64xf32, #tpu.memory_space<hbm>>
      %dma_wait3A_83 = arith.constant 0 : i32
      %dma_wait3A_84 = tpu.memref_slice %arg10[%mul3A_72, %dma_wait3A_83] : memref<10240x64xf32, #tpu.memory_space<vmem_shared>> -> memref<640x64xf32, #tpu.memory_space<vmem_shared>>
      tpu.wait_dma2 semaphore(%run_scoped3A : memref<!tpu.dma_semaphore, #tpu.memory_space<semaphore_mem>>) src(%dma_wait3A_84 : memref<640x64xf32, #tpu.memory_space<vmem_shared>>) dst(%dma_wait3A_82 : memref<640x64xf32, #tpu.memory_space<hbm>>)
      tpu.yield
    }) : () -> ()
    return
  }
}

#map = affine_map<(d0, d1) -> (0, 0)>
#map1 = affine_map<(d0, d1) -> (0, 0, 0)>
module attributes {stable_mosaic.version = 14 : i64} {
  func.func @_deg_body(%arg0: i32, %arg1: i32, %arg2: memref<2560x128xi32, #tpu.memory_space<hbm>>, %arg3: memref<2x10240x64xf32, #tpu.memory_space<hbm>>, %arg4: memref<80x128xi32, #tpu.memory_space<vmem>>, %arg5: memref<10240xf32, #tpu.memory_space<vmem>>, %arg6: memref<640xf32, #tpu.memory_space<vmem>>, %arg7: memref<640xf32, #tpu.memory_space<vmem>>, %arg8: memref<640x64xf32, #tpu.memory_space<vmem>>, %arg9: memref<163840xf32, #tpu.memory_space<vmem_shared>>) attributes {dimension_semantics = [#tpu.dimension_semantics<core_parallel>, #tpu.dimension_semantics<subcore_parallel>], iteration_bounds = array<i64: 2, 16>, scalar_prefetch = 0 : i64, scratch_operands = 6 : i64, tpu.core_type = #tpu.core_type<sc_vector_subcore>, window_params = [{transform_indices = #map}, {transform_indices = #map1}]} {
    %mul3A = arith.constant 16 : i32
    %mul3A_0 = arith.muli %arg0, %mul3A : i32
    %add3A = arith.addi %mul3A_0, %arg1 : i32
    %broadcast_in_dim3A = arith.constant 1.000000e+00 : f32
    %broadcast_in_dim3A_1 = vector.broadcast %broadcast_in_dim3A : f32 to vector<16xf32>
    %mul3A_2 = arith.constant 80 : i32
    %mul3A_3 = arith.muli %add3A, %mul3A_2 : i32
    "tpu.region"() ({
      %run_scoped3A = tpu.sem_alloc : memref<!tpu.dma_semaphore, #tpu.memory_space<semaphore_mem>>
      %dma_start3A = arith.constant 0 : i32
      %dma_start3A_191 = tpu.memref_slice %arg2[%mul3A_3, %dma_start3A] : memref<2560x128xi32, #tpu.memory_space<hbm>> -> memref<80x128xi32, #tpu.memory_space<hbm>>
      %dma_start3A_192 = arith.constant 0 : i32
      %dma_start3A_193 = tpu.memref_slice %arg2[%mul3A_3, %dma_start3A_192] : memref<2560x128xi32, #tpu.memory_space<hbm>> -> memref<80x128xi32, #tpu.memory_space<hbm>>
      tpu.enqueue_dma source(%dma_start3A_193 : memref<80x128xi32, #tpu.memory_space<hbm>>) target(%arg4 : memref<80x128xi32, #tpu.memory_space<vmem>>) target_semaphore(%run_scoped3A : memref<!tpu.dma_semaphore, #tpu.memory_space<semaphore_mem>>)
      %dma_wait3A = arith.constant 0 : i32
      %dma_wait3A_194 = tpu.memref_slice %arg2[%mul3A_3, %dma_wait3A] : memref<2560x128xi32, #tpu.memory_space<hbm>> -> memref<80x128xi32, #tpu.memory_space<hbm>>
      %dma_wait3A_195 = arith.constant 0 : i32
      %dma_wait3A_196 = tpu.memref_slice %arg2[%mul3A_3, %dma_wait3A_195] : memref<2560x128xi32, #tpu.memory_space<hbm>> -> memref<80x128xi32, #tpu.memory_space<hbm>>
      tpu.wait_dma2 semaphore(%run_scoped3A : memref<!tpu.dma_semaphore, #tpu.memory_space<semaphore_mem>>) src(%dma_wait3A_196 : memref<80x128xi32, #tpu.memory_space<hbm>>) dst(%arg4 : memref<80x128xi32, #tpu.memory_space<vmem>>)
      tpu.yield
    }) : () -> ()
    %scan3A = arith.constant 0 : i32
    %scan3A_4 = arith.constant 0 : i32
    %scan3A_5 = arith.constant 640 : i32
    %scan3A_6 = arith.addi %scan3A_4, %scan3A_5 : i32
    %scan3A_7 = arith.constant 1 : i32
    scf.for %scan3A_191 = %scan3A_4 to %scan3A_6 step %scan3A_7  : i32 {
      %broadcast_in_dim3A_192 = arith.constant 0.000000e+00 : f32
      %broadcast_in_dim3A_193 = vector.broadcast %broadcast_in_dim3A_192 : f32 to vector<16xf32>
      %mul3A_194 = arith.constant 16 : i32
      %mul3A_195 = arith.muli %scan3A_191, %mul3A_194 : i32
      %swap3A = arith.index_cast %mul3A_195 : i32 to index
      %swap3A_196 = tpu.vector_load %arg5[%swap3A] {strides = array<i32>} : memref<10240xf32, #tpu.memory_space<vmem>>, vector<16xf32>,
      tpu.vector_store %arg5[%swap3A], %broadcast_in_dim3A_193 {strides = array<i32>} : memref<10240xf32, #tpu.memory_space<vmem>>, vector<16xf32>,
    }
    %scan3A_8 = arith.constant 640 : i32
    %scan3A_9 = arith.constant 0 : i32
    %scan3A_10 = arith.constant 0 : i32
    %scan3A_11 = arith.constant 80 : i32
    %scan3A_12 = arith.addi %scan3A_10, %scan3A_11 : i32
    %scan3A_13 = arith.constant 1 : i32
    scf.for %scan3A_191 = %scan3A_10 to %scan3A_12 step %scan3A_13  : i32 {
      %get3A = arith.index_cast %scan3A_191 : i32 to index
      %get3A_192 = arith.constant 0 : index
      %get3A_193 = tpu.vector_load %arg4[%get3A, %get3A_192] {strides = array<i32>} : memref<80x128xi32, #tpu.memory_space<vmem>>, vector<16xi32>,
      tpu.vector_store_idx %arg5[%get3A_193], %broadcast_in_dim3A_1 {add = true} : memref<10240xf32, #tpu.memory_space<vmem>>[vector<16xi32>], vector<16xf32>,
      %get3A_194 = arith.index_cast %scan3A_191 : i32 to index
      %get3A_195 = arith.constant 16 : index
      %get3A_196 = tpu.vector_load %arg4[%get3A_194, %get3A_195] {strides = array<i32>} : memref<80x128xi32, #tpu.memory_space<vmem>>, vector<16xi32>,
      tpu.vector_store_idx %arg5[%get3A_196], %broadcast_in_dim3A_1 {add = true} : memref<10240xf32, #tpu.memory_space<vmem>>[vector<16xi32>], vector<16xf32>,
      %get3A_197 = arith.index_cast %scan3A_191 : i32 to index
      %get3A_198 = arith.constant 32 : index
      %get3A_199 = tpu.vector_load %arg4[%get3A_197, %get3A_198] {strides = array<i32>} : memref<80x128xi32, #tpu.memory_space<vmem>>, vector<16xi32>,
      tpu.vector_store_idx %arg5[%get3A_199], %broadcast_in_dim3A_1 {add = true} : memref<10240xf32, #tpu.memory_space<vmem>>[vector<16xi32>], vector<16xf32>,
      %get3A_200 = arith.index_cast %scan3A_191 : i32 to index
      %get3A_201 = arith.constant 48 : index
      %get3A_202 = tpu.vector_load %arg4[%get3A_200, %get3A_201] {strides = array<i32>} : memref<80x128xi32, #tpu.memory_space<vmem>>, vector<16xi32>,
      tpu.vector_store_idx %arg5[%get3A_202], %broadcast_in_dim3A_1 {add = true} : memref<10240xf32, #tpu.memory_space<vmem>>[vector<16xi32>], vector<16xf32>,
      %get3A_203 = arith.index_cast %scan3A_191 : i32 to index
      %get3A_204 = arith.constant 64 : index
      %get3A_205 = tpu.vector_load %arg4[%get3A_203, %get3A_204] {strides = array<i32>} : memref<80x128xi32, #tpu.memory_space<vmem>>, vector<16xi32>,
      tpu.vector_store_idx %arg5[%get3A_205], %broadcast_in_dim3A_1 {add = true} : memref<10240xf32, #tpu.memory_space<vmem>>[vector<16xi32>], vector<16xf32>,
      %get3A_206 = arith.index_cast %scan3A_191 : i32 to index
      %get3A_207 = arith.constant 80 : index
      %get3A_208 = tpu.vector_load %arg4[%get3A_206, %get3A_207] {strides = array<i32>} : memref<80x128xi32, #tpu.memory_space<vmem>>, vector<16xi32>,
      tpu.vector_store_idx %arg5[%get3A_208], %broadcast_in_dim3A_1 {add = true} : memref<10240xf32, #tpu.memory_space<vmem>>[vector<16xi32>], vector<16xf32>,
      %get3A_209 = arith.index_cast %scan3A_191 : i32 to index
      %get3A_210 = arith.constant 96 : index
      %get3A_211 = tpu.vector_load %arg4[%get3A_209, %get3A_210] {strides = array<i32>} : memref<80x128xi32, #tpu.memory_space<vmem>>, vector<16xi32>,
      tpu.vector_store_idx %arg5[%get3A_211], %broadcast_in_dim3A_1 {add = true} : memref<10240xf32, #tpu.memory_space<vmem>>[vector<16xi32>], vector<16xf32>,
      %get3A_212 = arith.index_cast %scan3A_191 : i32 to index
      %get3A_213 = arith.constant 112 : index
      %get3A_214 = tpu.vector_load %arg4[%get3A_212, %get3A_213] {strides = array<i32>} : memref<80x128xi32, #tpu.memory_space<vmem>>, vector<16xi32>,
      tpu.vector_store_idx %arg5[%get3A_214], %broadcast_in_dim3A_1 {add = true} : memref<10240xf32, #tpu.memory_space<vmem>>[vector<16xi32>], vector<16xf32>,
    }
    %scan3A_14 = arith.constant 80 : i32
    %mul3A_15 = arith.constant 10240 : i32
    %mul3A_16 = arith.muli %arg1, %mul3A_15 : i32
    "tpu.region"() ({
      %run_scoped3A = tpu.sem_alloc : memref<!tpu.dma_semaphore, #tpu.memory_space<semaphore_mem>>
      %dma_start3A = tpu.memref_slice %arg9[%mul3A_16] : memref<163840xf32, #tpu.memory_space<vmem_shared>> -> memref<10240xf32, #tpu.memory_space<vmem_shared>>
      %dma_start3A_191 = tpu.memref_slice %arg9[%mul3A_16] : memref<163840xf32, #tpu.memory_space<vmem_shared>> -> memref<10240xf32, #tpu.memory_space<vmem_shared>>
      tpu.enqueue_dma source(%arg5 : memref<10240xf32, #tpu.memory_space<vmem>>) target(%dma_start3A_191 : memref<10240xf32, #tpu.memory_space<vmem_shared>>) target_semaphore(%run_scoped3A : memref<!tpu.dma_semaphore, #tpu.memory_space<semaphore_mem>>)
      %dma_wait3A = tpu.memref_slice %arg9[%mul3A_16] : memref<163840xf32, #tpu.memory_space<vmem_shared>> -> memref<10240xf32, #tpu.memory_space<vmem_shared>>
      %dma_wait3A_192 = tpu.memref_slice %arg9[%mul3A_16] : memref<163840xf32, #tpu.memory_space<vmem_shared>> -> memref<10240xf32, #tpu.memory_space<vmem_shared>>
      tpu.wait_dma2 semaphore(%run_scoped3A : memref<!tpu.dma_semaphore, #tpu.memory_space<semaphore_mem>>) src(%arg5 : memref<10240xf32, #tpu.memory_space<vmem>>) dst(%dma_wait3A_192 : memref<10240xf32, #tpu.memory_space<vmem_shared>>)
      tpu.yield
    }) : () -> ()
    %barrier3A = arith.constant 0 : index
    tpu.barrier barrier_id(%barrier3A)
    %scan3A_17 = arith.constant 0 : i32
    %scan3A_18 = arith.constant 0 : i32
    %scan3A_19 = arith.constant 40 : i32
    %scan3A_20 = arith.addi %scan3A_18, %scan3A_19 : i32
    %scan3A_21 = arith.constant 1 : i32
    scf.for %scan3A_191 = %scan3A_18 to %scan3A_20 step %scan3A_21  : i32 {
      %broadcast_in_dim3A_192 = arith.constant 0.000000e+00 : f32
      %broadcast_in_dim3A_193 = vector.broadcast %broadcast_in_dim3A_192 : f32 to vector<16xf32>
      %mul3A_194 = arith.constant 16 : i32
      %mul3A_195 = arith.muli %scan3A_191, %mul3A_194 : i32
      %swap3A = arith.index_cast %mul3A_195 : i32 to index
      %swap3A_196 = tpu.vector_load %arg7[%swap3A] {strides = array<i32>} : memref<640xf32, #tpu.memory_space<vmem>>, vector<16xf32>,
      tpu.vector_store %arg7[%swap3A], %broadcast_in_dim3A_193 {strides = array<i32>} : memref<640xf32, #tpu.memory_space<vmem>>, vector<16xf32>,
    }
    %scan3A_22 = arith.constant 40 : i32
    %mul3A_23 = arith.constant 640 : i32
    %mul3A_24 = arith.muli %arg1, %mul3A_23 : i32
    %add3A_25 = arith.constant 0 : i32
    %add3A_26 = arith.addi %add3A_25, %mul3A_24 : i32
    "tpu.region"() ({
      %run_scoped3A = tpu.sem_alloc : memref<!tpu.dma_semaphore, #tpu.memory_space<semaphore_mem>>
      %dma_start3A = tpu.memref_slice %arg9[%add3A_26] : memref<163840xf32, #tpu.memory_space<vmem_shared>> -> memref<640xf32, #tpu.memory_space<vmem_shared>>
      %dma_start3A_191 = tpu.memref_slice %arg9[%add3A_26] : memref<163840xf32, #tpu.memory_space<vmem_shared>> -> memref<640xf32, #tpu.memory_space<vmem_shared>>
      tpu.enqueue_dma source(%dma_start3A_191 : memref<640xf32, #tpu.memory_space<vmem_shared>>) target(%arg6 : memref<640xf32, #tpu.memory_space<vmem>>) target_semaphore(%run_scoped3A : memref<!tpu.dma_semaphore, #tpu.memory_space<semaphore_mem>>)
      %dma_wait3A = tpu.memref_slice %arg9[%add3A_26] : memref<163840xf32, #tpu.memory_space<vmem_shared>> -> memref<640xf32, #tpu.memory_space<vmem_shared>>
      %dma_wait3A_192 = tpu.memref_slice %arg9[%add3A_26] : memref<163840xf32, #tpu.memory_space<vmem_shared>> -> memref<640xf32, #tpu.memory_space<vmem_shared>>
      tpu.wait_dma2 semaphore(%run_scoped3A : memref<!tpu.dma_semaphore, #tpu.memory_space<semaphore_mem>>) src(%dma_wait3A_192 : memref<640xf32, #tpu.memory_space<vmem_shared>>) dst(%arg6 : memref<640xf32, #tpu.memory_space<vmem>>)
      tpu.yield
    }) : () -> ()
    %scan3A_27 = arith.constant 0 : i32
    %scan3A_28 = arith.constant 0 : i32
    %scan3A_29 = arith.constant 40 : i32
    %scan3A_30 = arith.addi %scan3A_28, %scan3A_29 : i32
    %scan3A_31 = arith.constant 1 : i32
    scf.for %scan3A_191 = %scan3A_28 to %scan3A_30 step %scan3A_31  : i32 {
      %mul3A_192 = arith.constant 16 : i32
      %mul3A_193 = arith.muli %scan3A_191, %mul3A_192 : i32
      %get3A = arith.index_cast %mul3A_193 : i32 to index
      %get3A_194 = tpu.vector_load %arg7[%get3A] {strides = array<i32>} : memref<640xf32, #tpu.memory_space<vmem>>, vector<16xf32>,
      %get3A_195 = arith.index_cast %mul3A_193 : i32 to index
      %get3A_196 = tpu.vector_load %arg6[%get3A_195] {strides = array<i32>} : memref<640xf32, #tpu.memory_space<vmem>>, vector<16xf32>,
      %add3A_197 = arith.addf %get3A_194, %get3A_196 : vector<16xf32>
      %swap3A = arith.index_cast %mul3A_193 : i32 to index
      %swap3A_198 = tpu.vector_load %arg7[%swap3A] {strides = array<i32>} : memref<640xf32, #tpu.memory_space<vmem>>, vector<16xf32>,
      tpu.vector_store %arg7[%swap3A], %add3A_197 {strides = array<i32>} : memref<640xf32, #tpu.memory_space<vmem>>, vector<16xf32>,
    }
    %scan3A_32 = arith.constant 40 : i32
    %mul3A_33 = arith.constant 640 : i32
    %mul3A_34 = arith.muli %arg1, %mul3A_33 : i32
    %add3A_35 = arith.constant 10240 : i32
    %add3A_36 = arith.addi %add3A_35, %mul3A_34 : i32
    "tpu.region"() ({
      %run_scoped3A = tpu.sem_alloc : memref<!tpu.dma_semaphore, #tpu.memory_space<semaphore_mem>>
      %dma_start3A = tpu.memref_slice %arg9[%add3A_36] : memref<163840xf32, #tpu.memory_space<vmem_shared>> -> memref<640xf32, #tpu.memory_space<vmem_shared>>
      %dma_start3A_191 = tpu.memref_slice %arg9[%add3A_36] : memref<163840xf32, #tpu.memory_space<vmem_shared>> -> memref<640xf32, #tpu.memory_space<vmem_shared>>
      tpu.enqueue_dma source(%dma_start3A_191 : memref<640xf32, #tpu.memory_space<vmem_shared>>) target(%arg6 : memref<640xf32, #tpu.memory_space<vmem>>) target_semaphore(%run_scoped3A : memref<!tpu.dma_semaphore, #tpu.memory_space<semaphore_mem>>)
      %dma_wait3A = tpu.memref_slice %arg9[%add3A_36] : memref<163840xf32, #tpu.memory_space<vmem_shared>> -> memref<640xf32, #tpu.memory_space<vmem_shared>>
      %dma_wait3A_192 = tpu.memref_slice %arg9[%add3A_36] : memref<163840xf32, #tpu.memory_space<vmem_shared>> -> memref<640xf32, #tpu.memory_space<vmem_shared>>
      tpu.wait_dma2 semaphore(%run_scoped3A : memref<!tpu.dma_semaphore, #tpu.memory_space<semaphore_mem>>) src(%dma_wait3A_192 : memref<640xf32, #tpu.memory_space<vmem_shared>>) dst(%arg6 : memref<640xf32, #tpu.memory_space<vmem>>)
      tpu.yield
    }) : () -> ()
    %scan3A_37 = arith.constant 0 : i32
    %scan3A_38 = arith.constant 0 : i32
    %scan3A_39 = arith.constant 40 : i32
    %scan3A_40 = arith.addi %scan3A_38, %scan3A_39 : i32
    %scan3A_41 = arith.constant 1 : i32
    scf.for %scan3A_191 = %scan3A_38 to %scan3A_40 step %scan3A_41  : i32 {
      %mul3A_192 = arith.constant 16 : i32
      %mul3A_193 = arith.muli %scan3A_191, %mul3A_192 : i32
      %get3A = arith.index_cast %mul3A_193 : i32 to index
      %get3A_194 = tpu.vector_load %arg7[%get3A] {strides = array<i32>} : memref<640xf32, #tpu.memory_space<vmem>>, vector<16xf32>,
      %get3A_195 = arith.index_cast %mul3A_193 : i32 to index
      %get3A_196 = tpu.vector_load %arg6[%get3A_195] {strides = array<i32>} : memref<640xf32, #tpu.memory_space<vmem>>, vector<16xf32>,
      %add3A_197 = arith.addf %get3A_194, %get3A_196 : vector<16xf32>
      %swap3A = arith.index_cast %mul3A_193 : i32 to index
      %swap3A_198 = tpu.vector_load %arg7[%swap3A] {strides = array<i32>} : memref<640xf32, #tpu.memory_space<vmem>>, vector<16xf32>,
      tpu.vector_store %arg7[%swap3A], %add3A_197 {strides = array<i32>} : memref<640xf32, #tpu.memory_space<vmem>>, vector<16xf32>,
    }
    %scan3A_42 = arith.constant 40 : i32
    %mul3A_43 = arith.constant 640 : i32
    %mul3A_44 = arith.muli %arg1, %mul3A_43 : i32
    %add3A_45 = arith.constant 20480 : i32
    %add3A_46 = arith.addi %add3A_45, %mul3A_44 : i32
    "tpu.region"() ({
      %run_scoped3A = tpu.sem_alloc : memref<!tpu.dma_semaphore, #tpu.memory_space<semaphore_mem>>
      %dma_start3A = tpu.memref_slice %arg9[%add3A_46] : memref<163840xf32, #tpu.memory_space<vmem_shared>> -> memref<640xf32, #tpu.memory_space<vmem_shared>>
      %dma_start3A_191 = tpu.memref_slice %arg9[%add3A_46] : memref<163840xf32, #tpu.memory_space<vmem_shared>> -> memref<640xf32, #tpu.memory_space<vmem_shared>>
      tpu.enqueue_dma source(%dma_start3A_191 : memref<640xf32, #tpu.memory_space<vmem_shared>>) target(%arg6 : memref<640xf32, #tpu.memory_space<vmem>>) target_semaphore(%run_scoped3A : memref<!tpu.dma_semaphore, #tpu.memory_space<semaphore_mem>>)
      %dma_wait3A = tpu.memref_slice %arg9[%add3A_46] : memref<163840xf32, #tpu.memory_space<vmem_shared>> -> memref<640xf32, #tpu.memory_space<vmem_shared>>
      %dma_wait3A_192 = tpu.memref_slice %arg9[%add3A_46] : memref<163840xf32, #tpu.memory_space<vmem_shared>> -> memref<640xf32, #tpu.memory_space<vmem_shared>>
      tpu.wait_dma2 semaphore(%run_scoped3A : memref<!tpu.dma_semaphore, #tpu.memory_space<semaphore_mem>>) src(%dma_wait3A_192 : memref<640xf32, #tpu.memory_space<vmem_shared>>) dst(%arg6 : memref<640xf32, #tpu.memory_space<vmem>>)
      tpu.yield
    }) : () -> ()
    %scan3A_47 = arith.constant 0 : i32
    %scan3A_48 = arith.constant 0 : i32
    %scan3A_49 = arith.constant 40 : i32
    %scan3A_50 = arith.addi %scan3A_48, %scan3A_49 : i32
    %scan3A_51 = arith.constant 1 : i32
    scf.for %scan3A_191 = %scan3A_48 to %scan3A_50 step %scan3A_51  : i32 {
      %mul3A_192 = arith.constant 16 : i32
      %mul3A_193 = arith.muli %scan3A_191, %mul3A_192 : i32
      %get3A = arith.index_cast %mul3A_193 : i32 to index
      %get3A_194 = tpu.vector_load %arg7[%get3A] {strides = array<i32>} : memref<640xf32, #tpu.memory_space<vmem>>, vector<16xf32>,
      %get3A_195 = arith.index_cast %mul3A_193 : i32 to index
      %get3A_196 = tpu.vector_load %arg6[%get3A_195] {strides = array<i32>} : memref<640xf32, #tpu.memory_space<vmem>>, vector<16xf32>,
      %add3A_197 = arith.addf %get3A_194, %get3A_196 : vector<16xf32>
      %swap3A = arith.index_cast %mul3A_193 : i32 to index
      %swap3A_198 = tpu.vector_load %arg7[%swap3A] {strides = array<i32>} : memref<640xf32, #tpu.memory_space<vmem>>, vector<16xf32>,
      tpu.vector_store %arg7[%swap3A], %add3A_197 {strides = array<i32>} : memref<640xf32, #tpu.memory_space<vmem>>, vector<16xf32>,
    }
    %scan3A_52 = arith.constant 40 : i32
    %mul3A_53 = arith.constant 640 : i32
    %mul3A_54 = arith.muli %arg1, %mul3A_53 : i32
    %add3A_55 = arith.constant 30720 : i32
    %add3A_56 = arith.addi %add3A_55, %mul3A_54 : i32
    "tpu.region"() ({
      %run_scoped3A = tpu.sem_alloc : memref<!tpu.dma_semaphore, #tpu.memory_space<semaphore_mem>>
      %dma_start3A = tpu.memref_slice %arg9[%add3A_56] : memref<163840xf32, #tpu.memory_space<vmem_shared>> -> memref<640xf32, #tpu.memory_space<vmem_shared>>
      %dma_start3A_191 = tpu.memref_slice %arg9[%add3A_56] : memref<163840xf32, #tpu.memory_space<vmem_shared>> -> memref<640xf32, #tpu.memory_space<vmem_shared>>
      tpu.enqueue_dma source(%dma_start3A_191 : memref<640xf32, #tpu.memory_space<vmem_shared>>) target(%arg6 : memref<640xf32, #tpu.memory_space<vmem>>) target_semaphore(%run_scoped3A : memref<!tpu.dma_semaphore, #tpu.memory_space<semaphore_mem>>)
      %dma_wait3A = tpu.memref_slice %arg9[%add3A_56] : memref<163840xf32, #tpu.memory_space<vmem_shared>> -> memref<640xf32, #tpu.memory_space<vmem_shared>>
      %dma_wait3A_192 = tpu.memref_slice %arg9[%add3A_56] : memref<163840xf32, #tpu.memory_space<vmem_shared>> -> memref<640xf32, #tpu.memory_space<vmem_shared>>
      tpu.wait_dma2 semaphore(%run_scoped3A : memref<!tpu.dma_semaphore, #tpu.memory_space<semaphore_mem>>) src(%dma_wait3A_192 : memref<640xf32, #tpu.memory_space<vmem_shared>>) dst(%arg6 : memref<640xf32, #tpu.memory_space<vmem>>)
      tpu.yield
    }) : () -> ()
    %scan3A_57 = arith.constant 0 : i32
    %scan3A_58 = arith.constant 0 : i32
    %scan3A_59 = arith.constant 40 : i32
    %scan3A_60 = arith.addi %scan3A_58, %scan3A_59 : i32
    %scan3A_61 = arith.constant 1 : i32
    scf.for %scan3A_191 = %scan3A_58 to %scan3A_60 step %scan3A_61  : i32 {
      %mul3A_192 = arith.constant 16 : i32
      %mul3A_193 = arith.muli %scan3A_191, %mul3A_192 : i32
      %get3A = arith.index_cast %mul3A_193 : i32 to index
      %get3A_194 = tpu.vector_load %arg7[%get3A] {strides = array<i32>} : memref<640xf32, #tpu.memory_space<vmem>>, vector<16xf32>,
      %get3A_195 = arith.index_cast %mul3A_193 : i32 to index
      %get3A_196 = tpu.vector_load %arg6[%get3A_195] {strides = array<i32>} : memref<640xf32, #tpu.memory_space<vmem>>, vector<16xf32>,
      %add3A_197 = arith.addf %get3A_194, %get3A_196 : vector<16xf32>
      %swap3A = arith.index_cast %mul3A_193 : i32 to index
      %swap3A_198 = tpu.vector_load %arg7[%swap3A] {strides = array<i32>} : memref<640xf32, #tpu.memory_space<vmem>>, vector<16xf32>,
      tpu.vector_store %arg7[%swap3A], %add3A_197 {strides = array<i32>} : memref<640xf32, #tpu.memory_space<vmem>>, vector<16xf32>,
    }
    %scan3A_62 = arith.constant 40 : i32
    %mul3A_63 = arith.constant 640 : i32
    %mul3A_64 = arith.muli %arg1, %mul3A_63 : i32
    %add3A_65 = arith.constant 40960 : i32
    %add3A_66 = arith.addi %add3A_65, %mul3A_64 : i32
    "tpu.region"() ({
      %run_scoped3A = tpu.sem_alloc : memref<!tpu.dma_semaphore, #tpu.memory_space<semaphore_mem>>
      %dma_start3A = tpu.memref_slice %arg9[%add3A_66] : memref<163840xf32, #tpu.memory_space<vmem_shared>> -> memref<640xf32, #tpu.memory_space<vmem_shared>>
      %dma_start3A_191 = tpu.memref_slice %arg9[%add3A_66] : memref<163840xf32, #tpu.memory_space<vmem_shared>> -> memref<640xf32, #tpu.memory_space<vmem_shared>>
      tpu.enqueue_dma source(%dma_start3A_191 : memref<640xf32, #tpu.memory_space<vmem_shared>>) target(%arg6 : memref<640xf32, #tpu.memory_space<vmem>>) target_semaphore(%run_scoped3A : memref<!tpu.dma_semaphore, #tpu.memory_space<semaphore_mem>>)
      %dma_wait3A = tpu.memref_slice %arg9[%add3A_66] : memref<163840xf32, #tpu.memory_space<vmem_shared>> -> memref<640xf32, #tpu.memory_space<vmem_shared>>
      %dma_wait3A_192 = tpu.memref_slice %arg9[%add3A_66] : memref<163840xf32, #tpu.memory_space<vmem_shared>> -> memref<640xf32, #tpu.memory_space<vmem_shared>>
      tpu.wait_dma2 semaphore(%run_scoped3A : memref<!tpu.dma_semaphore, #tpu.memory_space<semaphore_mem>>) src(%dma_wait3A_192 : memref<640xf32, #tpu.memory_space<vmem_shared>>) dst(%arg6 : memref<640xf32, #tpu.memory_space<vmem>>)
      tpu.yield
    }) : () -> ()
    %scan3A_67 = arith.constant 0 : i32
    %scan3A_68 = arith.constant 0 : i32
    %scan3A_69 = arith.constant 40 : i32
    %scan3A_70 = arith.addi %scan3A_68, %scan3A_69 : i32
    %scan3A_71 = arith.constant 1 : i32
    scf.for %scan3A_191 = %scan3A_68 to %scan3A_70 step %scan3A_71  : i32 {
      %mul3A_192 = arith.constant 16 : i32
      %mul3A_193 = arith.muli %scan3A_191, %mul3A_192 : i32
      %get3A = arith.index_cast %mul3A_193 : i32 to index
      %get3A_194 = tpu.vector_load %arg7[%get3A] {strides = array<i32>} : memref<640xf32, #tpu.memory_space<vmem>>, vector<16xf32>,
      %get3A_195 = arith.index_cast %mul3A_193 : i32 to index
      %get3A_196 = tpu.vector_load %arg6[%get3A_195] {strides = array<i32>} : memref<640xf32, #tpu.memory_space<vmem>>, vector<16xf32>,
      %add3A_197 = arith.addf %get3A_194, %get3A_196 : vector<16xf32>
      %swap3A = arith.index_cast %mul3A_193 : i32 to index
      %swap3A_198 = tpu.vector_load %arg7[%swap3A] {strides = array<i32>} : memref<640xf32, #tpu.memory_space<vmem>>, vector<16xf32>,
      tpu.vector_store %arg7[%swap3A], %add3A_197 {strides = array<i32>} : memref<640xf32, #tpu.memory_space<vmem>>, vector<16xf32>,
    }
    %scan3A_72 = arith.constant 40 : i32
    %mul3A_73 = arith.constant 640 : i32
    %mul3A_74 = arith.muli %arg1, %mul3A_73 : i32
    %add3A_75 = arith.constant 51200 : i32
    %add3A_76 = arith.addi %add3A_75, %mul3A_74 : i32
    "tpu.region"() ({
      %run_scoped3A = tpu.sem_alloc : memref<!tpu.dma_semaphore, #tpu.memory_space<semaphore_mem>>
      %dma_start3A = tpu.memref_slice %arg9[%add3A_76] : memref<163840xf32, #tpu.memory_space<vmem_shared>> -> memref<640xf32, #tpu.memory_space<vmem_shared>>
      %dma_start3A_191 = tpu.memref_slice %arg9[%add3A_76] : memref<163840xf32, #tpu.memory_space<vmem_shared>> -> memref<640xf32, #tpu.memory_space<vmem_shared>>
      tpu.enqueue_dma source(%dma_start3A_191 : memref<640xf32, #tpu.memory_space<vmem_shared>>) target(%arg6 : memref<640xf32, #tpu.memory_space<vmem>>) target_semaphore(%run_scoped3A : memref<!tpu.dma_semaphore, #tpu.memory_space<semaphore_mem>>)
      %dma_wait3A = tpu.memref_slice %arg9[%add3A_76] : memref<163840xf32, #tpu.memory_space<vmem_shared>> -> memref<640xf32, #tpu.memory_space<vmem_shared>>
      %dma_wait3A_192 = tpu.memref_slice %arg9[%add3A_76] : memref<163840xf32, #tpu.memory_space<vmem_shared>> -> memref<640xf32, #tpu.memory_space<vmem_shared>>
      tpu.wait_dma2 semaphore(%run_scoped3A : memref<!tpu.dma_semaphore, #tpu.memory_space<semaphore_mem>>) src(%dma_wait3A_192 : memref<640xf32, #tpu.memory_space<vmem_shared>>) dst(%arg6 : memref<640xf32, #tpu.memory_space<vmem>>)
      tpu.yield
    }) : () -> ()
    %scan3A_77 = arith.constant 0 : i32
    %scan3A_78 = arith.constant 0 : i32
    %scan3A_79 = arith.constant 40 : i32
    %scan3A_80 = arith.addi %scan3A_78, %scan3A_79 : i32
    %scan3A_81 = arith.constant 1 : i32
    scf.for %scan3A_191 = %scan3A_78 to %scan3A_80 step %scan3A_81  : i32 {
      %mul3A_192 = arith.constant 16 : i32
      %mul3A_193 = arith.muli %scan3A_191, %mul3A_192 : i32
      %get3A = arith.index_cast %mul3A_193 : i32 to index
      %get3A_194 = tpu.vector_load %arg7[%get3A] {strides = array<i32>} : memref<640xf32, #tpu.memory_space<vmem>>, vector<16xf32>,
      %get3A_195 = arith.index_cast %mul3A_193 : i32 to index
      %get3A_196 = tpu.vector_load %arg6[%get3A_195] {strides = array<i32>} : memref<640xf32, #tpu.memory_space<vmem>>, vector<16xf32>,
      %add3A_197 = arith.addf %get3A_194, %get3A_196 : vector<16xf32>
      %swap3A = arith.index_cast %mul3A_193 : i32 to index
      %swap3A_198 = tpu.vector_load %arg7[%swap3A] {strides = array<i32>} : memref<640xf32, #tpu.memory_space<vmem>>, vector<16xf32>,
      tpu.vector_store %arg7[%swap3A], %add3A_197 {strides = array<i32>} : memref<640xf32, #tpu.memory_space<vmem>>, vector<16xf32>,
    }
    %scan3A_82 = arith.constant 40 : i32
    %mul3A_83 = arith.constant 640 : i32
    %mul3A_84 = arith.muli %arg1, %mul3A_83 : i32
    %add3A_85 = arith.constant 61440 : i32
    %add3A_86 = arith.addi %add3A_85, %mul3A_84 : i32
    "tpu.region"() ({
      %run_scoped3A = tpu.sem_alloc : memref<!tpu.dma_semaphore, #tpu.memory_space<semaphore_mem>>
      %dma_start3A = tpu.memref_slice %arg9[%add3A_86] : memref<163840xf32, #tpu.memory_space<vmem_shared>> -> memref<640xf32, #tpu.memory_space<vmem_shared>>
      %dma_start3A_191 = tpu.memref_slice %arg9[%add3A_86] : memref<163840xf32, #tpu.memory_space<vmem_shared>> -> memref<640xf32, #tpu.memory_space<vmem_shared>>
      tpu.enqueue_dma source(%dma_start3A_191 : memref<640xf32, #tpu.memory_space<vmem_shared>>) target(%arg6 : memref<640xf32, #tpu.memory_space<vmem>>) target_semaphore(%run_scoped3A : memref<!tpu.dma_semaphore, #tpu.memory_space<semaphore_mem>>)
      %dma_wait3A = tpu.memref_slice %arg9[%add3A_86] : memref<163840xf32, #tpu.memory_space<vmem_shared>> -> memref<640xf32, #tpu.memory_space<vmem_shared>>
      %dma_wait3A_192 = tpu.memref_slice %arg9[%add3A_86] : memref<163840xf32, #tpu.memory_space<vmem_shared>> -> memref<640xf32, #tpu.memory_space<vmem_shared>>
      tpu.wait_dma2 semaphore(%run_scoped3A : memref<!tpu.dma_semaphore, #tpu.memory_space<semaphore_mem>>) src(%dma_wait3A_192 : memref<640xf32, #tpu.memory_space<vmem_shared>>) dst(%arg6 : memref<640xf32, #tpu.memory_space<vmem>>)
      tpu.yield
    }) : () -> ()
    %scan3A_87 = arith.constant 0 : i32
    %scan3A_88 = arith.constant 0 : i32
    %scan3A_89 = arith.constant 40 : i32
    %scan3A_90 = arith.addi %scan3A_88, %scan3A_89 : i32
    %scan3A_91 = arith.constant 1 : i32
    scf.for %scan3A_191 = %scan3A_88 to %scan3A_90 step %scan3A_91  : i32 {
      %mul3A_192 = arith.constant 16 : i32
      %mul3A_193 = arith.muli %scan3A_191, %mul3A_192 : i32
      %get3A = arith.index_cast %mul3A_193 : i32 to index
      %get3A_194 = tpu.vector_load %arg7[%get3A] {strides = array<i32>} : memref<640xf32, #tpu.memory_space<vmem>>, vector<16xf32>,
      %get3A_195 = arith.index_cast %mul3A_193 : i32 to index
      %get3A_196 = tpu.vector_load %arg6[%get3A_195] {strides = array<i32>} : memref<640xf32, #tpu.memory_space<vmem>>, vector<16xf32>,
      %add3A_197 = arith.addf %get3A_194, %get3A_196 : vector<16xf32>
      %swap3A = arith.index_cast %mul3A_193 : i32 to index
      %swap3A_198 = tpu.vector_load %arg7[%swap3A] {strides = array<i32>} : memref<640xf32, #tpu.memory_space<vmem>>, vector<16xf32>,
      tpu.vector_store %arg7[%swap3A], %add3A_197 {strides = array<i32>} : memref<640xf32, #tpu.memory_space<vmem>>, vector<16xf32>,
    }
    %scan3A_92 = arith.constant 40 : i32
    %mul3A_93 = arith.constant 640 : i32
    %mul3A_94 = arith.muli %arg1, %mul3A_93 : i32
    %add3A_95 = arith.constant 71680 : i32
    %add3A_96 = arith.addi %add3A_95, %mul3A_94 : i32
    "tpu.region"() ({
      %run_scoped3A = tpu.sem_alloc : memref<!tpu.dma_semaphore, #tpu.memory_space<semaphore_mem>>
      %dma_start3A = tpu.memref_slice %arg9[%add3A_96] : memref<163840xf32, #tpu.memory_space<vmem_shared>> -> memref<640xf32, #tpu.memory_space<vmem_shared>>
      %dma_start3A_191 = tpu.memref_slice %arg9[%add3A_96] : memref<163840xf32, #tpu.memory_space<vmem_shared>> -> memref<640xf32, #tpu.memory_space<vmem_shared>>
      tpu.enqueue_dma source(%dma_start3A_191 : memref<640xf32, #tpu.memory_space<vmem_shared>>) target(%arg6 : memref<640xf32, #tpu.memory_space<vmem>>) target_semaphore(%run_scoped3A : memref<!tpu.dma_semaphore, #tpu.memory_space<semaphore_mem>>)
      %dma_wait3A = tpu.memref_slice %arg9[%add3A_96] : memref<163840xf32, #tpu.memory_space<vmem_shared>> -> memref<640xf32, #tpu.memory_space<vmem_shared>>
      %dma_wait3A_192 = tpu.memref_slice %arg9[%add3A_96] : memref<163840xf32, #tpu.memory_space<vmem_shared>> -> memref<640xf32, #tpu.memory_space<vmem_shared>>
      tpu.wait_dma2 semaphore(%run_scoped3A : memref<!tpu.dma_semaphore, #tpu.memory_space<semaphore_mem>>) src(%dma_wait3A_192 : memref<640xf32, #tpu.memory_space<vmem_shared>>) dst(%arg6 : memref<640xf32, #tpu.memory_space<vmem>>)
      tpu.yield
    }) : () -> ()
    %scan3A_97 = arith.constant 0 : i32
    %scan3A_98 = arith.constant 0 : i32
    %scan3A_99 = arith.constant 40 : i32
    %scan3A_100 = arith.addi %scan3A_98, %scan3A_99 : i32
    %scan3A_101 = arith.constant 1 : i32
    scf.for %scan3A_191 = %scan3A_98 to %scan3A_100 step %scan3A_101  : i32 {
      %mul3A_192 = arith.constant 16 : i32
      %mul3A_193 = arith.muli %scan3A_191, %mul3A_192 : i32
      %get3A = arith.index_cast %mul3A_193 : i32 to index
      %get3A_194 = tpu.vector_load %arg7[%get3A] {strides = array<i32>} : memref<640xf32, #tpu.memory_space<vmem>>, vector<16xf32>,
      %get3A_195 = arith.index_cast %mul3A_193 : i32 to index
      %get3A_196 = tpu.vector_load %arg6[%get3A_195] {strides = array<i32>} : memref<640xf32, #tpu.memory_space<vmem>>, vector<16xf32>,
      %add3A_197 = arith.addf %get3A_194, %get3A_196 : vector<16xf32>
      %swap3A = arith.index_cast %mul3A_193 : i32 to index
      %swap3A_198 = tpu.vector_load %arg7[%swap3A] {strides = array<i32>} : memref<640xf32, #tpu.memory_space<vmem>>, vector<16xf32>,
      tpu.vector_store %arg7[%swap3A], %add3A_197 {strides = array<i32>} : memref<640xf32, #tpu.memory_space<vmem>>, vector<16xf32>,
    }
    %scan3A_102 = arith.constant 40 : i32
    %mul3A_103 = arith.constant 640 : i32
    %mul3A_104 = arith.muli %arg1, %mul3A_103 : i32
    %add3A_105 = arith.constant 81920 : i32
    %add3A_106 = arith.addi %add3A_105, %mul3A_104 : i32
    "tpu.region"() ({
      %run_scoped3A = tpu.sem_alloc : memref<!tpu.dma_semaphore, #tpu.memory_space<semaphore_mem>>
      %dma_start3A = tpu.memref_slice %arg9[%add3A_106] : memref<163840xf32, #tpu.memory_space<vmem_shared>> -> memref<640xf32, #tpu.memory_space<vmem_shared>>
      %dma_start3A_191 = tpu.memref_slice %arg9[%add3A_106] : memref<163840xf32, #tpu.memory_space<vmem_shared>> -> memref<640xf32, #tpu.memory_space<vmem_shared>>
      tpu.enqueue_dma source(%dma_start3A_191 : memref<640xf32, #tpu.memory_space<vmem_shared>>) target(%arg6 : memref<640xf32, #tpu.memory_space<vmem>>) target_semaphore(%run_scoped3A : memref<!tpu.dma_semaphore, #tpu.memory_space<semaphore_mem>>)
      %dma_wait3A = tpu.memref_slice %arg9[%add3A_106] : memref<163840xf32, #tpu.memory_space<vmem_shared>> -> memref<640xf32, #tpu.memory_space<vmem_shared>>
      %dma_wait3A_192 = tpu.memref_slice %arg9[%add3A_106] : memref<163840xf32, #tpu.memory_space<vmem_shared>> -> memref<640xf32, #tpu.memory_space<vmem_shared>>
      tpu.wait_dma2 semaphore(%run_scoped3A : memref<!tpu.dma_semaphore, #tpu.memory_space<semaphore_mem>>) src(%dma_wait3A_192 : memref<640xf32, #tpu.memory_space<vmem_shared>>) dst(%arg6 : memref<640xf32, #tpu.memory_space<vmem>>)
      tpu.yield
    }) : () -> ()
    %scan3A_107 = arith.constant 0 : i32
    %scan3A_108 = arith.constant 0 : i32
    %scan3A_109 = arith.constant 40 : i32
    %scan3A_110 = arith.addi %scan3A_108, %scan3A_109 : i32
    %scan3A_111 = arith.constant 1 : i32
    scf.for %scan3A_191 = %scan3A_108 to %scan3A_110 step %scan3A_111  : i32 {
      %mul3A_192 = arith.constant 16 : i32
      %mul3A_193 = arith.muli %scan3A_191, %mul3A_192 : i32
      %get3A = arith.index_cast %mul3A_193 : i32 to index
      %get3A_194 = tpu.vector_load %arg7[%get3A] {strides = array<i32>} : memref<640xf32, #tpu.memory_space<vmem>>, vector<16xf32>,
      %get3A_195 = arith.index_cast %mul3A_193 : i32 to index
      %get3A_196 = tpu.vector_load %arg6[%get3A_195] {strides = array<i32>} : memref<640xf32, #tpu.memory_space<vmem>>, vector<16xf32>,
      %add3A_197 = arith.addf %get3A_194, %get3A_196 : vector<16xf32>
      %swap3A = arith.index_cast %mul3A_193 : i32 to index
      %swap3A_198 = tpu.vector_load %arg7[%swap3A] {strides = array<i32>} : memref<640xf32, #tpu.memory_space<vmem>>, vector<16xf32>,
      tpu.vector_store %arg7[%swap3A], %add3A_197 {strides = array<i32>} : memref<640xf32, #tpu.memory_space<vmem>>, vector<16xf32>,
    }
    %scan3A_112 = arith.constant 40 : i32
    %mul3A_113 = arith.constant 640 : i32
    %mul3A_114 = arith.muli %arg1, %mul3A_113 : i32
    %add3A_115 = arith.constant 92160 : i32
    %add3A_116 = arith.addi %add3A_115, %mul3A_114 : i32
    "tpu.region"() ({
      %run_scoped3A = tpu.sem_alloc : memref<!tpu.dma_semaphore, #tpu.memory_space<semaphore_mem>>
      %dma_start3A = tpu.memref_slice %arg9[%add3A_116] : memref<163840xf32, #tpu.memory_space<vmem_shared>> -> memref<640xf32, #tpu.memory_space<vmem_shared>>
      %dma_start3A_191 = tpu.memref_slice %arg9[%add3A_116] : memref<163840xf32, #tpu.memory_space<vmem_shared>> -> memref<640xf32, #tpu.memory_space<vmem_shared>>
      tpu.enqueue_dma source(%dma_start3A_191 : memref<640xf32, #tpu.memory_space<vmem_shared>>) target(%arg6 : memref<640xf32, #tpu.memory_space<vmem>>) target_semaphore(%run_scoped3A : memref<!tpu.dma_semaphore, #tpu.memory_space<semaphore_mem>>)
      %dma_wait3A = tpu.memref_slice %arg9[%add3A_116] : memref<163840xf32, #tpu.memory_space<vmem_shared>> -> memref<640xf32, #tpu.memory_space<vmem_shared>>
      %dma_wait3A_192 = tpu.memref_slice %arg9[%add3A_116] : memref<163840xf32, #tpu.memory_space<vmem_shared>> -> memref<640xf32, #tpu.memory_space<vmem_shared>>
      tpu.wait_dma2 semaphore(%run_scoped3A : memref<!tpu.dma_semaphore, #tpu.memory_space<semaphore_mem>>) src(%dma_wait3A_192 : memref<640xf32, #tpu.memory_space<vmem_shared>>) dst(%arg6 : memref<640xf32, #tpu.memory_space<vmem>>)
      tpu.yield
    }) : () -> ()
    %scan3A_117 = arith.constant 0 : i32
    %scan3A_118 = arith.constant 0 : i32
    %scan3A_119 = arith.constant 40 : i32
    %scan3A_120 = arith.addi %scan3A_118, %scan3A_119 : i32
    %scan3A_121 = arith.constant 1 : i32
    scf.for %scan3A_191 = %scan3A_118 to %scan3A_120 step %scan3A_121  : i32 {
      %mul3A_192 = arith.constant 16 : i32
      %mul3A_193 = arith.muli %scan3A_191, %mul3A_192 : i32
      %get3A = arith.index_cast %mul3A_193 : i32 to index
      %get3A_194 = tpu.vector_load %arg7[%get3A] {strides = array<i32>} : memref<640xf32, #tpu.memory_space<vmem>>, vector<16xf32>,
      %get3A_195 = arith.index_cast %mul3A_193 : i32 to index
      %get3A_196 = tpu.vector_load %arg6[%get3A_195] {strides = array<i32>} : memref<640xf32, #tpu.memory_space<vmem>>, vector<16xf32>,
      %add3A_197 = arith.addf %get3A_194, %get3A_196 : vector<16xf32>
      %swap3A = arith.index_cast %mul3A_193 : i32 to index
      %swap3A_198 = tpu.vector_load %arg7[%swap3A] {strides = array<i32>} : memref<640xf32, #tpu.memory_space<vmem>>, vector<16xf32>,
      tpu.vector_store %arg7[%swap3A], %add3A_197 {strides = array<i32>} : memref<640xf32, #tpu.memory_space<vmem>>, vector<16xf32>,
    }
    %scan3A_122 = arith.constant 40 : i32
    %mul3A_123 = arith.constant 640 : i32
    %mul3A_124 = arith.muli %arg1, %mul3A_123 : i32
    %add3A_125 = arith.constant 102400 : i32
    %add3A_126 = arith.addi %add3A_125, %mul3A_124 : i32
    "tpu.region"() ({
      %run_scoped3A = tpu.sem_alloc : memref<!tpu.dma_semaphore, #tpu.memory_space<semaphore_mem>>
      %dma_start3A = tpu.memref_slice %arg9[%add3A_126] : memref<163840xf32, #tpu.memory_space<vmem_shared>> -> memref<640xf32, #tpu.memory_space<vmem_shared>>
      %dma_start3A_191 = tpu.memref_slice %arg9[%add3A_126] : memref<163840xf32, #tpu.memory_space<vmem_shared>> -> memref<640xf32, #tpu.memory_space<vmem_shared>>
      tpu.enqueue_dma source(%dma_start3A_191 : memref<640xf32, #tpu.memory_space<vmem_shared>>) target(%arg6 : memref<640xf32, #tpu.memory_space<vmem>>) target_semaphore(%run_scoped3A : memref<!tpu.dma_semaphore, #tpu.memory_space<semaphore_mem>>)
      %dma_wait3A = tpu.memref_slice %arg9[%add3A_126] : memref<163840xf32, #tpu.memory_space<vmem_shared>> -> memref<640xf32, #tpu.memory_space<vmem_shared>>
      %dma_wait3A_192 = tpu.memref_slice %arg9[%add3A_126] : memref<163840xf32, #tpu.memory_space<vmem_shared>> -> memref<640xf32, #tpu.memory_space<vmem_shared>>
      tpu.wait_dma2 semaphore(%run_scoped3A : memref<!tpu.dma_semaphore, #tpu.memory_space<semaphore_mem>>) src(%dma_wait3A_192 : memref<640xf32, #tpu.memory_space<vmem_shared>>) dst(%arg6 : memref<640xf32, #tpu.memory_space<vmem>>)
      tpu.yield
    }) : () -> ()
    %scan3A_127 = arith.constant 0 : i32
    %scan3A_128 = arith.constant 0 : i32
    %scan3A_129 = arith.constant 40 : i32
    %scan3A_130 = arith.addi %scan3A_128, %scan3A_129 : i32
    %scan3A_131 = arith.constant 1 : i32
    scf.for %scan3A_191 = %scan3A_128 to %scan3A_130 step %scan3A_131  : i32 {
      %mul3A_192 = arith.constant 16 : i32
      %mul3A_193 = arith.muli %scan3A_191, %mul3A_192 : i32
      %get3A = arith.index_cast %mul3A_193 : i32 to index
      %get3A_194 = tpu.vector_load %arg7[%get3A] {strides = array<i32>} : memref<640xf32, #tpu.memory_space<vmem>>, vector<16xf32>,
      %get3A_195 = arith.index_cast %mul3A_193 : i32 to index
      %get3A_196 = tpu.vector_load %arg6[%get3A_195] {strides = array<i32>} : memref<640xf32, #tpu.memory_space<vmem>>, vector<16xf32>,
      %add3A_197 = arith.addf %get3A_194, %get3A_196 : vector<16xf32>
      %swap3A = arith.index_cast %mul3A_193 : i32 to index
      %swap3A_198 = tpu.vector_load %arg7[%swap3A] {strides = array<i32>} : memref<640xf32, #tpu.memory_space<vmem>>, vector<16xf32>,
      tpu.vector_store %arg7[%swap3A], %add3A_197 {strides = array<i32>} : memref<640xf32, #tpu.memory_space<vmem>>, vector<16xf32>,
    }
    %scan3A_132 = arith.constant 40 : i32
    %mul3A_133 = arith.constant 640 : i32
    %mul3A_134 = arith.muli %arg1, %mul3A_133 : i32
    %add3A_135 = arith.constant 112640 : i32
    %add3A_136 = arith.addi %add3A_135, %mul3A_134 : i32
    "tpu.region"() ({
      %run_scoped3A = tpu.sem_alloc : memref<!tpu.dma_semaphore, #tpu.memory_space<semaphore_mem>>
      %dma_start3A = tpu.memref_slice %arg9[%add3A_136] : memref<163840xf32, #tpu.memory_space<vmem_shared>> -> memref<640xf32, #tpu.memory_space<vmem_shared>>
      %dma_start3A_191 = tpu.memref_slice %arg9[%add3A_136] : memref<163840xf32, #tpu.memory_space<vmem_shared>> -> memref<640xf32, #tpu.memory_space<vmem_shared>>
      tpu.enqueue_dma source(%dma_start3A_191 : memref<640xf32, #tpu.memory_space<vmem_shared>>) target(%arg6 : memref<640xf32, #tpu.memory_space<vmem>>) target_semaphore(%run_scoped3A : memref<!tpu.dma_semaphore, #tpu.memory_space<semaphore_mem>>)
      %dma_wait3A = tpu.memref_slice %arg9[%add3A_136] : memref<163840xf32, #tpu.memory_space<vmem_shared>> -> memref<640xf32, #tpu.memory_space<vmem_shared>>
      %dma_wait3A_192 = tpu.memref_slice %arg9[%add3A_136] : memref<163840xf32, #tpu.memory_space<vmem_shared>> -> memref<640xf32, #tpu.memory_space<vmem_shared>>
      tpu.wait_dma2 semaphore(%run_scoped3A : memref<!tpu.dma_semaphore, #tpu.memory_space<semaphore_mem>>) src(%dma_wait3A_192 : memref<640xf32, #tpu.memory_space<vmem_shared>>) dst(%arg6 : memref<640xf32, #tpu.memory_space<vmem>>)
      tpu.yield
    }) : () -> ()
    %scan3A_137 = arith.constant 0 : i32
    %scan3A_138 = arith.constant 0 : i32
    %scan3A_139 = arith.constant 40 : i32
    %scan3A_140 = arith.addi %scan3A_138, %scan3A_139 : i32
    %scan3A_141 = arith.constant 1 : i32
    scf.for %scan3A_191 = %scan3A_138 to %scan3A_140 step %scan3A_141  : i32 {
      %mul3A_192 = arith.constant 16 : i32
      %mul3A_193 = arith.muli %scan3A_191, %mul3A_192 : i32
      %get3A = arith.index_cast %mul3A_193 : i32 to index
      %get3A_194 = tpu.vector_load %arg7[%get3A] {strides = array<i32>} : memref<640xf32, #tpu.memory_space<vmem>>, vector<16xf32>,
      %get3A_195 = arith.index_cast %mul3A_193 : i32 to index
      %get3A_196 = tpu.vector_load %arg6[%get3A_195] {strides = array<i32>} : memref<640xf32, #tpu.memory_space<vmem>>, vector<16xf32>,
      %add3A_197 = arith.addf %get3A_194, %get3A_196 : vector<16xf32>
      %swap3A = arith.index_cast %mul3A_193 : i32 to index
      %swap3A_198 = tpu.vector_load %arg7[%swap3A] {strides = array<i32>} : memref<640xf32, #tpu.memory_space<vmem>>, vector<16xf32>,
      tpu.vector_store %arg7[%swap3A], %add3A_197 {strides = array<i32>} : memref<640xf32, #tpu.memory_space<vmem>>, vector<16xf32>,
    }
    %scan3A_142 = arith.constant 40 : i32
    %mul3A_143 = arith.constant 640 : i32
    %mul3A_144 = arith.muli %arg1, %mul3A_143 : i32
    %add3A_145 = arith.constant 122880 : i32
    %add3A_146 = arith.addi %add3A_145, %mul3A_144 : i32
    "tpu.region"() ({
      %run_scoped3A = tpu.sem_alloc : memref<!tpu.dma_semaphore, #tpu.memory_space<semaphore_mem>>
      %dma_start3A = tpu.memref_slice %arg9[%add3A_146] : memref<163840xf32, #tpu.memory_space<vmem_shared>> -> memref<640xf32, #tpu.memory_space<vmem_shared>>
      %dma_start3A_191 = tpu.memref_slice %arg9[%add3A_146] : memref<163840xf32, #tpu.memory_space<vmem_shared>> -> memref<640xf32, #tpu.memory_space<vmem_shared>>
      tpu.enqueue_dma source(%dma_start3A_191 : memref<640xf32, #tpu.memory_space<vmem_shared>>) target(%arg6 : memref<640xf32, #tpu.memory_space<vmem>>) target_semaphore(%run_scoped3A : memref<!tpu.dma_semaphore, #tpu.memory_space<semaphore_mem>>)
      %dma_wait3A = tpu.memref_slice %arg9[%add3A_146] : memref<163840xf32, #tpu.memory_space<vmem_shared>> -> memref<640xf32, #tpu.memory_space<vmem_shared>>
      %dma_wait3A_192 = tpu.memref_slice %arg9[%add3A_146] : memref<163840xf32, #tpu.memory_space<vmem_shared>> -> memref<640xf32, #tpu.memory_space<vmem_shared>>
      tpu.wait_dma2 semaphore(%run_scoped3A : memref<!tpu.dma_semaphore, #tpu.memory_space<semaphore_mem>>) src(%dma_wait3A_192 : memref<640xf32, #tpu.memory_space<vmem_shared>>) dst(%arg6 : memref<640xf32, #tpu.memory_space<vmem>>)
      tpu.yield
    }) : () -> ()
    %scan3A_147 = arith.constant 0 : i32
    %scan3A_148 = arith.constant 0 : i32
    %scan3A_149 = arith.constant 40 : i32
    %scan3A_150 = arith.addi %scan3A_148, %scan3A_149 : i32
    %scan3A_151 = arith.constant 1 : i32
    scf.for %scan3A_191 = %scan3A_148 to %scan3A_150 step %scan3A_151  : i32 {
      %mul3A_192 = arith.constant 16 : i32
      %mul3A_193 = arith.muli %scan3A_191, %mul3A_192 : i32
      %get3A = arith.index_cast %mul3A_193 : i32 to index
      %get3A_194 = tpu.vector_load %arg7[%get3A] {strides = array<i32>} : memref<640xf32, #tpu.memory_space<vmem>>, vector<16xf32>,
      %get3A_195 = arith.index_cast %mul3A_193 : i32 to index
      %get3A_196 = tpu.vector_load %arg6[%get3A_195] {strides = array<i32>} : memref<640xf32, #tpu.memory_space<vmem>>, vector<16xf32>,
      %add3A_197 = arith.addf %get3A_194, %get3A_196 : vector<16xf32>
      %swap3A = arith.index_cast %mul3A_193 : i32 to index
      %swap3A_198 = tpu.vector_load %arg7[%swap3A] {strides = array<i32>} : memref<640xf32, #tpu.memory_space<vmem>>, vector<16xf32>,
      tpu.vector_store %arg7[%swap3A], %add3A_197 {strides = array<i32>} : memref<640xf32, #tpu.memory_space<vmem>>, vector<16xf32>,
    }
    %scan3A_152 = arith.constant 40 : i32
    %mul3A_153 = arith.constant 640 : i32
    %mul3A_154 = arith.muli %arg1, %mul3A_153 : i32
    %add3A_155 = arith.constant 133120 : i32
    %add3A_156 = arith.addi %add3A_155, %mul3A_154 : i32
    "tpu.region"() ({
      %run_scoped3A = tpu.sem_alloc : memref<!tpu.dma_semaphore, #tpu.memory_space<semaphore_mem>>
      %dma_start3A = tpu.memref_slice %arg9[%add3A_156] : memref<163840xf32, #tpu.memory_space<vmem_shared>> -> memref<640xf32, #tpu.memory_space<vmem_shared>>
      %dma_start3A_191 = tpu.memref_slice %arg9[%add3A_156] : memref<163840xf32, #tpu.memory_space<vmem_shared>> -> memref<640xf32, #tpu.memory_space<vmem_shared>>
      tpu.enqueue_dma source(%dma_start3A_191 : memref<640xf32, #tpu.memory_space<vmem_shared>>) target(%arg6 : memref<640xf32, #tpu.memory_space<vmem>>) target_semaphore(%run_scoped3A : memref<!tpu.dma_semaphore, #tpu.memory_space<semaphore_mem>>)
      %dma_wait3A = tpu.memref_slice %arg9[%add3A_156] : memref<163840xf32, #tpu.memory_space<vmem_shared>> -> memref<640xf32, #tpu.memory_space<vmem_shared>>
      %dma_wait3A_192 = tpu.memref_slice %arg9[%add3A_156] : memref<163840xf32, #tpu.memory_space<vmem_shared>> -> memref<640xf32, #tpu.memory_space<vmem_shared>>
      tpu.wait_dma2 semaphore(%run_scoped3A : memref<!tpu.dma_semaphore, #tpu.memory_space<semaphore_mem>>) src(%dma_wait3A_192 : memref<640xf32, #tpu.memory_space<vmem_shared>>) dst(%arg6 : memref<640xf32, #tpu.memory_space<vmem>>)
      tpu.yield
    }) : () -> ()
    %scan3A_157 = arith.constant 0 : i32
    %scan3A_158 = arith.constant 0 : i32
    %scan3A_159 = arith.constant 40 : i32
    %scan3A_160 = arith.addi %scan3A_158, %scan3A_159 : i32
    %scan3A_161 = arith.constant 1 : i32
    scf.for %scan3A_191 = %scan3A_158 to %scan3A_160 step %scan3A_161  : i32 {
      %mul3A_192 = arith.constant 16 : i32
      %mul3A_193 = arith.muli %scan3A_191, %mul3A_192 : i32
      %get3A = arith.index_cast %mul3A_193 : i32 to index
      %get3A_194 = tpu.vector_load %arg7[%get3A] {strides = array<i32>} : memref<640xf32, #tpu.memory_space<vmem>>, vector<16xf32>,
      %get3A_195 = arith.index_cast %mul3A_193 : i32 to index
      %get3A_196 = tpu.vector_load %arg6[%get3A_195] {strides = array<i32>} : memref<640xf32, #tpu.memory_space<vmem>>, vector<16xf32>,
      %add3A_197 = arith.addf %get3A_194, %get3A_196 : vector<16xf32>
      %swap3A = arith.index_cast %mul3A_193 : i32 to index
      %swap3A_198 = tpu.vector_load %arg7[%swap3A] {strides = array<i32>} : memref<640xf32, #tpu.memory_space<vmem>>, vector<16xf32>,
      tpu.vector_store %arg7[%swap3A], %add3A_197 {strides = array<i32>} : memref<640xf32, #tpu.memory_space<vmem>>, vector<16xf32>,
    }
    %scan3A_162 = arith.constant 40 : i32
    %mul3A_163 = arith.constant 640 : i32
    %mul3A_164 = arith.muli %arg1, %mul3A_163 : i32
    %add3A_165 = arith.constant 143360 : i32
    %add3A_166 = arith.addi %add3A_165, %mul3A_164 : i32
    "tpu.region"() ({
      %run_scoped3A = tpu.sem_alloc : memref<!tpu.dma_semaphore, #tpu.memory_space<semaphore_mem>>
      %dma_start3A = tpu.memref_slice %arg9[%add3A_166] : memref<163840xf32, #tpu.memory_space<vmem_shared>> -> memref<640xf32, #tpu.memory_space<vmem_shared>>
      %dma_start3A_191 = tpu.memref_slice %arg9[%add3A_166] : memref<163840xf32, #tpu.memory_space<vmem_shared>> -> memref<640xf32, #tpu.memory_space<vmem_shared>>
      tpu.enqueue_dma source(%dma_start3A_191 : memref<640xf32, #tpu.memory_space<vmem_shared>>) target(%arg6 : memref<640xf32, #tpu.memory_space<vmem>>) target_semaphore(%run_scoped3A : memref<!tpu.dma_semaphore, #tpu.memory_space<semaphore_mem>>)
      %dma_wait3A = tpu.memref_slice %arg9[%add3A_166] : memref<163840xf32, #tpu.memory_space<vmem_shared>> -> memref<640xf32, #tpu.memory_space<vmem_shared>>
      %dma_wait3A_192 = tpu.memref_slice %arg9[%add3A_166] : memref<163840xf32, #tpu.memory_space<vmem_shared>> -> memref<640xf32, #tpu.memory_space<vmem_shared>>
      tpu.wait_dma2 semaphore(%run_scoped3A : memref<!tpu.dma_semaphore, #tpu.memory_space<semaphore_mem>>) src(%dma_wait3A_192 : memref<640xf32, #tpu.memory_space<vmem_shared>>) dst(%arg6 : memref<640xf32, #tpu.memory_space<vmem>>)
      tpu.yield
    }) : () -> ()
    %scan3A_167 = arith.constant 0 : i32
    %scan3A_168 = arith.constant 0 : i32
    %scan3A_169 = arith.constant 40 : i32
    %scan3A_170 = arith.addi %scan3A_168, %scan3A_169 : i32
    %scan3A_171 = arith.constant 1 : i32
    scf.for %scan3A_191 = %scan3A_168 to %scan3A_170 step %scan3A_171  : i32 {
      %mul3A_192 = arith.constant 16 : i32
      %mul3A_193 = arith.muli %scan3A_191, %mul3A_192 : i32
      %get3A = arith.index_cast %mul3A_193 : i32 to index
      %get3A_194 = tpu.vector_load %arg7[%get3A] {strides = array<i32>} : memref<640xf32, #tpu.memory_space<vmem>>, vector<16xf32>,
      %get3A_195 = arith.index_cast %mul3A_193 : i32 to index
      %get3A_196 = tpu.vector_load %arg6[%get3A_195] {strides = array<i32>} : memref<640xf32, #tpu.memory_space<vmem>>, vector<16xf32>,
      %add3A_197 = arith.addf %get3A_194, %get3A_196 : vector<16xf32>
      %swap3A = arith.index_cast %mul3A_193 : i32 to index
      %swap3A_198 = tpu.vector_load %arg7[%swap3A] {strides = array<i32>} : memref<640xf32, #tpu.memory_space<vmem>>, vector<16xf32>,
      tpu.vector_store %arg7[%swap3A], %add3A_197 {strides = array<i32>} : memref<640xf32, #tpu.memory_space<vmem>>, vector<16xf32>,
    }
    %scan3A_172 = arith.constant 40 : i32
    %mul3A_173 = arith.constant 640 : i32
    %mul3A_174 = arith.muli %arg1, %mul3A_173 : i32
    %add3A_175 = arith.constant 153600 : i32
    %add3A_176 = arith.addi %add3A_175, %mul3A_174 : i32
    "tpu.region"() ({
      %run_scoped3A = tpu.sem_alloc : memref<!tpu.dma_semaphore, #tpu.memory_space<semaphore_mem>>
      %dma_start3A = tpu.memref_slice %arg9[%add3A_176] : memref<163840xf32, #tpu.memory_space<vmem_shared>> -> memref<640xf32, #tpu.memory_space<vmem_shared>>
      %dma_start3A_191 = tpu.memref_slice %arg9[%add3A_176] : memref<163840xf32, #tpu.memory_space<vmem_shared>> -> memref<640xf32, #tpu.memory_space<vmem_shared>>
      tpu.enqueue_dma source(%dma_start3A_191 : memref<640xf32, #tpu.memory_space<vmem_shared>>) target(%arg6 : memref<640xf32, #tpu.memory_space<vmem>>) target_semaphore(%run_scoped3A : memref<!tpu.dma_semaphore, #tpu.memory_space<semaphore_mem>>)
      %dma_wait3A = tpu.memref_slice %arg9[%add3A_176] : memref<163840xf32, #tpu.memory_space<vmem_shared>> -> memref<640xf32, #tpu.memory_space<vmem_shared>>
      %dma_wait3A_192 = tpu.memref_slice %arg9[%add3A_176] : memref<163840xf32, #tpu.memory_space<vmem_shared>> -> memref<640xf32, #tpu.memory_space<vmem_shared>>
      tpu.wait_dma2 semaphore(%run_scoped3A : memref<!tpu.dma_semaphore, #tpu.memory_space<semaphore_mem>>) src(%dma_wait3A_192 : memref<640xf32, #tpu.memory_space<vmem_shared>>) dst(%arg6 : memref<640xf32, #tpu.memory_space<vmem>>)
      tpu.yield
    }) : () -> ()
    %scan3A_177 = arith.constant 0 : i32
    %scan3A_178 = arith.constant 0 : i32
    %scan3A_179 = arith.constant 40 : i32
    %scan3A_180 = arith.addi %scan3A_178, %scan3A_179 : i32
    %scan3A_181 = arith.constant 1 : i32
    scf.for %scan3A_191 = %scan3A_178 to %scan3A_180 step %scan3A_181  : i32 {
      %mul3A_192 = arith.constant 16 : i32
      %mul3A_193 = arith.muli %scan3A_191, %mul3A_192 : i32
      %get3A = arith.index_cast %mul3A_193 : i32 to index
      %get3A_194 = tpu.vector_load %arg7[%get3A] {strides = array<i32>} : memref<640xf32, #tpu.memory_space<vmem>>, vector<16xf32>,
      %get3A_195 = arith.index_cast %mul3A_193 : i32 to index
      %get3A_196 = tpu.vector_load %arg6[%get3A_195] {strides = array<i32>} : memref<640xf32, #tpu.memory_space<vmem>>, vector<16xf32>,
      %add3A_197 = arith.addf %get3A_194, %get3A_196 : vector<16xf32>
      %swap3A = arith.index_cast %mul3A_193 : i32 to index
      %swap3A_198 = tpu.vector_load %arg7[%swap3A] {strides = array<i32>} : memref<640xf32, #tpu.memory_space<vmem>>, vector<16xf32>,
      tpu.vector_store %arg7[%swap3A], %add3A_197 {strides = array<i32>} : memref<640xf32, #tpu.memory_space<vmem>>, vector<16xf32>,
    }
    %scan3A_182 = arith.constant 40 : i32
    %scan3A_183 = arith.constant 0 : i32
    %scan3A_184 = arith.constant 0 : i32
    %scan3A_185 = arith.constant 40 : i32
    %scan3A_186 = arith.addi %scan3A_184, %scan3A_185 : i32
    %scan3A_187 = arith.constant 1 : i32
    scf.for %scan3A_191 = %scan3A_184 to %scan3A_186 step %scan3A_187  : i32 {
      %mul3A_192 = arith.constant 16 : i32
      %mul3A_193 = arith.muli %scan3A_191, %mul3A_192 : i32
      %get3A = arith.index_cast %mul3A_193 : i32 to index
      %get3A_194 = tpu.vector_load %arg7[%get3A] {strides = array<i32>} : memref<640xf32, #tpu.memory_space<vmem>>, vector<16xf32>,
      %slice3A = vector.extract_strided_slice %get3A_194 {offsets = [0], sizes = [1], strides = [1]} : vector<16xf32> to vector<1xf32>
      %squeeze3A = vector.extract %slice3A[0] : f32 from vector<1xf32>
      %broadcast_in_dim3A_195 = vector.broadcast %squeeze3A : f32 to vector<16xf32>
      %mul3A_196 = arith.constant 16 : i32
      %mul3A_197 = arith.muli %scan3A_191, %mul3A_196 : i32
      %add3A_198 = arith.constant 0 : i32
      %add3A_199 = arith.addi %mul3A_197, %add3A_198 : i32
      %swap3A = arith.index_cast %add3A_199 : i32 to index
      %swap3A_200 = arith.constant 0 : index
      %swap3A_201 = tpu.vector_load %arg8[%swap3A, %swap3A_200] {strides = array<i32>} : memref<640x64xf32, #tpu.memory_space<vmem>>, vector<16xf32>,
      tpu.vector_store %arg8[%swap3A, %swap3A_200], %broadcast_in_dim3A_195 {strides = array<i32>} : memref<640x64xf32, #tpu.memory_space<vmem>>, vector<16xf32>,
      %mul3A_202 = arith.constant 16 : i32
      %mul3A_203 = arith.muli %scan3A_191, %mul3A_202 : i32
      %add3A_204 = arith.constant 0 : i32
      %add3A_205 = arith.addi %mul3A_203, %add3A_204 : i32
      %swap3A_206 = arith.index_cast %add3A_205 : i32 to index
      %swap3A_207 = arith.constant 16 : index
      %swap3A_208 = tpu.vector_load %arg8[%swap3A_206, %swap3A_207] {strides = array<i32>} : memref<640x64xf32, #tpu.memory_space<vmem>>, vector<16xf32>,
      tpu.vector_store %arg8[%swap3A_206, %swap3A_207], %broadcast_in_dim3A_195 {strides = array<i32>} : memref<640x64xf32, #tpu.memory_space<vmem>>, vector<16xf32>,
      %mul3A_209 = arith.constant 16 : i32
      %mul3A_210 = arith.muli %scan3A_191, %mul3A_209 : i32
      %add3A_211 = arith.constant 0 : i32
      %add3A_212 = arith.addi %mul3A_210, %add3A_211 : i32
      %swap3A_213 = arith.index_cast %add3A_212 : i32 to index
      %swap3A_214 = arith.constant 32 : index
      %swap3A_215 = tpu.vector_load %arg8[%swap3A_213, %swap3A_214] {strides = array<i32>} : memref<640x64xf32, #tpu.memory_space<vmem>>, vector<16xf32>,
      tpu.vector_store %arg8[%swap3A_213, %swap3A_214], %broadcast_in_dim3A_195 {strides = array<i32>} : memref<640x64xf32, #tpu.memory_space<vmem>>, vector<16xf32>,
      %mul3A_216 = arith.constant 16 : i32
      %mul3A_217 = arith.muli %scan3A_191, %mul3A_216 : i32
      %add3A_218 = arith.constant 0 : i32
      %add3A_219 = arith.addi %mul3A_217, %add3A_218 : i32
      %swap3A_220 = arith.index_cast %add3A_219 : i32 to index
      %swap3A_221 = arith.constant 48 : index
      %swap3A_222 = tpu.vector_load %arg8[%swap3A_220, %swap3A_221] {strides = array<i32>} : memref<640x64xf32, #tpu.memory_space<vmem>>, vector<16xf32>,
      tpu.vector_store %arg8[%swap3A_220, %swap3A_221], %broadcast_in_dim3A_195 {strides = array<i32>} : memref<640x64xf32, #tpu.memory_space<vmem>>, vector<16xf32>,
      %slice3A_223 = vector.extract_strided_slice %get3A_194 {offsets = [1], sizes = [1], strides = [1]} : vector<16xf32> to vector<1xf32>
      %squeeze3A_224 = vector.extract %slice3A_223[0] : f32 from vector<1xf32>
      %broadcast_in_dim3A_225 = vector.broadcast %squeeze3A_224 : f32 to vector<16xf32>
      %mul3A_226 = arith.constant 16 : i32
      %mul3A_227 = arith.muli %scan3A_191, %mul3A_226 : i32
      %add3A_228 = arith.constant 1 : i32
      %add3A_229 = arith.addi %mul3A_227, %add3A_228 : i32
      %swap3A_230 = arith.index_cast %add3A_229 : i32 to index
      %swap3A_231 = arith.constant 0 : index
      %swap3A_232 = tpu.vector_load %arg8[%swap3A_230, %swap3A_231] {strides = array<i32>} : memref<640x64xf32, #tpu.memory_space<vmem>>, vector<16xf32>,
      tpu.vector_store %arg8[%swap3A_230, %swap3A_231], %broadcast_in_dim3A_225 {strides = array<i32>} : memref<640x64xf32, #tpu.memory_space<vmem>>, vector<16xf32>,
      %mul3A_233 = arith.constant 16 : i32
      %mul3A_234 = arith.muli %scan3A_191, %mul3A_233 : i32
      %add3A_235 = arith.constant 1 : i32
      %add3A_236 = arith.addi %mul3A_234, %add3A_235 : i32
      %swap3A_237 = arith.index_cast %add3A_236 : i32 to index
      %swap3A_238 = arith.constant 16 : index
      %swap3A_239 = tpu.vector_load %arg8[%swap3A_237, %swap3A_238] {strides = array<i32>} : memref<640x64xf32, #tpu.memory_space<vmem>>, vector<16xf32>,
      tpu.vector_store %arg8[%swap3A_237, %swap3A_238], %broadcast_in_dim3A_225 {strides = array<i32>} : memref<640x64xf32, #tpu.memory_space<vmem>>, vector<16xf32>,
      %mul3A_240 = arith.constant 16 : i32
      %mul3A_241 = arith.muli %scan3A_191, %mul3A_240 : i32
      %add3A_242 = arith.constant 1 : i32
      %add3A_243 = arith.addi %mul3A_241, %add3A_242 : i32
      %swap3A_244 = arith.index_cast %add3A_243 : i32 to index
      %swap3A_245 = arith.constant 32 : index
      %swap3A_246 = tpu.vector_load %arg8[%swap3A_244, %swap3A_245] {strides = array<i32>} : memref<640x64xf32, #tpu.memory_space<vmem>>, vector<16xf32>,
      tpu.vector_store %arg8[%swap3A_244, %swap3A_245], %broadcast_in_dim3A_225 {strides = array<i32>} : memref<640x64xf32, #tpu.memory_space<vmem>>, vector<16xf32>,
      %mul3A_247 = arith.constant 16 : i32
      %mul3A_248 = arith.muli %scan3A_191, %mul3A_247 : i32
      %add3A_249 = arith.constant 1 : i32
      %add3A_250 = arith.addi %mul3A_248, %add3A_249 : i32
      %swap3A_251 = arith.index_cast %add3A_250 : i32 to index
      %swap3A_252 = arith.constant 48 : index
      %swap3A_253 = tpu.vector_load %arg8[%swap3A_251, %swap3A_252] {strides = array<i32>} : memref<640x64xf32, #tpu.memory_space<vmem>>, vector<16xf32>,
      tpu.vector_store %arg8[%swap3A_251, %swap3A_252], %broadcast_in_dim3A_225 {strides = array<i32>} : memref<640x64xf32, #tpu.memory_space<vmem>>, vector<16xf32>,
      %slice3A_254 = vector.extract_strided_slice %get3A_194 {offsets = [2], sizes = [1], strides = [1]} : vector<16xf32> to vector<1xf32>
      %squeeze3A_255 = vector.extract %slice3A_254[0] : f32 from vector<1xf32>
      %broadcast_in_dim3A_256 = vector.broadcast %squeeze3A_255 : f32 to vector<16xf32>
      %mul3A_257 = arith.constant 16 : i32
      %mul3A_258 = arith.muli %scan3A_191, %mul3A_257 : i32
      %add3A_259 = arith.constant 2 : i32
      %add3A_260 = arith.addi %mul3A_258, %add3A_259 : i32
      %swap3A_261 = arith.index_cast %add3A_260 : i32 to index
      %swap3A_262 = arith.constant 0 : index
      %swap3A_263 = tpu.vector_load %arg8[%swap3A_261, %swap3A_262] {strides = array<i32>} : memref<640x64xf32, #tpu.memory_space<vmem>>, vector<16xf32>,
      tpu.vector_store %arg8[%swap3A_261, %swap3A_262], %broadcast_in_dim3A_256 {strides = array<i32>} : memref<640x64xf32, #tpu.memory_space<vmem>>, vector<16xf32>,
      %mul3A_264 = arith.constant 16 : i32
      %mul3A_265 = arith.muli %scan3A_191, %mul3A_264 : i32
      %add3A_266 = arith.constant 2 : i32
      %add3A_267 = arith.addi %mul3A_265, %add3A_266 : i32
      %swap3A_268 = arith.index_cast %add3A_267 : i32 to index
      %swap3A_269 = arith.constant 16 : index
      %swap3A_270 = tpu.vector_load %arg8[%swap3A_268, %swap3A_269] {strides = array<i32>} : memref<640x64xf32, #tpu.memory_space<vmem>>, vector<16xf32>,
      tpu.vector_store %arg8[%swap3A_268, %swap3A_269], %broadcast_in_dim3A_256 {strides = array<i32>} : memref<640x64xf32, #tpu.memory_space<vmem>>, vector<16xf32>,
      %mul3A_271 = arith.constant 16 : i32
      %mul3A_272 = arith.muli %scan3A_191, %mul3A_271 : i32
      %add3A_273 = arith.constant 2 : i32
      %add3A_274 = arith.addi %mul3A_272, %add3A_273 : i32
      %swap3A_275 = arith.index_cast %add3A_274 : i32 to index
      %swap3A_276 = arith.constant 32 : index
      %swap3A_277 = tpu.vector_load %arg8[%swap3A_275, %swap3A_276] {strides = array<i32>} : memref<640x64xf32, #tpu.memory_space<vmem>>, vector<16xf32>,
      tpu.vector_store %arg8[%swap3A_275, %swap3A_276], %broadcast_in_dim3A_256 {strides = array<i32>} : memref<640x64xf32, #tpu.memory_space<vmem>>, vector<16xf32>,
      %mul3A_278 = arith.constant 16 : i32
      %mul3A_279 = arith.muli %scan3A_191, %mul3A_278 : i32
      %add3A_280 = arith.constant 2 : i32
      %add3A_281 = arith.addi %mul3A_279, %add3A_280 : i32
      %swap3A_282 = arith.index_cast %add3A_281 : i32 to index
      %swap3A_283 = arith.constant 48 : index
      %swap3A_284 = tpu.vector_load %arg8[%swap3A_282, %swap3A_283] {strides = array<i32>} : memref<640x64xf32, #tpu.memory_space<vmem>>, vector<16xf32>,
      tpu.vector_store %arg8[%swap3A_282, %swap3A_283], %broadcast_in_dim3A_256 {strides = array<i32>} : memref<640x64xf32, #tpu.memory_space<vmem>>, vector<16xf32>,
      %slice3A_285 = vector.extract_strided_slice %get3A_194 {offsets = [3], sizes = [1], strides = [1]} : vector<16xf32> to vector<1xf32>
      %squeeze3A_286 = vector.extract %slice3A_285[0] : f32 from vector<1xf32>
      %broadcast_in_dim3A_287 = vector.broadcast %squeeze3A_286 : f32 to vector<16xf32>
      %mul3A_288 = arith.constant 16 : i32
      %mul3A_289 = arith.muli %scan3A_191, %mul3A_288 : i32
      %add3A_290 = arith.constant 3 : i32
      %add3A_291 = arith.addi %mul3A_289, %add3A_290 : i32
      %swap3A_292 = arith.index_cast %add3A_291 : i32 to index
      %swap3A_293 = arith.constant 0 : index
      %swap3A_294 = tpu.vector_load %arg8[%swap3A_292, %swap3A_293] {strides = array<i32>} : memref<640x64xf32, #tpu.memory_space<vmem>>, vector<16xf32>,
      tpu.vector_store %arg8[%swap3A_292, %swap3A_293], %broadcast_in_dim3A_287 {strides = array<i32>} : memref<640x64xf32, #tpu.memory_space<vmem>>, vector<16xf32>,
      %mul3A_295 = arith.constant 16 : i32
      %mul3A_296 = arith.muli %scan3A_191, %mul3A_295 : i32
      %add3A_297 = arith.constant 3 : i32
      %add3A_298 = arith.addi %mul3A_296, %add3A_297 : i32
      %swap3A_299 = arith.index_cast %add3A_298 : i32 to index
      %swap3A_300 = arith.constant 16 : index
      %swap3A_301 = tpu.vector_load %arg8[%swap3A_299, %swap3A_300] {strides = array<i32>} : memref<640x64xf32, #tpu.memory_space<vmem>>, vector<16xf32>,
      tpu.vector_store %arg8[%swap3A_299, %swap3A_300], %broadcast_in_dim3A_287 {strides = array<i32>} : memref<640x64xf32, #tpu.memory_space<vmem>>, vector<16xf32>,
      %mul3A_302 = arith.constant 16 : i32
      %mul3A_303 = arith.muli %scan3A_191, %mul3A_302 : i32
      %add3A_304 = arith.constant 3 : i32
      %add3A_305 = arith.addi %mul3A_303, %add3A_304 : i32
      %swap3A_306 = arith.index_cast %add3A_305 : i32 to index
      %swap3A_307 = arith.constant 32 : index
      %swap3A_308 = tpu.vector_load %arg8[%swap3A_306, %swap3A_307] {strides = array<i32>} : memref<640x64xf32, #tpu.memory_space<vmem>>, vector<16xf32>,
      tpu.vector_store %arg8[%swap3A_306, %swap3A_307], %broadcast_in_dim3A_287 {strides = array<i32>} : memref<640x64xf32, #tpu.memory_space<vmem>>, vector<16xf32>,
      %mul3A_309 = arith.constant 16 : i32
      %mul3A_310 = arith.muli %scan3A_191, %mul3A_309 : i32
      %add3A_311 = arith.constant 3 : i32
      %add3A_312 = arith.addi %mul3A_310, %add3A_311 : i32
      %swap3A_313 = arith.index_cast %add3A_312 : i32 to index
      %swap3A_314 = arith.constant 48 : index
      %swap3A_315 = tpu.vector_load %arg8[%swap3A_313, %swap3A_314] {strides = array<i32>} : memref<640x64xf32, #tpu.memory_space<vmem>>, vector<16xf32>,
      tpu.vector_store %arg8[%swap3A_313, %swap3A_314], %broadcast_in_dim3A_287 {strides = array<i32>} : memref<640x64xf32, #tpu.memory_space<vmem>>, vector<16xf32>,
      %slice3A_316 = vector.extract_strided_slice %get3A_194 {offsets = [4], sizes = [1], strides = [1]} : vector<16xf32> to vector<1xf32>
      %squeeze3A_317 = vector.extract %slice3A_316[0] : f32 from vector<1xf32>
      %broadcast_in_dim3A_318 = vector.broadcast %squeeze3A_317 : f32 to vector<16xf32>
      %mul3A_319 = arith.constant 16 : i32
      %mul3A_320 = arith.muli %scan3A_191, %mul3A_319 : i32
      %add3A_321 = arith.constant 4 : i32
      %add3A_322 = arith.addi %mul3A_320, %add3A_321 : i32
      %swap3A_323 = arith.index_cast %add3A_322 : i32 to index
      %swap3A_324 = arith.constant 0 : index
      %swap3A_325 = tpu.vector_load %arg8[%swap3A_323, %swap3A_324] {strides = array<i32>} : memref<640x64xf32, #tpu.memory_space<vmem>>, vector<16xf32>,
      tpu.vector_store %arg8[%swap3A_323, %swap3A_324], %broadcast_in_dim3A_318 {strides = array<i32>} : memref<640x64xf32, #tpu.memory_space<vmem>>, vector<16xf32>,
      %mul3A_326 = arith.constant 16 : i32
      %mul3A_327 = arith.muli %scan3A_191, %mul3A_326 : i32
      %add3A_328 = arith.constant 4 : i32
      %add3A_329 = arith.addi %mul3A_327, %add3A_328 : i32
      %swap3A_330 = arith.index_cast %add3A_329 : i32 to index
      %swap3A_331 = arith.constant 16 : index
      %swap3A_332 = tpu.vector_load %arg8[%swap3A_330, %swap3A_331] {strides = array<i32>} : memref<640x64xf32, #tpu.memory_space<vmem>>, vector<16xf32>,
      tpu.vector_store %arg8[%swap3A_330, %swap3A_331], %broadcast_in_dim3A_318 {strides = array<i32>} : memref<640x64xf32, #tpu.memory_space<vmem>>, vector<16xf32>,
      %mul3A_333 = arith.constant 16 : i32
      %mul3A_334 = arith.muli %scan3A_191, %mul3A_333 : i32
      %add3A_335 = arith.constant 4 : i32
      %add3A_336 = arith.addi %mul3A_334, %add3A_335 : i32
      %swap3A_337 = arith.index_cast %add3A_336 : i32 to index
      %swap3A_338 = arith.constant 32 : index
      %swap3A_339 = tpu.vector_load %arg8[%swap3A_337, %swap3A_338] {strides = array<i32>} : memref<640x64xf32, #tpu.memory_space<vmem>>, vector<16xf32>,
      tpu.vector_store %arg8[%swap3A_337, %swap3A_338], %broadcast_in_dim3A_318 {strides = array<i32>} : memref<640x64xf32, #tpu.memory_space<vmem>>, vector<16xf32>,
      %mul3A_340 = arith.constant 16 : i32
      %mul3A_341 = arith.muli %scan3A_191, %mul3A_340 : i32
      %add3A_342 = arith.constant 4 : i32
      %add3A_343 = arith.addi %mul3A_341, %add3A_342 : i32
      %swap3A_344 = arith.index_cast %add3A_343 : i32 to index
      %swap3A_345 = arith.constant 48 : index
      %swap3A_346 = tpu.vector_load %arg8[%swap3A_344, %swap3A_345] {strides = array<i32>} : memref<640x64xf32, #tpu.memory_space<vmem>>, vector<16xf32>,
      tpu.vector_store %arg8[%swap3A_344, %swap3A_345], %broadcast_in_dim3A_318 {strides = array<i32>} : memref<640x64xf32, #tpu.memory_space<vmem>>, vector<16xf32>,
      %slice3A_347 = vector.extract_strided_slice %get3A_194 {offsets = [5], sizes = [1], strides = [1]} : vector<16xf32> to vector<1xf32>
      %squeeze3A_348 = vector.extract %slice3A_347[0] : f32 from vector<1xf32>
      %broadcast_in_dim3A_349 = vector.broadcast %squeeze3A_348 : f32 to vector<16xf32>
      %mul3A_350 = arith.constant 16 : i32
      %mul3A_351 = arith.muli %scan3A_191, %mul3A_350 : i32
      %add3A_352 = arith.constant 5 : i32
      %add3A_353 = arith.addi %mul3A_351, %add3A_352 : i32
      %swap3A_354 = arith.index_cast %add3A_353 : i32 to index
      %swap3A_355 = arith.constant 0 : index
      %swap3A_356 = tpu.vector_load %arg8[%swap3A_354, %swap3A_355] {strides = array<i32>} : memref<640x64xf32, #tpu.memory_space<vmem>>, vector<16xf32>,
      tpu.vector_store %arg8[%swap3A_354, %swap3A_355], %broadcast_in_dim3A_349 {strides = array<i32>} : memref<640x64xf32, #tpu.memory_space<vmem>>, vector<16xf32>,
      %mul3A_357 = arith.constant 16 : i32
      %mul3A_358 = arith.muli %scan3A_191, %mul3A_357 : i32
      %add3A_359 = arith.constant 5 : i32
      %add3A_360 = arith.addi %mul3A_358, %add3A_359 : i32
      %swap3A_361 = arith.index_cast %add3A_360 : i32 to index
      %swap3A_362 = arith.constant 16 : index
      %swap3A_363 = tpu.vector_load %arg8[%swap3A_361, %swap3A_362] {strides = array<i32>} : memref<640x64xf32, #tpu.memory_space<vmem>>, vector<16xf32>,
      tpu.vector_store %arg8[%swap3A_361, %swap3A_362], %broadcast_in_dim3A_349 {strides = array<i32>} : memref<640x64xf32, #tpu.memory_space<vmem>>, vector<16xf32>,
      %mul3A_364 = arith.constant 16 : i32
      %mul3A_365 = arith.muli %scan3A_191, %mul3A_364 : i32
      %add3A_366 = arith.constant 5 : i32
      %add3A_367 = arith.addi %mul3A_365, %add3A_366 : i32
      %swap3A_368 = arith.index_cast %add3A_367 : i32 to index
      %swap3A_369 = arith.constant 32 : index
      %swap3A_370 = tpu.vector_load %arg8[%swap3A_368, %swap3A_369] {strides = array<i32>} : memref<640x64xf32, #tpu.memory_space<vmem>>, vector<16xf32>,
      tpu.vector_store %arg8[%swap3A_368, %swap3A_369], %broadcast_in_dim3A_349 {strides = array<i32>} : memref<640x64xf32, #tpu.memory_space<vmem>>, vector<16xf32>,
      %mul3A_371 = arith.constant 16 : i32
      %mul3A_372 = arith.muli %scan3A_191, %mul3A_371 : i32
      %add3A_373 = arith.constant 5 : i32
      %add3A_374 = arith.addi %mul3A_372, %add3A_373 : i32
      %swap3A_375 = arith.index_cast %add3A_374 : i32 to index
      %swap3A_376 = arith.constant 48 : index
      %swap3A_377 = tpu.vector_load %arg8[%swap3A_375, %swap3A_376] {strides = array<i32>} : memref<640x64xf32, #tpu.memory_space<vmem>>, vector<16xf32>,
      tpu.vector_store %arg8[%swap3A_375, %swap3A_376], %broadcast_in_dim3A_349 {strides = array<i32>} : memref<640x64xf32, #tpu.memory_space<vmem>>, vector<16xf32>,
      %slice3A_378 = vector.extract_strided_slice %get3A_194 {offsets = [6], sizes = [1], strides = [1]} : vector<16xf32> to vector<1xf32>
      %squeeze3A_379 = vector.extract %slice3A_378[0] : f32 from vector<1xf32>
      %broadcast_in_dim3A_380 = vector.broadcast %squeeze3A_379 : f32 to vector<16xf32>
      %mul3A_381 = arith.constant 16 : i32
      %mul3A_382 = arith.muli %scan3A_191, %mul3A_381 : i32
      %add3A_383 = arith.constant 6 : i32
      %add3A_384 = arith.addi %mul3A_382, %add3A_383 : i32
      %swap3A_385 = arith.index_cast %add3A_384 : i32 to index
      %swap3A_386 = arith.constant 0 : index
      %swap3A_387 = tpu.vector_load %arg8[%swap3A_385, %swap3A_386] {strides = array<i32>} : memref<640x64xf32, #tpu.memory_space<vmem>>, vector<16xf32>,
      tpu.vector_store %arg8[%swap3A_385, %swap3A_386], %broadcast_in_dim3A_380 {strides = array<i32>} : memref<640x64xf32, #tpu.memory_space<vmem>>, vector<16xf32>,
      %mul3A_388 = arith.constant 16 : i32
      %mul3A_389 = arith.muli %scan3A_191, %mul3A_388 : i32
      %add3A_390 = arith.constant 6 : i32
      %add3A_391 = arith.addi %mul3A_389, %add3A_390 : i32
      %swap3A_392 = arith.index_cast %add3A_391 : i32 to index
      %swap3A_393 = arith.constant 16 : index
      %swap3A_394 = tpu.vector_load %arg8[%swap3A_392, %swap3A_393] {strides = array<i32>} : memref<640x64xf32, #tpu.memory_space<vmem>>, vector<16xf32>,
      tpu.vector_store %arg8[%swap3A_392, %swap3A_393], %broadcast_in_dim3A_380 {strides = array<i32>} : memref<640x64xf32, #tpu.memory_space<vmem>>, vector<16xf32>,
      %mul3A_395 = arith.constant 16 : i32
      %mul3A_396 = arith.muli %scan3A_191, %mul3A_395 : i32
      %add3A_397 = arith.constant 6 : i32
      %add3A_398 = arith.addi %mul3A_396, %add3A_397 : i32
      %swap3A_399 = arith.index_cast %add3A_398 : i32 to index
      %swap3A_400 = arith.constant 32 : index
      %swap3A_401 = tpu.vector_load %arg8[%swap3A_399, %swap3A_400] {strides = array<i32>} : memref<640x64xf32, #tpu.memory_space<vmem>>, vector<16xf32>,
      tpu.vector_store %arg8[%swap3A_399, %swap3A_400], %broadcast_in_dim3A_380 {strides = array<i32>} : memref<640x64xf32, #tpu.memory_space<vmem>>, vector<16xf32>,
      %mul3A_402 = arith.constant 16 : i32
      %mul3A_403 = arith.muli %scan3A_191, %mul3A_402 : i32
      %add3A_404 = arith.constant 6 : i32
      %add3A_405 = arith.addi %mul3A_403, %add3A_404 : i32
      %swap3A_406 = arith.index_cast %add3A_405 : i32 to index
      %swap3A_407 = arith.constant 48 : index
      %swap3A_408 = tpu.vector_load %arg8[%swap3A_406, %swap3A_407] {strides = array<i32>} : memref<640x64xf32, #tpu.memory_space<vmem>>, vector<16xf32>,
      tpu.vector_store %arg8[%swap3A_406, %swap3A_407], %broadcast_in_dim3A_380 {strides = array<i32>} : memref<640x64xf32, #tpu.memory_space<vmem>>, vector<16xf32>,
      %slice3A_409 = vector.extract_strided_slice %get3A_194 {offsets = [7], sizes = [1], strides = [1]} : vector<16xf32> to vector<1xf32>
      %squeeze3A_410 = vector.extract %slice3A_409[0] : f32 from vector<1xf32>
      %broadcast_in_dim3A_411 = vector.broadcast %squeeze3A_410 : f32 to vector<16xf32>
      %mul3A_412 = arith.constant 16 : i32
      %mul3A_413 = arith.muli %scan3A_191, %mul3A_412 : i32
      %add3A_414 = arith.constant 7 : i32
      %add3A_415 = arith.addi %mul3A_413, %add3A_414 : i32
      %swap3A_416 = arith.index_cast %add3A_415 : i32 to index
      %swap3A_417 = arith.constant 0 : index
      %swap3A_418 = tpu.vector_load %arg8[%swap3A_416, %swap3A_417] {strides = array<i32>} : memref<640x64xf32, #tpu.memory_space<vmem>>, vector<16xf32>,
      tpu.vector_store %arg8[%swap3A_416, %swap3A_417], %broadcast_in_dim3A_411 {strides = array<i32>} : memref<640x64xf32, #tpu.memory_space<vmem>>, vector<16xf32>,
      %mul3A_419 = arith.constant 16 : i32
      %mul3A_420 = arith.muli %scan3A_191, %mul3A_419 : i32
      %add3A_421 = arith.constant 7 : i32
      %add3A_422 = arith.addi %mul3A_420, %add3A_421 : i32
      %swap3A_423 = arith.index_cast %add3A_422 : i32 to index
      %swap3A_424 = arith.constant 16 : index
      %swap3A_425 = tpu.vector_load %arg8[%swap3A_423, %swap3A_424] {strides = array<i32>} : memref<640x64xf32, #tpu.memory_space<vmem>>, vector<16xf32>,
      tpu.vector_store %arg8[%swap3A_423, %swap3A_424], %broadcast_in_dim3A_411 {strides = array<i32>} : memref<640x64xf32, #tpu.memory_space<vmem>>, vector<16xf32>,
      %mul3A_426 = arith.constant 16 : i32
      %mul3A_427 = arith.muli %scan3A_191, %mul3A_426 : i32
      %add3A_428 = arith.constant 7 : i32
      %add3A_429 = arith.addi %mul3A_427, %add3A_428 : i32
      %swap3A_430 = arith.index_cast %add3A_429 : i32 to index
      %swap3A_431 = arith.constant 32 : index
      %swap3A_432 = tpu.vector_load %arg8[%swap3A_430, %swap3A_431] {strides = array<i32>} : memref<640x64xf32, #tpu.memory_space<vmem>>, vector<16xf32>,
      tpu.vector_store %arg8[%swap3A_430, %swap3A_431], %broadcast_in_dim3A_411 {strides = array<i32>} : memref<640x64xf32, #tpu.memory_space<vmem>>, vector<16xf32>,
      %mul3A_433 = arith.constant 16 : i32
      %mul3A_434 = arith.muli %scan3A_191, %mul3A_433 : i32
      %add3A_435 = arith.constant 7 : i32
      %add3A_436 = arith.addi %mul3A_434, %add3A_435 : i32
      %swap3A_437 = arith.index_cast %add3A_436 : i32 to index
      %swap3A_438 = arith.constant 48 : index
      %swap3A_439 = tpu.vector_load %arg8[%swap3A_437, %swap3A_438] {strides = array<i32>} : memref<640x64xf32, #tpu.memory_space<vmem>>, vector<16xf32>,
      tpu.vector_store %arg8[%swap3A_437, %swap3A_438], %broadcast_in_dim3A_411 {strides = array<i32>} : memref<640x64xf32, #tpu.memory_space<vmem>>, vector<16xf32>,
      %slice3A_440 = vector.extract_strided_slice %get3A_194 {offsets = [8], sizes = [1], strides = [1]} : vector<16xf32> to vector<1xf32>
      %squeeze3A_441 = vector.extract %slice3A_440[0] : f32 from vector<1xf32>
      %broadcast_in_dim3A_442 = vector.broadcast %squeeze3A_441 : f32 to vector<16xf32>
      %mul3A_443 = arith.constant 16 : i32
      %mul3A_444 = arith.muli %scan3A_191, %mul3A_443 : i32
      %add3A_445 = arith.constant 8 : i32
      %add3A_446 = arith.addi %mul3A_444, %add3A_445 : i32
      %swap3A_447 = arith.index_cast %add3A_446 : i32 to index
      %swap3A_448 = arith.constant 0 : index
      %swap3A_449 = tpu.vector_load %arg8[%swap3A_447, %swap3A_448] {strides = array<i32>} : memref<640x64xf32, #tpu.memory_space<vmem>>, vector<16xf32>,
      tpu.vector_store %arg8[%swap3A_447, %swap3A_448], %broadcast_in_dim3A_442 {strides = array<i32>} : memref<640x64xf32, #tpu.memory_space<vmem>>, vector<16xf32>,
      %mul3A_450 = arith.constant 16 : i32
      %mul3A_451 = arith.muli %scan3A_191, %mul3A_450 : i32
      %add3A_452 = arith.constant 8 : i32
      %add3A_453 = arith.addi %mul3A_451, %add3A_452 : i32
      %swap3A_454 = arith.index_cast %add3A_453 : i32 to index
      %swap3A_455 = arith.constant 16 : index
      %swap3A_456 = tpu.vector_load %arg8[%swap3A_454, %swap3A_455] {strides = array<i32>} : memref<640x64xf32, #tpu.memory_space<vmem>>, vector<16xf32>,
      tpu.vector_store %arg8[%swap3A_454, %swap3A_455], %broadcast_in_dim3A_442 {strides = array<i32>} : memref<640x64xf32, #tpu.memory_space<vmem>>, vector<16xf32>,
      %mul3A_457 = arith.constant 16 : i32
      %mul3A_458 = arith.muli %scan3A_191, %mul3A_457 : i32
      %add3A_459 = arith.constant 8 : i32
      %add3A_460 = arith.addi %mul3A_458, %add3A_459 : i32
      %swap3A_461 = arith.index_cast %add3A_460 : i32 to index
      %swap3A_462 = arith.constant 32 : index
      %swap3A_463 = tpu.vector_load %arg8[%swap3A_461, %swap3A_462] {strides = array<i32>} : memref<640x64xf32, #tpu.memory_space<vmem>>, vector<16xf32>,
      tpu.vector_store %arg8[%swap3A_461, %swap3A_462], %broadcast_in_dim3A_442 {strides = array<i32>} : memref<640x64xf32, #tpu.memory_space<vmem>>, vector<16xf32>,
      %mul3A_464 = arith.constant 16 : i32
      %mul3A_465 = arith.muli %scan3A_191, %mul3A_464 : i32
      %add3A_466 = arith.constant 8 : i32
      %add3A_467 = arith.addi %mul3A_465, %add3A_466 : i32
      %swap3A_468 = arith.index_cast %add3A_467 : i32 to index
      %swap3A_469 = arith.constant 48 : index
      %swap3A_470 = tpu.vector_load %arg8[%swap3A_468, %swap3A_469] {strides = array<i32>} : memref<640x64xf32, #tpu.memory_space<vmem>>, vector<16xf32>,
      tpu.vector_store %arg8[%swap3A_468, %swap3A_469], %broadcast_in_dim3A_442 {strides = array<i32>} : memref<640x64xf32, #tpu.memory_space<vmem>>, vector<16xf32>,
      %slice3A_471 = vector.extract_strided_slice %get3A_194 {offsets = [9], sizes = [1], strides = [1]} : vector<16xf32> to vector<1xf32>
      %squeeze3A_472 = vector.extract %slice3A_471[0] : f32 from vector<1xf32>
      %broadcast_in_dim3A_473 = vector.broadcast %squeeze3A_472 : f32 to vector<16xf32>
      %mul3A_474 = arith.constant 16 : i32
      %mul3A_475 = arith.muli %scan3A_191, %mul3A_474 : i32
      %add3A_476 = arith.constant 9 : i32
      %add3A_477 = arith.addi %mul3A_475, %add3A_476 : i32
      %swap3A_478 = arith.index_cast %add3A_477 : i32 to index
      %swap3A_479 = arith.constant 0 : index
      %swap3A_480 = tpu.vector_load %arg8[%swap3A_478, %swap3A_479] {strides = array<i32>} : memref<640x64xf32, #tpu.memory_space<vmem>>, vector<16xf32>,
      tpu.vector_store %arg8[%swap3A_478, %swap3A_479], %broadcast_in_dim3A_473 {strides = array<i32>} : memref<640x64xf32, #tpu.memory_space<vmem>>, vector<16xf32>,
      %mul3A_481 = arith.constant 16 : i32
      %mul3A_482 = arith.muli %scan3A_191, %mul3A_481 : i32
      %add3A_483 = arith.constant 9 : i32
      %add3A_484 = arith.addi %mul3A_482, %add3A_483 : i32
      %swap3A_485 = arith.index_cast %add3A_484 : i32 to index
      %swap3A_486 = arith.constant 16 : index
      %swap3A_487 = tpu.vector_load %arg8[%swap3A_485, %swap3A_486] {strides = array<i32>} : memref<640x64xf32, #tpu.memory_space<vmem>>, vector<16xf32>,
      tpu.vector_store %arg8[%swap3A_485, %swap3A_486], %broadcast_in_dim3A_473 {strides = array<i32>} : memref<640x64xf32, #tpu.memory_space<vmem>>, vector<16xf32>,
      %mul3A_488 = arith.constant 16 : i32
      %mul3A_489 = arith.muli %scan3A_191, %mul3A_488 : i32
      %add3A_490 = arith.constant 9 : i32
      %add3A_491 = arith.addi %mul3A_489, %add3A_490 : i32
      %swap3A_492 = arith.index_cast %add3A_491 : i32 to index
      %swap3A_493 = arith.constant 32 : index
      %swap3A_494 = tpu.vector_load %arg8[%swap3A_492, %swap3A_493] {strides = array<i32>} : memref<640x64xf32, #tpu.memory_space<vmem>>, vector<16xf32>,
      tpu.vector_store %arg8[%swap3A_492, %swap3A_493], %broadcast_in_dim3A_473 {strides = array<i32>} : memref<640x64xf32, #tpu.memory_space<vmem>>, vector<16xf32>,
      %mul3A_495 = arith.constant 16 : i32
      %mul3A_496 = arith.muli %scan3A_191, %mul3A_495 : i32
      %add3A_497 = arith.constant 9 : i32
      %add3A_498 = arith.addi %mul3A_496, %add3A_497 : i32
      %swap3A_499 = arith.index_cast %add3A_498 : i32 to index
      %swap3A_500 = arith.constant 48 : index
      %swap3A_501 = tpu.vector_load %arg8[%swap3A_499, %swap3A_500] {strides = array<i32>} : memref<640x64xf32, #tpu.memory_space<vmem>>, vector<16xf32>,
      tpu.vector_store %arg8[%swap3A_499, %swap3A_500], %broadcast_in_dim3A_473 {strides = array<i32>} : memref<640x64xf32, #tpu.memory_space<vmem>>, vector<16xf32>,
      %slice3A_502 = vector.extract_strided_slice %get3A_194 {offsets = [10], sizes = [1], strides = [1]} : vector<16xf32> to vector<1xf32>
      %squeeze3A_503 = vector.extract %slice3A_502[0] : f32 from vector<1xf32>
      %broadcast_in_dim3A_504 = vector.broadcast %squeeze3A_503 : f32 to vector<16xf32>
      %mul3A_505 = arith.constant 16 : i32
      %mul3A_506 = arith.muli %scan3A_191, %mul3A_505 : i32
      %add3A_507 = arith.constant 10 : i32
      %add3A_508 = arith.addi %mul3A_506, %add3A_507 : i32
      %swap3A_509 = arith.index_cast %add3A_508 : i32 to index
      %swap3A_510 = arith.constant 0 : index
      %swap3A_511 = tpu.vector_load %arg8[%swap3A_509, %swap3A_510] {strides = array<i32>} : memref<640x64xf32, #tpu.memory_space<vmem>>, vector<16xf32>,
      tpu.vector_store %arg8[%swap3A_509, %swap3A_510], %broadcast_in_dim3A_504 {strides = array<i32>} : memref<640x64xf32, #tpu.memory_space<vmem>>, vector<16xf32>,
      %mul3A_512 = arith.constant 16 : i32
      %mul3A_513 = arith.muli %scan3A_191, %mul3A_512 : i32
      %add3A_514 = arith.constant 10 : i32
      %add3A_515 = arith.addi %mul3A_513, %add3A_514 : i32
      %swap3A_516 = arith.index_cast %add3A_515 : i32 to index
      %swap3A_517 = arith.constant 16 : index
      %swap3A_518 = tpu.vector_load %arg8[%swap3A_516, %swap3A_517] {strides = array<i32>} : memref<640x64xf32, #tpu.memory_space<vmem>>, vector<16xf32>,
      tpu.vector_store %arg8[%swap3A_516, %swap3A_517], %broadcast_in_dim3A_504 {strides = array<i32>} : memref<640x64xf32, #tpu.memory_space<vmem>>, vector<16xf32>,
      %mul3A_519 = arith.constant 16 : i32
      %mul3A_520 = arith.muli %scan3A_191, %mul3A_519 : i32
      %add3A_521 = arith.constant 10 : i32
      %add3A_522 = arith.addi %mul3A_520, %add3A_521 : i32
      %swap3A_523 = arith.index_cast %add3A_522 : i32 to index
      %swap3A_524 = arith.constant 32 : index
      %swap3A_525 = tpu.vector_load %arg8[%swap3A_523, %swap3A_524] {strides = array<i32>} : memref<640x64xf32, #tpu.memory_space<vmem>>, vector<16xf32>,
      tpu.vector_store %arg8[%swap3A_523, %swap3A_524], %broadcast_in_dim3A_504 {strides = array<i32>} : memref<640x64xf32, #tpu.memory_space<vmem>>, vector<16xf32>,
      %mul3A_526 = arith.constant 16 : i32
      %mul3A_527 = arith.muli %scan3A_191, %mul3A_526 : i32
      %add3A_528 = arith.constant 10 : i32
      %add3A_529 = arith.addi %mul3A_527, %add3A_528 : i32
      %swap3A_530 = arith.index_cast %add3A_529 : i32 to index
      %swap3A_531 = arith.constant 48 : index
      %swap3A_532 = tpu.vector_load %arg8[%swap3A_530, %swap3A_531] {strides = array<i32>} : memref<640x64xf32, #tpu.memory_space<vmem>>, vector<16xf32>,
      tpu.vector_store %arg8[%swap3A_530, %swap3A_531], %broadcast_in_dim3A_504 {strides = array<i32>} : memref<640x64xf32, #tpu.memory_space<vmem>>, vector<16xf32>,
      %slice3A_533 = vector.extract_strided_slice %get3A_194 {offsets = [11], sizes = [1], strides = [1]} : vector<16xf32> to vector<1xf32>
      %squeeze3A_534 = vector.extract %slice3A_533[0] : f32 from vector<1xf32>
      %broadcast_in_dim3A_535 = vector.broadcast %squeeze3A_534 : f32 to vector<16xf32>
      %mul3A_536 = arith.constant 16 : i32
      %mul3A_537 = arith.muli %scan3A_191, %mul3A_536 : i32
      %add3A_538 = arith.constant 11 : i32
      %add3A_539 = arith.addi %mul3A_537, %add3A_538 : i32
      %swap3A_540 = arith.index_cast %add3A_539 : i32 to index
      %swap3A_541 = arith.constant 0 : index
      %swap3A_542 = tpu.vector_load %arg8[%swap3A_540, %swap3A_541] {strides = array<i32>} : memref<640x64xf32, #tpu.memory_space<vmem>>, vector<16xf32>,
      tpu.vector_store %arg8[%swap3A_540, %swap3A_541], %broadcast_in_dim3A_535 {strides = array<i32>} : memref<640x64xf32, #tpu.memory_space<vmem>>, vector<16xf32>,
      %mul3A_543 = arith.constant 16 : i32
      %mul3A_544 = arith.muli %scan3A_191, %mul3A_543 : i32
      %add3A_545 = arith.constant 11 : i32
      %add3A_546 = arith.addi %mul3A_544, %add3A_545 : i32
      %swap3A_547 = arith.index_cast %add3A_546 : i32 to index
      %swap3A_548 = arith.constant 16 : index
      %swap3A_549 = tpu.vector_load %arg8[%swap3A_547, %swap3A_548] {strides = array<i32>} : memref<640x64xf32, #tpu.memory_space<vmem>>, vector<16xf32>,
      tpu.vector_store %arg8[%swap3A_547, %swap3A_548], %broadcast_in_dim3A_535 {strides = array<i32>} : memref<640x64xf32, #tpu.memory_space<vmem>>, vector<16xf32>,
      %mul3A_550 = arith.constant 16 : i32
      %mul3A_551 = arith.muli %scan3A_191, %mul3A_550 : i32
      %add3A_552 = arith.constant 11 : i32
      %add3A_553 = arith.addi %mul3A_551, %add3A_552 : i32
      %swap3A_554 = arith.index_cast %add3A_553 : i32 to index
      %swap3A_555 = arith.constant 32 : index
      %swap3A_556 = tpu.vector_load %arg8[%swap3A_554, %swap3A_555] {strides = array<i32>} : memref<640x64xf32, #tpu.memory_space<vmem>>, vector<16xf32>,
      tpu.vector_store %arg8[%swap3A_554, %swap3A_555], %broadcast_in_dim3A_535 {strides = array<i32>} : memref<640x64xf32, #tpu.memory_space<vmem>>, vector<16xf32>,
      %mul3A_557 = arith.constant 16 : i32
      %mul3A_558 = arith.muli %scan3A_191, %mul3A_557 : i32
      %add3A_559 = arith.constant 11 : i32
      %add3A_560 = arith.addi %mul3A_558, %add3A_559 : i32
      %swap3A_561 = arith.index_cast %add3A_560 : i32 to index
      %swap3A_562 = arith.constant 48 : index
      %swap3A_563 = tpu.vector_load %arg8[%swap3A_561, %swap3A_562] {strides = array<i32>} : memref<640x64xf32, #tpu.memory_space<vmem>>, vector<16xf32>,
      tpu.vector_store %arg8[%swap3A_561, %swap3A_562], %broadcast_in_dim3A_535 {strides = array<i32>} : memref<640x64xf32, #tpu.memory_space<vmem>>, vector<16xf32>,
      %slice3A_564 = vector.extract_strided_slice %get3A_194 {offsets = [12], sizes = [1], strides = [1]} : vector<16xf32> to vector<1xf32>
      %squeeze3A_565 = vector.extract %slice3A_564[0] : f32 from vector<1xf32>
      %broadcast_in_dim3A_566 = vector.broadcast %squeeze3A_565 : f32 to vector<16xf32>
      %mul3A_567 = arith.constant 16 : i32
      %mul3A_568 = arith.muli %scan3A_191, %mul3A_567 : i32
      %add3A_569 = arith.constant 12 : i32
      %add3A_570 = arith.addi %mul3A_568, %add3A_569 : i32
      %swap3A_571 = arith.index_cast %add3A_570 : i32 to index
      %swap3A_572 = arith.constant 0 : index
      %swap3A_573 = tpu.vector_load %arg8[%swap3A_571, %swap3A_572] {strides = array<i32>} : memref<640x64xf32, #tpu.memory_space<vmem>>, vector<16xf32>,
      tpu.vector_store %arg8[%swap3A_571, %swap3A_572], %broadcast_in_dim3A_566 {strides = array<i32>} : memref<640x64xf32, #tpu.memory_space<vmem>>, vector<16xf32>,
      %mul3A_574 = arith.constant 16 : i32
      %mul3A_575 = arith.muli %scan3A_191, %mul3A_574 : i32
      %add3A_576 = arith.constant 12 : i32
      %add3A_577 = arith.addi %mul3A_575, %add3A_576 : i32
      %swap3A_578 = arith.index_cast %add3A_577 : i32 to index
      %swap3A_579 = arith.constant 16 : index
      %swap3A_580 = tpu.vector_load %arg8[%swap3A_578, %swap3A_579] {strides = array<i32>} : memref<640x64xf32, #tpu.memory_space<vmem>>, vector<16xf32>,
      tpu.vector_store %arg8[%swap3A_578, %swap3A_579], %broadcast_in_dim3A_566 {strides = array<i32>} : memref<640x64xf32, #tpu.memory_space<vmem>>, vector<16xf32>,
      %mul3A_581 = arith.constant 16 : i32
      %mul3A_582 = arith.muli %scan3A_191, %mul3A_581 : i32
      %add3A_583 = arith.constant 12 : i32
      %add3A_584 = arith.addi %mul3A_582, %add3A_583 : i32
      %swap3A_585 = arith.index_cast %add3A_584 : i32 to index
      %swap3A_586 = arith.constant 32 : index
      %swap3A_587 = tpu.vector_load %arg8[%swap3A_585, %swap3A_586] {strides = array<i32>} : memref<640x64xf32, #tpu.memory_space<vmem>>, vector<16xf32>,
      tpu.vector_store %arg8[%swap3A_585, %swap3A_586], %broadcast_in_dim3A_566 {strides = array<i32>} : memref<640x64xf32, #tpu.memory_space<vmem>>, vector<16xf32>,
      %mul3A_588 = arith.constant 16 : i32
      %mul3A_589 = arith.muli %scan3A_191, %mul3A_588 : i32
      %add3A_590 = arith.constant 12 : i32
      %add3A_591 = arith.addi %mul3A_589, %add3A_590 : i32
      %swap3A_592 = arith.index_cast %add3A_591 : i32 to index
      %swap3A_593 = arith.constant 48 : index
      %swap3A_594 = tpu.vector_load %arg8[%swap3A_592, %swap3A_593] {strides = array<i32>} : memref<640x64xf32, #tpu.memory_space<vmem>>, vector<16xf32>,
      tpu.vector_store %arg8[%swap3A_592, %swap3A_593], %broadcast_in_dim3A_566 {strides = array<i32>} : memref<640x64xf32, #tpu.memory_space<vmem>>, vector<16xf32>,
      %slice3A_595 = vector.extract_strided_slice %get3A_194 {offsets = [13], sizes = [1], strides = [1]} : vector<16xf32> to vector<1xf32>
      %squeeze3A_596 = vector.extract %slice3A_595[0] : f32 from vector<1xf32>
      %broadcast_in_dim3A_597 = vector.broadcast %squeeze3A_596 : f32 to vector<16xf32>
      %mul3A_598 = arith.constant 16 : i32
      %mul3A_599 = arith.muli %scan3A_191, %mul3A_598 : i32
      %add3A_600 = arith.constant 13 : i32
      %add3A_601 = arith.addi %mul3A_599, %add3A_600 : i32
      %swap3A_602 = arith.index_cast %add3A_601 : i32 to index
      %swap3A_603 = arith.constant 0 : index
      %swap3A_604 = tpu.vector_load %arg8[%swap3A_602, %swap3A_603] {strides = array<i32>} : memref<640x64xf32, #tpu.memory_space<vmem>>, vector<16xf32>,
      tpu.vector_store %arg8[%swap3A_602, %swap3A_603], %broadcast_in_dim3A_597 {strides = array<i32>} : memref<640x64xf32, #tpu.memory_space<vmem>>, vector<16xf32>,
      %mul3A_605 = arith.constant 16 : i32
      %mul3A_606 = arith.muli %scan3A_191, %mul3A_605 : i32
      %add3A_607 = arith.constant 13 : i32
      %add3A_608 = arith.addi %mul3A_606, %add3A_607 : i32
      %swap3A_609 = arith.index_cast %add3A_608 : i32 to index
      %swap3A_610 = arith.constant 16 : index
      %swap3A_611 = tpu.vector_load %arg8[%swap3A_609, %swap3A_610] {strides = array<i32>} : memref<640x64xf32, #tpu.memory_space<vmem>>, vector<16xf32>,
      tpu.vector_store %arg8[%swap3A_609, %swap3A_610], %broadcast_in_dim3A_597 {strides = array<i32>} : memref<640x64xf32, #tpu.memory_space<vmem>>, vector<16xf32>,
      %mul3A_612 = arith.constant 16 : i32
      %mul3A_613 = arith.muli %scan3A_191, %mul3A_612 : i32
      %add3A_614 = arith.constant 13 : i32
      %add3A_615 = arith.addi %mul3A_613, %add3A_614 : i32
      %swap3A_616 = arith.index_cast %add3A_615 : i32 to index
      %swap3A_617 = arith.constant 32 : index
      %swap3A_618 = tpu.vector_load %arg8[%swap3A_616, %swap3A_617] {strides = array<i32>} : memref<640x64xf32, #tpu.memory_space<vmem>>, vector<16xf32>,
      tpu.vector_store %arg8[%swap3A_616, %swap3A_617], %broadcast_in_dim3A_597 {strides = array<i32>} : memref<640x64xf32, #tpu.memory_space<vmem>>, vector<16xf32>,
      %mul3A_619 = arith.constant 16 : i32
      %mul3A_620 = arith.muli %scan3A_191, %mul3A_619 : i32
      %add3A_621 = arith.constant 13 : i32
      %add3A_622 = arith.addi %mul3A_620, %add3A_621 : i32
      %swap3A_623 = arith.index_cast %add3A_622 : i32 to index
      %swap3A_624 = arith.constant 48 : index
      %swap3A_625 = tpu.vector_load %arg8[%swap3A_623, %swap3A_624] {strides = array<i32>} : memref<640x64xf32, #tpu.memory_space<vmem>>, vector<16xf32>,
      tpu.vector_store %arg8[%swap3A_623, %swap3A_624], %broadcast_in_dim3A_597 {strides = array<i32>} : memref<640x64xf32, #tpu.memory_space<vmem>>, vector<16xf32>,
      %slice3A_626 = vector.extract_strided_slice %get3A_194 {offsets = [14], sizes = [1], strides = [1]} : vector<16xf32> to vector<1xf32>
      %squeeze3A_627 = vector.extract %slice3A_626[0] : f32 from vector<1xf32>
      %broadcast_in_dim3A_628 = vector.broadcast %squeeze3A_627 : f32 to vector<16xf32>
      %mul3A_629 = arith.constant 16 : i32
      %mul3A_630 = arith.muli %scan3A_191, %mul3A_629 : i32
      %add3A_631 = arith.constant 14 : i32
      %add3A_632 = arith.addi %mul3A_630, %add3A_631 : i32
      %swap3A_633 = arith.index_cast %add3A_632 : i32 to index
      %swap3A_634 = arith.constant 0 : index
      %swap3A_635 = tpu.vector_load %arg8[%swap3A_633, %swap3A_634] {strides = array<i32>} : memref<640x64xf32, #tpu.memory_space<vmem>>, vector<16xf32>,
      tpu.vector_store %arg8[%swap3A_633, %swap3A_634], %broadcast_in_dim3A_628 {strides = array<i32>} : memref<640x64xf32, #tpu.memory_space<vmem>>, vector<16xf32>,
      %mul3A_636 = arith.constant 16 : i32
      %mul3A_637 = arith.muli %scan3A_191, %mul3A_636 : i32
      %add3A_638 = arith.constant 14 : i32
      %add3A_639 = arith.addi %mul3A_637, %add3A_638 : i32
      %swap3A_640 = arith.index_cast %add3A_639 : i32 to index
      %swap3A_641 = arith.constant 16 : index
      %swap3A_642 = tpu.vector_load %arg8[%swap3A_640, %swap3A_641] {strides = array<i32>} : memref<640x64xf32, #tpu.memory_space<vmem>>, vector<16xf32>,
      tpu.vector_store %arg8[%swap3A_640, %swap3A_641], %broadcast_in_dim3A_628 {strides = array<i32>} : memref<640x64xf32, #tpu.memory_space<vmem>>, vector<16xf32>,
      %mul3A_643 = arith.constant 16 : i32
      %mul3A_644 = arith.muli %scan3A_191, %mul3A_643 : i32
      %add3A_645 = arith.constant 14 : i32
      %add3A_646 = arith.addi %mul3A_644, %add3A_645 : i32
      %swap3A_647 = arith.index_cast %add3A_646 : i32 to index
      %swap3A_648 = arith.constant 32 : index
      %swap3A_649 = tpu.vector_load %arg8[%swap3A_647, %swap3A_648] {strides = array<i32>} : memref<640x64xf32, #tpu.memory_space<vmem>>, vector<16xf32>,
      tpu.vector_store %arg8[%swap3A_647, %swap3A_648], %broadcast_in_dim3A_628 {strides = array<i32>} : memref<640x64xf32, #tpu.memory_space<vmem>>, vector<16xf32>,
      %mul3A_650 = arith.constant 16 : i32
      %mul3A_651 = arith.muli %scan3A_191, %mul3A_650 : i32
      %add3A_652 = arith.constant 14 : i32
      %add3A_653 = arith.addi %mul3A_651, %add3A_652 : i32
      %swap3A_654 = arith.index_cast %add3A_653 : i32 to index
      %swap3A_655 = arith.constant 48 : index
      %swap3A_656 = tpu.vector_load %arg8[%swap3A_654, %swap3A_655] {strides = array<i32>} : memref<640x64xf32, #tpu.memory_space<vmem>>, vector<16xf32>,
      tpu.vector_store %arg8[%swap3A_654, %swap3A_655], %broadcast_in_dim3A_628 {strides = array<i32>} : memref<640x64xf32, #tpu.memory_space<vmem>>, vector<16xf32>,
      %slice3A_657 = vector.extract_strided_slice %get3A_194 {offsets = [15], sizes = [1], strides = [1]} : vector<16xf32> to vector<1xf32>
      %squeeze3A_658 = vector.extract %slice3A_657[0] : f32 from vector<1xf32>
      %broadcast_in_dim3A_659 = vector.broadcast %squeeze3A_658 : f32 to vector<16xf32>
      %mul3A_660 = arith.constant 16 : i32
      %mul3A_661 = arith.muli %scan3A_191, %mul3A_660 : i32
      %add3A_662 = arith.constant 15 : i32
      %add3A_663 = arith.addi %mul3A_661, %add3A_662 : i32
      %swap3A_664 = arith.index_cast %add3A_663 : i32 to index
      %swap3A_665 = arith.constant 0 : index
      %swap3A_666 = tpu.vector_load %arg8[%swap3A_664, %swap3A_665] {strides = array<i32>} : memref<640x64xf32, #tpu.memory_space<vmem>>, vector<16xf32>,
      tpu.vector_store %arg8[%swap3A_664, %swap3A_665], %broadcast_in_dim3A_659 {strides = array<i32>} : memref<640x64xf32, #tpu.memory_space<vmem>>, vector<16xf32>,
      %mul3A_667 = arith.constant 16 : i32
      %mul3A_668 = arith.muli %scan3A_191, %mul3A_667 : i32
      %add3A_669 = arith.constant 15 : i32
      %add3A_670 = arith.addi %mul3A_668, %add3A_669 : i32
      %swap3A_671 = arith.index_cast %add3A_670 : i32 to index
      %swap3A_672 = arith.constant 16 : index
      %swap3A_673 = tpu.vector_load %arg8[%swap3A_671, %swap3A_672] {strides = array<i32>} : memref<640x64xf32, #tpu.memory_space<vmem>>, vector<16xf32>,
      tpu.vector_store %arg8[%swap3A_671, %swap3A_672], %broadcast_in_dim3A_659 {strides = array<i32>} : memref<640x64xf32, #tpu.memory_space<vmem>>, vector<16xf32>,
      %mul3A_674 = arith.constant 16 : i32
      %mul3A_675 = arith.muli %scan3A_191, %mul3A_674 : i32
      %add3A_676 = arith.constant 15 : i32
      %add3A_677 = arith.addi %mul3A_675, %add3A_676 : i32
      %swap3A_678 = arith.index_cast %add3A_677 : i32 to index
      %swap3A_679 = arith.constant 32 : index
      %swap3A_680 = tpu.vector_load %arg8[%swap3A_678, %swap3A_679] {strides = array<i32>} : memref<640x64xf32, #tpu.memory_space<vmem>>, vector<16xf32>,
      tpu.vector_store %arg8[%swap3A_678, %swap3A_679], %broadcast_in_dim3A_659 {strides = array<i32>} : memref<640x64xf32, #tpu.memory_space<vmem>>, vector<16xf32>,
      %mul3A_681 = arith.constant 16 : i32
      %mul3A_682 = arith.muli %scan3A_191, %mul3A_681 : i32
      %add3A_683 = arith.constant 15 : i32
      %add3A_684 = arith.addi %mul3A_682, %add3A_683 : i32
      %swap3A_685 = arith.index_cast %add3A_684 : i32 to index
      %swap3A_686 = arith.constant 48 : index
      %swap3A_687 = tpu.vector_load %arg8[%swap3A_685, %swap3A_686] {strides = array<i32>} : memref<640x64xf32, #tpu.memory_space<vmem>>, vector<16xf32>,
      tpu.vector_store %arg8[%swap3A_685, %swap3A_686], %broadcast_in_dim3A_659 {strides = array<i32>} : memref<640x64xf32, #tpu.memory_space<vmem>>, vector<16xf32>,
    }
    %scan3A_188 = arith.constant 40 : i32
    %mul3A_189 = arith.constant 640 : i32
    %mul3A_190 = arith.muli %arg1, %mul3A_189 : i32
    "tpu.region"() ({
      %run_scoped3A = tpu.sem_alloc : memref<!tpu.dma_semaphore, #tpu.memory_space<semaphore_mem>>
      %dma_start3A = arith.constant 0 : i32
      %dma_start3A_191 = tpu.memref_slice %arg3[%arg0, %mul3A_190, %dma_start3A] : memref<2x10240x64xf32, #tpu.memory_space<hbm>> -> memref<1x640x64xf32, #tpu.memory_space<hbm>>
      %dma_start3A_192 = tpu.memref_squeeze %dma_start3A_191 : memref<1x640x64xf32, #tpu.memory_space<hbm>> -> memref<640x64xf32, #tpu.memory_space<hbm>>
      %dma_start3A_193 = arith.constant 0 : i32
      %dma_start3A_194 = tpu.memref_slice %arg3[%arg0, %mul3A_190, %dma_start3A_193] : memref<2x10240x64xf32, #tpu.memory_space<hbm>> -> memref<1x640x64xf32, #tpu.memory_space<hbm>>
      %dma_start3A_195 = tpu.memref_squeeze %dma_start3A_194 : memref<1x640x64xf32, #tpu.memory_space<hbm>> -> memref<640x64xf32, #tpu.memory_space<hbm>>
      tpu.enqueue_dma source(%arg8 : memref<640x64xf32, #tpu.memory_space<vmem>>) target(%dma_start3A_195 : memref<640x64xf32, #tpu.memory_space<hbm>>) target_semaphore(%run_scoped3A : memref<!tpu.dma_semaphore, #tpu.memory_space<semaphore_mem>>)
      %dma_wait3A = arith.constant 0 : i32
      %dma_wait3A_196 = tpu.memref_slice %arg3[%arg0, %mul3A_190, %dma_wait3A] : memref<2x10240x64xf32, #tpu.memory_space<hbm>> -> memref<1x640x64xf32, #tpu.memory_space<hbm>>
      %dma_wait3A_197 = tpu.memref_squeeze %dma_wait3A_196 : memref<1x640x64xf32, #tpu.memory_space<hbm>> -> memref<640x64xf32, #tpu.memory_space<hbm>>
      %dma_wait3A_198 = arith.constant 0 : i32
      %dma_wait3A_199 = tpu.memref_slice %arg3[%arg0, %mul3A_190, %dma_wait3A_198] : memref<2x10240x64xf32, #tpu.memory_space<hbm>> -> memref<1x640x64xf32, #tpu.memory_space<hbm>>
      %dma_wait3A_200 = tpu.memref_squeeze %dma_wait3A_199 : memref<1x640x64xf32, #tpu.memory_space<hbm>> -> memref<640x64xf32, #tpu.memory_space<hbm>>
      tpu.wait_dma2 semaphore(%run_scoped3A : memref<!tpu.dma_semaphore, #tpu.memory_space<semaphore_mem>>) src(%arg8 : memref<640x64xf32, #tpu.memory_space<vmem>>) dst(%dma_wait3A_200 : memref<640x64xf32, #tpu.memory_space<hbm>>)
      tpu.yield
    }) : () -> ()
    return
  }
}

#map = affine_map<(d0, d1) -> (0, 0)>
#map1 = affine_map<(d0, d1) -> (0, 0, 0)>
module attributes {stable_mosaic.version = 14 : i64} {
  func.func @_agg_body(%arg0: i32, %arg1: i32, %arg2: memref<10240x64xf32, #tpu.memory_space<hbm>>, %arg3: memref<2560x128xi32, #tpu.memory_space<hbm>>, %arg4: memref<2560x128xi32, #tpu.memory_space<hbm>>, %arg5: memref<2x10240x64xf32, #tpu.memory_space<hbm>>, %arg6: memref<40x128xi32, #tpu.memory_space<vmem>>, %arg7: memref<40x128xi32, #tpu.memory_space<vmem>>, %arg8: memref<128x64xf32, #tpu.memory_space<vmem>>, %arg9: memref<128x64xf32, #tpu.memory_space<vmem>>, %arg10: memref<10240x64xf32, #tpu.memory_space<vmem_shared>>, %arg11: memref<!tpu.dma_semaphore, #tpu.memory_space<semaphore_mem>>, %arg12: memref<!tpu.dma_semaphore, #tpu.memory_space<semaphore_mem>>) attributes {dimension_semantics = [#tpu.dimension_semantics<core_parallel>, #tpu.dimension_semantics<subcore_parallel>], iteration_bounds = array<i64: 2, 16>, scalar_prefetch = 0 : i64, scratch_operands = 7 : i64, tpu.core_type = #tpu.core_type<sc_vector_subcore>, window_params = [{transform_indices = #map}, {transform_indices = #map}, {transform_indices = #map}, {transform_indices = #map1}]} {
    %mul3A = arith.constant 16 : i32
    %mul3A_0 = arith.muli %arg0, %mul3A : i32
    %add3A = arith.addi %mul3A_0, %arg1 : i32
    %scan3A = arith.constant 0 : i32
    %scan3A_1 = arith.constant 0 : i32
    %scan3A_2 = arith.constant 128 : i32
    %scan3A_3 = arith.addi %scan3A_1, %scan3A_2 : i32
    %scan3A_4 = arith.constant 1 : i32
    scf.for %scan3A_75 = %scan3A_1 to %scan3A_3 step %scan3A_4  : i32 {
      %broadcast_in_dim3A = arith.constant 0.000000e+00 : f32
      %broadcast_in_dim3A_76 = vector.broadcast %broadcast_in_dim3A : f32 to vector<16xf32>
      %swap3A = arith.index_cast %scan3A_75 : i32 to index
      %swap3A_77 = arith.constant 0 : index
      %swap3A_78 = tpu.vector_load %arg8[%swap3A, %swap3A_77] {strides = array<i32>} : memref<128x64xf32, #tpu.memory_space<vmem>>, vector<16xf32>,
      tpu.vector_store %arg8[%swap3A, %swap3A_77], %broadcast_in_dim3A_76 {strides = array<i32>} : memref<128x64xf32, #tpu.memory_space<vmem>>, vector<16xf32>,
      %broadcast_in_dim3A_79 = arith.constant 0.000000e+00 : f32
      %broadcast_in_dim3A_80 = vector.broadcast %broadcast_in_dim3A_79 : f32 to vector<16xf32>
      %swap3A_81 = arith.index_cast %scan3A_75 : i32 to index
      %swap3A_82 = arith.constant 16 : index
      %swap3A_83 = tpu.vector_load %arg8[%swap3A_81, %swap3A_82] {strides = array<i32>} : memref<128x64xf32, #tpu.memory_space<vmem>>, vector<16xf32>,
      tpu.vector_store %arg8[%swap3A_81, %swap3A_82], %broadcast_in_dim3A_80 {strides = array<i32>} : memref<128x64xf32, #tpu.memory_space<vmem>>, vector<16xf32>,
      %broadcast_in_dim3A_84 = arith.constant 0.000000e+00 : f32
      %broadcast_in_dim3A_85 = vector.broadcast %broadcast_in_dim3A_84 : f32 to vector<16xf32>
      %swap3A_86 = arith.index_cast %scan3A_75 : i32 to index
      %swap3A_87 = arith.constant 32 : index
      %swap3A_88 = tpu.vector_load %arg8[%swap3A_86, %swap3A_87] {strides = array<i32>} : memref<128x64xf32, #tpu.memory_space<vmem>>, vector<16xf32>,
      tpu.vector_store %arg8[%swap3A_86, %swap3A_87], %broadcast_in_dim3A_85 {strides = array<i32>} : memref<128x64xf32, #tpu.memory_space<vmem>>, vector<16xf32>,
      %broadcast_in_dim3A_89 = arith.constant 0.000000e+00 : f32
      %broadcast_in_dim3A_90 = vector.broadcast %broadcast_in_dim3A_89 : f32 to vector<16xf32>
      %swap3A_91 = arith.index_cast %scan3A_75 : i32 to index
      %swap3A_92 = arith.constant 48 : index
      %swap3A_93 = tpu.vector_load %arg8[%swap3A_91, %swap3A_92] {strides = array<i32>} : memref<128x64xf32, #tpu.memory_space<vmem>>, vector<16xf32>,
      tpu.vector_store %arg8[%swap3A_91, %swap3A_92], %broadcast_in_dim3A_90 {strides = array<i32>} : memref<128x64xf32, #tpu.memory_space<vmem>>, vector<16xf32>,
    }
    %scan3A_5 = arith.constant 128 : i32
    %mul3A_6 = arith.constant 640 : i32
    %mul3A_7 = arith.muli %arg1, %mul3A_6 : i32
    %add3A_8 = arith.constant 0 : i32
    %add3A_9 = arith.addi %mul3A_7, %add3A_8 : i32
    "tpu.region"() ({
      %run_scoped3A = tpu.sem_alloc : memref<!tpu.dma_semaphore, #tpu.memory_space<semaphore_mem>>
      %dma_start3A_75 = arith.constant 0 : i32
      %dma_start3A_76 = tpu.memref_slice %arg10[%add3A_9, %dma_start3A_75] : memref<10240x64xf32, #tpu.memory_space<vmem_shared>> -> memref<128x64xf32, #tpu.memory_space<vmem_shared>>
      %dma_start3A_77 = arith.constant 0 : i32
      %dma_start3A_78 = tpu.memref_slice %arg10[%add3A_9, %dma_start3A_77] : memref<10240x64xf32, #tpu.memory_space<vmem_shared>> -> memref<128x64xf32, #tpu.memory_space<vmem_shared>>
      tpu.enqueue_dma source(%arg8 : memref<128x64xf32, #tpu.memory_space<vmem>>) target(%dma_start3A_78 : memref<128x64xf32, #tpu.memory_space<vmem_shared>>) target_semaphore(%run_scoped3A : memref<!tpu.dma_semaphore, #tpu.memory_space<semaphore_mem>>)
      %dma_wait3A_79 = arith.constant 0 : i32
      %dma_wait3A_80 = tpu.memref_slice %arg10[%add3A_9, %dma_wait3A_79] : memref<10240x64xf32, #tpu.memory_space<vmem_shared>> -> memref<128x64xf32, #tpu.memory_space<vmem_shared>>
      %dma_wait3A_81 = arith.constant 0 : i32
      %dma_wait3A_82 = tpu.memref_slice %arg10[%add3A_9, %dma_wait3A_81] : memref<10240x64xf32, #tpu.memory_space<vmem_shared>> -> memref<128x64xf32, #tpu.memory_space<vmem_shared>>
      tpu.wait_dma2 semaphore(%run_scoped3A : memref<!tpu.dma_semaphore, #tpu.memory_space<semaphore_mem>>) src(%arg8 : memref<128x64xf32, #tpu.memory_space<vmem>>) dst(%dma_wait3A_82 : memref<128x64xf32, #tpu.memory_space<vmem_shared>>)
      tpu.yield
    }) : () -> ()
    %mul3A_10 = arith.constant 640 : i32
    %mul3A_11 = arith.muli %arg1, %mul3A_10 : i32
    %add3A_12 = arith.constant 128 : i32
    %add3A_13 = arith.addi %mul3A_11, %add3A_12 : i32
    "tpu.region"() ({
      %run_scoped3A = tpu.sem_alloc : memref<!tpu.dma_semaphore, #tpu.memory_space<semaphore_mem>>
      %dma_start3A_75 = arith.constant 0 : i32
      %dma_start3A_76 = tpu.memref_slice %arg10[%add3A_13, %dma_start3A_75] : memref<10240x64xf32, #tpu.memory_space<vmem_shared>> -> memref<128x64xf32, #tpu.memory_space<vmem_shared>>
      %dma_start3A_77 = arith.constant 0 : i32
      %dma_start3A_78 = tpu.memref_slice %arg10[%add3A_13, %dma_start3A_77] : memref<10240x64xf32, #tpu.memory_space<vmem_shared>> -> memref<128x64xf32, #tpu.memory_space<vmem_shared>>
      tpu.enqueue_dma source(%arg8 : memref<128x64xf32, #tpu.memory_space<vmem>>) target(%dma_start3A_78 : memref<128x64xf32, #tpu.memory_space<vmem_shared>>) target_semaphore(%run_scoped3A : memref<!tpu.dma_semaphore, #tpu.memory_space<semaphore_mem>>)
      %dma_wait3A_79 = arith.constant 0 : i32
      %dma_wait3A_80 = tpu.memref_slice %arg10[%add3A_13, %dma_wait3A_79] : memref<10240x64xf32, #tpu.memory_space<vmem_shared>> -> memref<128x64xf32, #tpu.memory_space<vmem_shared>>
      %dma_wait3A_81 = arith.constant 0 : i32
      %dma_wait3A_82 = tpu.memref_slice %arg10[%add3A_13, %dma_wait3A_81] : memref<10240x64xf32, #tpu.memory_space<vmem_shared>> -> memref<128x64xf32, #tpu.memory_space<vmem_shared>>
      tpu.wait_dma2 semaphore(%run_scoped3A : memref<!tpu.dma_semaphore, #tpu.memory_space<semaphore_mem>>) src(%arg8 : memref<128x64xf32, #tpu.memory_space<vmem>>) dst(%dma_wait3A_82 : memref<128x64xf32, #tpu.memory_space<vmem_shared>>)
      tpu.yield
    }) : () -> ()
    %mul3A_14 = arith.constant 640 : i32
    %mul3A_15 = arith.muli %arg1, %mul3A_14 : i32
    %add3A_16 = arith.constant 256 : i32
    %add3A_17 = arith.addi %mul3A_15, %add3A_16 : i32
    "tpu.region"() ({
      %run_scoped3A = tpu.sem_alloc : memref<!tpu.dma_semaphore, #tpu.memory_space<semaphore_mem>>
      %dma_start3A_75 = arith.constant 0 : i32
      %dma_start3A_76 = tpu.memref_slice %arg10[%add3A_17, %dma_start3A_75] : memref<10240x64xf32, #tpu.memory_space<vmem_shared>> -> memref<128x64xf32, #tpu.memory_space<vmem_shared>>
      %dma_start3A_77 = arith.constant 0 : i32
      %dma_start3A_78 = tpu.memref_slice %arg10[%add3A_17, %dma_start3A_77] : memref<10240x64xf32, #tpu.memory_space<vmem_shared>> -> memref<128x64xf32, #tpu.memory_space<vmem_shared>>
      tpu.enqueue_dma source(%arg8 : memref<128x64xf32, #tpu.memory_space<vmem>>) target(%dma_start3A_78 : memref<128x64xf32, #tpu.memory_space<vmem_shared>>) target_semaphore(%run_scoped3A : memref<!tpu.dma_semaphore, #tpu.memory_space<semaphore_mem>>)
      %dma_wait3A_79 = arith.constant 0 : i32
      %dma_wait3A_80 = tpu.memref_slice %arg10[%add3A_17, %dma_wait3A_79] : memref<10240x64xf32, #tpu.memory_space<vmem_shared>> -> memref<128x64xf32, #tpu.memory_space<vmem_shared>>
      %dma_wait3A_81 = arith.constant 0 : i32
      %dma_wait3A_82 = tpu.memref_slice %arg10[%add3A_17, %dma_wait3A_81] : memref<10240x64xf32, #tpu.memory_space<vmem_shared>> -> memref<128x64xf32, #tpu.memory_space<vmem_shared>>
      tpu.wait_dma2 semaphore(%run_scoped3A : memref<!tpu.dma_semaphore, #tpu.memory_space<semaphore_mem>>) src(%arg8 : memref<128x64xf32, #tpu.memory_space<vmem>>) dst(%dma_wait3A_82 : memref<128x64xf32, #tpu.memory_space<vmem_shared>>)
      tpu.yield
    }) : () -> ()
    %mul3A_18 = arith.constant 640 : i32
    %mul3A_19 = arith.muli %arg1, %mul3A_18 : i32
    %add3A_20 = arith.constant 384 : i32
    %add3A_21 = arith.addi %mul3A_19, %add3A_20 : i32
    "tpu.region"() ({
      %run_scoped3A = tpu.sem_alloc : memref<!tpu.dma_semaphore, #tpu.memory_space<semaphore_mem>>
      %dma_start3A_75 = arith.constant 0 : i32
      %dma_start3A_76 = tpu.memref_slice %arg10[%add3A_21, %dma_start3A_75] : memref<10240x64xf32, #tpu.memory_space<vmem_shared>> -> memref<128x64xf32, #tpu.memory_space<vmem_shared>>
      %dma_start3A_77 = arith.constant 0 : i32
      %dma_start3A_78 = tpu.memref_slice %arg10[%add3A_21, %dma_start3A_77] : memref<10240x64xf32, #tpu.memory_space<vmem_shared>> -> memref<128x64xf32, #tpu.memory_space<vmem_shared>>
      tpu.enqueue_dma source(%arg8 : memref<128x64xf32, #tpu.memory_space<vmem>>) target(%dma_start3A_78 : memref<128x64xf32, #tpu.memory_space<vmem_shared>>) target_semaphore(%run_scoped3A : memref<!tpu.dma_semaphore, #tpu.memory_space<semaphore_mem>>)
      %dma_wait3A_79 = arith.constant 0 : i32
      %dma_wait3A_80 = tpu.memref_slice %arg10[%add3A_21, %dma_wait3A_79] : memref<10240x64xf32, #tpu.memory_space<vmem_shared>> -> memref<128x64xf32, #tpu.memory_space<vmem_shared>>
      %dma_wait3A_81 = arith.constant 0 : i32
      %dma_wait3A_82 = tpu.memref_slice %arg10[%add3A_21, %dma_wait3A_81] : memref<10240x64xf32, #tpu.memory_space<vmem_shared>> -> memref<128x64xf32, #tpu.memory_space<vmem_shared>>
      tpu.wait_dma2 semaphore(%run_scoped3A : memref<!tpu.dma_semaphore, #tpu.memory_space<semaphore_mem>>) src(%arg8 : memref<128x64xf32, #tpu.memory_space<vmem>>) dst(%dma_wait3A_82 : memref<128x64xf32, #tpu.memory_space<vmem_shared>>)
      tpu.yield
    }) : () -> ()
    %mul3A_22 = arith.constant 640 : i32
    %mul3A_23 = arith.muli %arg1, %mul3A_22 : i32
    %add3A_24 = arith.constant 512 : i32
    %add3A_25 = arith.addi %mul3A_23, %add3A_24 : i32
    "tpu.region"() ({
      %run_scoped3A = tpu.sem_alloc : memref<!tpu.dma_semaphore, #tpu.memory_space<semaphore_mem>>
      %dma_start3A_75 = arith.constant 0 : i32
      %dma_start3A_76 = tpu.memref_slice %arg10[%add3A_25, %dma_start3A_75] : memref<10240x64xf32, #tpu.memory_space<vmem_shared>> -> memref<128x64xf32, #tpu.memory_space<vmem_shared>>
      %dma_start3A_77 = arith.constant 0 : i32
      %dma_start3A_78 = tpu.memref_slice %arg10[%add3A_25, %dma_start3A_77] : memref<10240x64xf32, #tpu.memory_space<vmem_shared>> -> memref<128x64xf32, #tpu.memory_space<vmem_shared>>
      tpu.enqueue_dma source(%arg8 : memref<128x64xf32, #tpu.memory_space<vmem>>) target(%dma_start3A_78 : memref<128x64xf32, #tpu.memory_space<vmem_shared>>) target_semaphore(%run_scoped3A : memref<!tpu.dma_semaphore, #tpu.memory_space<semaphore_mem>>)
      %dma_wait3A_79 = arith.constant 0 : i32
      %dma_wait3A_80 = tpu.memref_slice %arg10[%add3A_25, %dma_wait3A_79] : memref<10240x64xf32, #tpu.memory_space<vmem_shared>> -> memref<128x64xf32, #tpu.memory_space<vmem_shared>>
      %dma_wait3A_81 = arith.constant 0 : i32
      %dma_wait3A_82 = tpu.memref_slice %arg10[%add3A_25, %dma_wait3A_81] : memref<10240x64xf32, #tpu.memory_space<vmem_shared>> -> memref<128x64xf32, #tpu.memory_space<vmem_shared>>
      tpu.wait_dma2 semaphore(%run_scoped3A : memref<!tpu.dma_semaphore, #tpu.memory_space<semaphore_mem>>) src(%arg8 : memref<128x64xf32, #tpu.memory_space<vmem>>) dst(%dma_wait3A_82 : memref<128x64xf32, #tpu.memory_space<vmem_shared>>)
      tpu.yield
    }) : () -> ()
    %barrier3A = arith.constant 0 : index
    tpu.barrier barrier_id(%barrier3A)
    %mul3A_26 = arith.constant 80 : i32
    %mul3A_27 = arith.muli %add3A, %mul3A_26 : i32
    %add3A_28 = arith.constant 0 : i32
    %add3A_29 = arith.addi %mul3A_27, %add3A_28 : i32
    "tpu.region"() ({
      %run_scoped3A = tpu.sem_alloc : memref<!tpu.dma_semaphore, #tpu.memory_space<semaphore_mem>>
      %dma_start3A_75 = arith.constant 0 : i32
      %dma_start3A_76 = tpu.memref_slice %arg3[%add3A_29, %dma_start3A_75] : memref<2560x128xi32, #tpu.memory_space<hbm>> -> memref<40x128xi32, #tpu.memory_space<hbm>>
      %dma_start3A_77 = arith.constant 0 : i32
      %dma_start3A_78 = tpu.memref_slice %arg3[%add3A_29, %dma_start3A_77] : memref<2560x128xi32, #tpu.memory_space<hbm>> -> memref<40x128xi32, #tpu.memory_space<hbm>>
      tpu.enqueue_dma source(%dma_start3A_78 : memref<40x128xi32, #tpu.memory_space<hbm>>) target(%arg6 : memref<40x128xi32, #tpu.memory_space<vmem>>) target_semaphore(%run_scoped3A : memref<!tpu.dma_semaphore, #tpu.memory_space<semaphore_mem>>)
      %dma_wait3A_79 = arith.constant 0 : i32
      %dma_wait3A_80 = tpu.memref_slice %arg3[%add3A_29, %dma_wait3A_79] : memref<2560x128xi32, #tpu.memory_space<hbm>> -> memref<40x128xi32, #tpu.memory_space<hbm>>
      %dma_wait3A_81 = arith.constant 0 : i32
      %dma_wait3A_82 = tpu.memref_slice %arg3[%add3A_29, %dma_wait3A_81] : memref<2560x128xi32, #tpu.memory_space<hbm>> -> memref<40x128xi32, #tpu.memory_space<hbm>>
      tpu.wait_dma2 semaphore(%run_scoped3A : memref<!tpu.dma_semaphore, #tpu.memory_space<semaphore_mem>>) src(%dma_wait3A_82 : memref<40x128xi32, #tpu.memory_space<hbm>>) dst(%arg6 : memref<40x128xi32, #tpu.memory_space<vmem>>)
      tpu.yield
    }) : () -> ()
    "tpu.region"() ({
      %run_scoped3A = tpu.sem_alloc : memref<!tpu.dma_semaphore, #tpu.memory_space<semaphore_mem>>
      %dma_start3A_75 = arith.constant 0 : i32
      %dma_start3A_76 = tpu.memref_slice %arg4[%add3A_29, %dma_start3A_75] : memref<2560x128xi32, #tpu.memory_space<hbm>> -> memref<40x128xi32, #tpu.memory_space<hbm>>
      %dma_start3A_77 = arith.constant 0 : i32
      %dma_start3A_78 = tpu.memref_slice %arg4[%add3A_29, %dma_start3A_77] : memref<2560x128xi32, #tpu.memory_space<hbm>> -> memref<40x128xi32, #tpu.memory_space<hbm>>
      tpu.enqueue_dma source(%dma_start3A_78 : memref<40x128xi32, #tpu.memory_space<hbm>>) target(%arg7 : memref<40x128xi32, #tpu.memory_space<vmem>>) target_semaphore(%run_scoped3A : memref<!tpu.dma_semaphore, #tpu.memory_space<semaphore_mem>>)
      %dma_wait3A_79 = arith.constant 0 : i32
      %dma_wait3A_80 = tpu.memref_slice %arg4[%add3A_29, %dma_wait3A_79] : memref<2560x128xi32, #tpu.memory_space<hbm>> -> memref<40x128xi32, #tpu.memory_space<hbm>>
      %dma_wait3A_81 = arith.constant 0 : i32
      %dma_wait3A_82 = tpu.memref_slice %arg4[%add3A_29, %dma_wait3A_81] : memref<2560x128xi32, #tpu.memory_space<hbm>> -> memref<40x128xi32, #tpu.memory_space<hbm>>
      tpu.wait_dma2 semaphore(%run_scoped3A : memref<!tpu.dma_semaphore, #tpu.memory_space<semaphore_mem>>) src(%dma_wait3A_82 : memref<40x128xi32, #tpu.memory_space<hbm>>) dst(%arg7 : memref<40x128xi32, #tpu.memory_space<vmem>>)
      tpu.yield
    }) : () -> ()
    %dma_start3A = arith.constant 0 : i32
    %dma_start3A_30 = arith.constant 0 : i32
    %dma_start3A_31 = tpu.memref_slice %arg6[%dma_start3A, %dma_start3A_30] : memref<40x128xi32, #tpu.memory_space<vmem>> -> memref<1x128xi32, #tpu.memory_space<vmem>>
    %dma_start3A_32 = tpu.memref_squeeze %dma_start3A_31 : memref<1x128xi32, #tpu.memory_space<vmem>> -> memref<128xi32, #tpu.memory_space<vmem>>
    %dma_start3A_33 = arith.constant 0 : i32
    %dma_start3A_34 = arith.constant 0 : i32
    %dma_start3A_35 = tpu.memref_slice %arg2[%dma_start3A_33, %dma_start3A_34] : memref<10240x64xf32, #tpu.memory_space<hbm>> -> memref<10240x64xf32, #tpu.memory_space<hbm>>
    tpu.enqueue_indirect_dma source(%dma_start3A_35 : memref<10240x64xf32, #tpu.memory_space<hbm>>) target(%arg8 : memref<128x64xf32, #tpu.memory_space<vmem>>) offsets(%dma_start3A_32 : memref<128xi32, #tpu.memory_space<vmem>>) semaphore(%arg11 : memref<!tpu.dma_semaphore, #tpu.memory_space<semaphore_mem>>)
    %scan3A_36 = arith.constant 0 : i32
    %scan3A_37 = arith.constant 0 : i32
    %scan3A_38 = arith.constant 20 : i32
    %scan3A_39 = arith.addi %scan3A_37, %scan3A_38 : i32
    %scan3A_40 = arith.constant 1 : i32
    scf.for %scan3A_75 = %scan3A_37 to %scan3A_39 step %scan3A_40  : i32 {
      %mul3A_76 = arith.constant 2 : i32
      %mul3A_77 = arith.muli %mul3A_76, %scan3A_75 : i32
      %dma_wait3A_78 = arith.constant 0 : i32
      %dma_wait3A_79 = arith.constant 0 : i32
      %dma_wait3A_80 = tpu.memref_slice %arg2[%dma_wait3A_78, %dma_wait3A_79] : memref<10240x64xf32, #tpu.memory_space<hbm>> -> memref<128x64xf32, #tpu.memory_space<hbm>>
      %dma_wait3A_81 = arith.constant 0 : i32
      %dma_wait3A_82 = arith.constant 0 : i32
      %dma_wait3A_83 = tpu.memref_slice %arg2[%dma_wait3A_81, %dma_wait3A_82] : memref<10240x64xf32, #tpu.memory_space<hbm>> -> memref<128x64xf32, #tpu.memory_space<hbm>>
      tpu.wait_dma2 semaphore(%arg11 : memref<!tpu.dma_semaphore, #tpu.memory_space<semaphore_mem>>) src(%dma_wait3A_83 : memref<128x64xf32, #tpu.memory_space<hbm>>) dst(%arg8 : memref<128x64xf32, #tpu.memory_space<vmem>>)
      %gt3A = arith.constant 0 : i32
      %gt3A_84 = arith.cmpi sgt, %scan3A_75, %gt3A : i32
      %convert_element_type3A = arith.extui %gt3A_84 : i1 to i32
      %cond3A = arith.constant 0 : i32
      %cond3A_85 = arith.cmpi ne, %convert_element_type3A, %cond3A : i32
      scf.if %cond3A_85 {
        %dma_wait3A_124 = arith.constant 0 : i32
        %dma_wait3A_125 = arith.constant 0 : i32
        %dma_wait3A_126 = tpu.memref_slice %arg2[%dma_wait3A_124, %dma_wait3A_125] : memref<10240x64xf32, #tpu.memory_space<hbm>> -> memref<128x64xf32, #tpu.memory_space<hbm>>
        %dma_wait3A_127 = arith.constant 0 : i32
        %dma_wait3A_128 = arith.constant 0 : i32
        %dma_wait3A_129 = tpu.memref_slice %arg2[%dma_wait3A_127, %dma_wait3A_128] : memref<10240x64xf32, #tpu.memory_space<hbm>> -> memref<128x64xf32, #tpu.memory_space<hbm>>
        tpu.wait_dma2 semaphore(%arg12 : memref<!tpu.dma_semaphore, #tpu.memory_space<semaphore_mem>>) src(%dma_wait3A_129 : memref<128x64xf32, #tpu.memory_space<hbm>>) dst(%arg9 : memref<128x64xf32, #tpu.memory_space<vmem>>)
      } else {
      }
      %add3A_86 = arith.constant 1 : i32
      %add3A_87 = arith.addi %mul3A_77, %add3A_86 : i32
      %dma_start3A_88 = arith.constant 0 : i32
      %dma_start3A_89 = tpu.memref_slice %arg6[%add3A_87, %dma_start3A_88] : memref<40x128xi32, #tpu.memory_space<vmem>> -> memref<1x128xi32, #tpu.memory_space<vmem>>
      %dma_start3A_90 = tpu.memref_squeeze %dma_start3A_89 : memref<1x128xi32, #tpu.memory_space<vmem>> -> memref<128xi32, #tpu.memory_space<vmem>>
      %dma_start3A_91 = arith.constant 0 : i32
      %dma_start3A_92 = arith.constant 0 : i32
      %dma_start3A_93 = tpu.memref_slice %arg2[%dma_start3A_91, %dma_start3A_92] : memref<10240x64xf32, #tpu.memory_space<hbm>> -> memref<10240x64xf32, #tpu.memory_space<hbm>>
      tpu.enqueue_indirect_dma source(%dma_start3A_93 : memref<10240x64xf32, #tpu.memory_space<hbm>>) target(%arg9 : memref<128x64xf32, #tpu.memory_space<vmem>>) offsets(%dma_start3A_90 : memref<128xi32, #tpu.memory_space<vmem>>) semaphore(%arg11 : memref<!tpu.dma_semaphore, #tpu.memory_space<semaphore_mem>>)
      %dma_start3A_94 = arith.constant 0 : i32
      %dma_start3A_95 = tpu.memref_slice %arg7[%mul3A_77, %dma_start3A_94] : memref<40x128xi32, #tpu.memory_space<vmem>> -> memref<1x128xi32, #tpu.memory_space<vmem>>
      %dma_start3A_96 = tpu.memref_squeeze %dma_start3A_95 : memref<1x128xi32, #tpu.memory_space<vmem>> -> memref<128xi32, #tpu.memory_space<vmem>>
      %dma_start3A_97 = arith.constant 0 : i32
      %dma_start3A_98 = arith.constant 0 : i32
      %dma_start3A_99 = tpu.memref_slice %arg10[%dma_start3A_97, %dma_start3A_98] : memref<10240x64xf32, #tpu.memory_space<vmem_shared>> -> memref<10240x64xf32, #tpu.memory_space<vmem_shared>>
      tpu.enqueue_indirect_dma source(%arg8 : memref<128x64xf32, #tpu.memory_space<vmem>>) target(%dma_start3A_99 : memref<10240x64xf32, #tpu.memory_space<vmem_shared>>) offsets(%dma_start3A_96 : memref<128xi32, #tpu.memory_space<vmem>>) semaphore(%arg12 : memref<!tpu.dma_semaphore, #tpu.memory_space<semaphore_mem>>) {add = true}
      %dma_wait3A_100 = arith.constant 0 : i32
      %dma_wait3A_101 = arith.constant 0 : i32
      %dma_wait3A_102 = tpu.memref_slice %arg2[%dma_wait3A_100, %dma_wait3A_101] : memref<10240x64xf32, #tpu.memory_space<hbm>> -> memref<128x64xf32, #tpu.memory_space<hbm>>
      %dma_wait3A_103 = arith.constant 0 : i32
      %dma_wait3A_104 = arith.constant 0 : i32
      %dma_wait3A_105 = tpu.memref_slice %arg2[%dma_wait3A_103, %dma_wait3A_104] : memref<10240x64xf32, #tpu.memory_space<hbm>> -> memref<128x64xf32, #tpu.memory_space<hbm>>
      tpu.wait_dma2 semaphore(%arg11 : memref<!tpu.dma_semaphore, #tpu.memory_space<semaphore_mem>>) src(%dma_wait3A_105 : memref<128x64xf32, #tpu.memory_space<hbm>>) dst(%arg9 : memref<128x64xf32, #tpu.memory_space<vmem>>)
      %dma_wait3A_106 = arith.constant 0 : i32
      %dma_wait3A_107 = arith.constant 0 : i32
      %dma_wait3A_108 = tpu.memref_slice %arg2[%dma_wait3A_106, %dma_wait3A_107] : memref<10240x64xf32, #tpu.memory_space<hbm>> -> memref<128x64xf32, #tpu.memory_space<hbm>>
      %dma_wait3A_109 = arith.constant 0 : i32
      %dma_wait3A_110 = arith.constant 0 : i32
      %dma_wait3A_111 = tpu.memref_slice %arg2[%dma_wait3A_109, %dma_wait3A_110] : memref<10240x64xf32, #tpu.memory_space<hbm>> -> memref<128x64xf32, #tpu.memory_space<hbm>>
      tpu.wait_dma2 semaphore(%arg12 : memref<!tpu.dma_semaphore, #tpu.memory_space<semaphore_mem>>) src(%dma_wait3A_111 : memref<128x64xf32, #tpu.memory_space<hbm>>) dst(%arg8 : memref<128x64xf32, #tpu.memory_space<vmem>>)
      %lt3A = arith.constant 19 : i32
      %lt3A_112 = arith.cmpi slt, %scan3A_75, %lt3A : i32
      %convert_element_type3A_113 = arith.extui %lt3A_112 : i1 to i32
      %cond3A_114 = arith.constant 0 : i32
      %cond3A_115 = arith.cmpi ne, %convert_element_type3A_113, %cond3A_114 : i32
      scf.if %cond3A_115 {
        %add3A_124 = arith.constant 2 : i32
        %add3A_125 = arith.addi %mul3A_77, %add3A_124 : i32
        %dma_start3A_126 = arith.constant 0 : i32
        %dma_start3A_127 = tpu.memref_slice %arg6[%add3A_125, %dma_start3A_126] : memref<40x128xi32, #tpu.memory_space<vmem>> -> memref<1x128xi32, #tpu.memory_space<vmem>>
        %dma_start3A_128 = tpu.memref_squeeze %dma_start3A_127 : memref<1x128xi32, #tpu.memory_space<vmem>> -> memref<128xi32, #tpu.memory_space<vmem>>
        %dma_start3A_129 = arith.constant 0 : i32
        %dma_start3A_130 = arith.constant 0 : i32
        %dma_start3A_131 = tpu.memref_slice %arg2[%dma_start3A_129, %dma_start3A_130] : memref<10240x64xf32, #tpu.memory_space<hbm>> -> memref<10240x64xf32, #tpu.memory_space<hbm>>
        tpu.enqueue_indirect_dma source(%dma_start3A_131 : memref<10240x64xf32, #tpu.memory_space<hbm>>) target(%arg8 : memref<128x64xf32, #tpu.memory_space<vmem>>) offsets(%dma_start3A_128 : memref<128xi32, #tpu.memory_space<vmem>>) semaphore(%arg11 : memref<!tpu.dma_semaphore, #tpu.memory_space<semaphore_mem>>)
      } else {
      }
      %add3A_116 = arith.constant 1 : i32
      %add3A_117 = arith.addi %mul3A_77, %add3A_116 : i32
      %dma_start3A_118 = arith.constant 0 : i32
      %dma_start3A_119 = tpu.memref_slice %arg7[%add3A_117, %dma_start3A_118] : memref<40x128xi32, #tpu.memory_space<vmem>> -> memref<1x128xi32, #tpu.memory_space<vmem>>
      %dma_start3A_120 = tpu.memref_squeeze %dma_start3A_119 : memref<1x128xi32, #tpu.memory_space<vmem>> -> memref<128xi32, #tpu.memory_space<vmem>>
      %dma_start3A_121 = arith.constant 0 : i32
      %dma_start3A_122 = arith.constant 0 : i32
      %dma_start3A_123 = tpu.memref_slice %arg10[%dma_start3A_121, %dma_start3A_122] : memref<10240x64xf32, #tpu.memory_space<vmem_shared>> -> memref<10240x64xf32, #tpu.memory_space<vmem_shared>>
      tpu.enqueue_indirect_dma source(%arg9 : memref<128x64xf32, #tpu.memory_space<vmem>>) target(%dma_start3A_123 : memref<10240x64xf32, #tpu.memory_space<vmem_shared>>) offsets(%dma_start3A_120 : memref<128xi32, #tpu.memory_space<vmem>>) semaphore(%arg12 : memref<!tpu.dma_semaphore, #tpu.memory_space<semaphore_mem>>) {add = true}
    }
    %scan3A_41 = arith.constant 20 : i32
    %dma_wait3A = arith.constant 0 : i32
    %dma_wait3A_42 = arith.constant 0 : i32
    %dma_wait3A_43 = tpu.memref_slice %arg2[%dma_wait3A, %dma_wait3A_42] : memref<10240x64xf32, #tpu.memory_space<hbm>> -> memref<128x64xf32, #tpu.memory_space<hbm>>
    %dma_wait3A_44 = arith.constant 0 : i32
    %dma_wait3A_45 = arith.constant 0 : i32
    %dma_wait3A_46 = tpu.memref_slice %arg2[%dma_wait3A_44, %dma_wait3A_45] : memref<10240x64xf32, #tpu.memory_space<hbm>> -> memref<128x64xf32, #tpu.memory_space<hbm>>
    tpu.wait_dma2 semaphore(%arg12 : memref<!tpu.dma_semaphore, #tpu.memory_space<semaphore_mem>>) src(%dma_wait3A_46 : memref<128x64xf32, #tpu.memory_space<hbm>>) dst(%arg9 : memref<128x64xf32, #tpu.memory_space<vmem>>)
    %mul3A_47 = arith.constant 80 : i32
    %mul3A_48 = arith.muli %add3A, %mul3A_47 : i32
    %add3A_49 = arith.constant 40 : i32
    %add3A_50 = arith.addi %mul3A_48, %add3A_49 : i32
    "tpu.region"() ({
      %run_scoped3A = tpu.sem_alloc : memref<!tpu.dma_semaphore, #tpu.memory_space<semaphore_mem>>
      %dma_start3A_75 = arith.constant 0 : i32
      %dma_start3A_76 = tpu.memref_slice %arg3[%add3A_50, %dma_start3A_75] : memref<2560x128xi32, #tpu.memory_space<hbm>> -> memref<40x128xi32, #tpu.memory_space<hbm>>
      %dma_start3A_77 = arith.constant 0 : i32
      %dma_start3A_78 = tpu.memref_slice %arg3[%add3A_50, %dma_start3A_77] : memref<2560x128xi32, #tpu.memory_space<hbm>> -> memref<40x128xi32, #tpu.memory_space<hbm>>
      tpu.enqueue_dma source(%dma_start3A_78 : memref<40x128xi32, #tpu.memory_space<hbm>>) target(%arg6 : memref<40x128xi32, #tpu.memory_space<vmem>>) target_semaphore(%run_scoped3A : memref<!tpu.dma_semaphore, #tpu.memory_space<semaphore_mem>>)
      %dma_wait3A_79 = arith.constant 0 : i32
      %dma_wait3A_80 = tpu.memref_slice %arg3[%add3A_50, %dma_wait3A_79] : memref<2560x128xi32, #tpu.memory_space<hbm>> -> memref<40x128xi32, #tpu.memory_space<hbm>>
      %dma_wait3A_81 = arith.constant 0 : i32
      %dma_wait3A_82 = tpu.memref_slice %arg3[%add3A_50, %dma_wait3A_81] : memref<2560x128xi32, #tpu.memory_space<hbm>> -> memref<40x128xi32, #tpu.memory_space<hbm>>
      tpu.wait_dma2 semaphore(%run_scoped3A : memref<!tpu.dma_semaphore, #tpu.memory_space<semaphore_mem>>) src(%dma_wait3A_82 : memref<40x128xi32, #tpu.memory_space<hbm>>) dst(%arg6 : memref<40x128xi32, #tpu.memory_space<vmem>>)
      tpu.yield
    }) : () -> ()
    "tpu.region"() ({
      %run_scoped3A = tpu.sem_alloc : memref<!tpu.dma_semaphore, #tpu.memory_space<semaphore_mem>>
      %dma_start3A_75 = arith.constant 0 : i32
      %dma_start3A_76 = tpu.memref_slice %arg4[%add3A_50, %dma_start3A_75] : memref<2560x128xi32, #tpu.memory_space<hbm>> -> memref<40x128xi32, #tpu.memory_space<hbm>>
      %dma_start3A_77 = arith.constant 0 : i32
      %dma_start3A_78 = tpu.memref_slice %arg4[%add3A_50, %dma_start3A_77] : memref<2560x128xi32, #tpu.memory_space<hbm>> -> memref<40x128xi32, #tpu.memory_space<hbm>>
      tpu.enqueue_dma source(%dma_start3A_78 : memref<40x128xi32, #tpu.memory_space<hbm>>) target(%arg7 : memref<40x128xi32, #tpu.memory_space<vmem>>) target_semaphore(%run_scoped3A : memref<!tpu.dma_semaphore, #tpu.memory_space<semaphore_mem>>)
      %dma_wait3A_79 = arith.constant 0 : i32
      %dma_wait3A_80 = tpu.memref_slice %arg4[%add3A_50, %dma_wait3A_79] : memref<2560x128xi32, #tpu.memory_space<hbm>> -> memref<40x128xi32, #tpu.memory_space<hbm>>
      %dma_wait3A_81 = arith.constant 0 : i32
      %dma_wait3A_82 = tpu.memref_slice %arg4[%add3A_50, %dma_wait3A_81] : memref<2560x128xi32, #tpu.memory_space<hbm>> -> memref<40x128xi32, #tpu.memory_space<hbm>>
      tpu.wait_dma2 semaphore(%run_scoped3A : memref<!tpu.dma_semaphore, #tpu.memory_space<semaphore_mem>>) src(%dma_wait3A_82 : memref<40x128xi32, #tpu.memory_space<hbm>>) dst(%arg7 : memref<40x128xi32, #tpu.memory_space<vmem>>)
      tpu.yield
    }) : () -> ()
    %dma_start3A_51 = arith.constant 0 : i32
    %dma_start3A_52 = arith.constant 0 : i32
    %dma_start3A_53 = tpu.memref_slice %arg6[%dma_start3A_51, %dma_start3A_52] : memref<40x128xi32, #tpu.memory_space<vmem>> -> memref<1x128xi32, #tpu.memory_space<vmem>>
    %dma_start3A_54 = tpu.memref_squeeze %dma_start3A_53 : memref<1x128xi32, #tpu.memory_space<vmem>> -> memref<128xi32, #tpu.memory_space<vmem>>
    %dma_start3A_55 = arith.constant 0 : i32
    %dma_start3A_56 = arith.constant 0 : i32
    %dma_start3A_57 = tpu.memref_slice %arg2[%dma_start3A_55, %dma_start3A_56] : memref<10240x64xf32, #tpu.memory_space<hbm>> -> memref<10240x64xf32, #tpu.memory_space<hbm>>
    tpu.enqueue_indirect_dma source(%dma_start3A_57 : memref<10240x64xf32, #tpu.memory_space<hbm>>) target(%arg8 : memref<128x64xf32, #tpu.memory_space<vmem>>) offsets(%dma_start3A_54 : memref<128xi32, #tpu.memory_space<vmem>>) semaphore(%arg11 : memref<!tpu.dma_semaphore, #tpu.memory_space<semaphore_mem>>)
    %scan3A_58 = arith.constant 0 : i32
    %scan3A_59 = arith.constant 0 : i32
    %scan3A_60 = arith.constant 20 : i32
    %scan3A_61 = arith.addi %scan3A_59, %scan3A_60 : i32
    %scan3A_62 = arith.constant 1 : i32
    scf.for %scan3A_75 = %scan3A_59 to %scan3A_61 step %scan3A_62  : i32 {
      %mul3A_76 = arith.constant 2 : i32
      %mul3A_77 = arith.muli %mul3A_76, %scan3A_75 : i32
      %dma_wait3A_78 = arith.constant 0 : i32
      %dma_wait3A_79 = arith.constant 0 : i32
      %dma_wait3A_80 = tpu.memref_slice %arg2[%dma_wait3A_78, %dma_wait3A_79] : memref<10240x64xf32, #tpu.memory_space<hbm>> -> memref<128x64xf32, #tpu.memory_space<hbm>>
      %dma_wait3A_81 = arith.constant 0 : i32
      %dma_wait3A_82 = arith.constant 0 : i32
      %dma_wait3A_83 = tpu.memref_slice %arg2[%dma_wait3A_81, %dma_wait3A_82] : memref<10240x64xf32, #tpu.memory_space<hbm>> -> memref<128x64xf32, #tpu.memory_space<hbm>>
      tpu.wait_dma2 semaphore(%arg11 : memref<!tpu.dma_semaphore, #tpu.memory_space<semaphore_mem>>) src(%dma_wait3A_83 : memref<128x64xf32, #tpu.memory_space<hbm>>) dst(%arg8 : memref<128x64xf32, #tpu.memory_space<vmem>>)
      %gt3A = arith.constant 0 : i32
      %gt3A_84 = arith.cmpi sgt, %scan3A_75, %gt3A : i32
      %convert_element_type3A = arith.extui %gt3A_84 : i1 to i32
      %cond3A = arith.constant 0 : i32
      %cond3A_85 = arith.cmpi ne, %convert_element_type3A, %cond3A : i32
      scf.if %cond3A_85 {
        %dma_wait3A_124 = arith.constant 0 : i32
        %dma_wait3A_125 = arith.constant 0 : i32
        %dma_wait3A_126 = tpu.memref_slice %arg2[%dma_wait3A_124, %dma_wait3A_125] : memref<10240x64xf32, #tpu.memory_space<hbm>> -> memref<128x64xf32, #tpu.memory_space<hbm>>
        %dma_wait3A_127 = arith.constant 0 : i32
        %dma_wait3A_128 = arith.constant 0 : i32
        %dma_wait3A_129 = tpu.memref_slice %arg2[%dma_wait3A_127, %dma_wait3A_128] : memref<10240x64xf32, #tpu.memory_space<hbm>> -> memref<128x64xf32, #tpu.memory_space<hbm>>
        tpu.wait_dma2 semaphore(%arg12 : memref<!tpu.dma_semaphore, #tpu.memory_space<semaphore_mem>>) src(%dma_wait3A_129 : memref<128x64xf32, #tpu.memory_space<hbm>>) dst(%arg9 : memref<128x64xf32, #tpu.memory_space<vmem>>)
      } else {
      }
      %add3A_86 = arith.constant 1 : i32
      %add3A_87 = arith.addi %mul3A_77, %add3A_86 : i32
      %dma_start3A_88 = arith.constant 0 : i32
      %dma_start3A_89 = tpu.memref_slice %arg6[%add3A_87, %dma_start3A_88] : memref<40x128xi32, #tpu.memory_space<vmem>> -> memref<1x128xi32, #tpu.memory_space<vmem>>
      %dma_start3A_90 = tpu.memref_squeeze %dma_start3A_89 : memref<1x128xi32, #tpu.memory_space<vmem>> -> memref<128xi32, #tpu.memory_space<vmem>>
      %dma_start3A_91 = arith.constant 0 : i32
      %dma_start3A_92 = arith.constant 0 : i32
      %dma_start3A_93 = tpu.memref_slice %arg2[%dma_start3A_91, %dma_start3A_92] : memref<10240x64xf32, #tpu.memory_space<hbm>> -> memref<10240x64xf32, #tpu.memory_space<hbm>>
      tpu.enqueue_indirect_dma source(%dma_start3A_93 : memref<10240x64xf32, #tpu.memory_space<hbm>>) target(%arg9 : memref<128x64xf32, #tpu.memory_space<vmem>>) offsets(%dma_start3A_90 : memref<128xi32, #tpu.memory_space<vmem>>) semaphore(%arg11 : memref<!tpu.dma_semaphore, #tpu.memory_space<semaphore_mem>>)
      %dma_start3A_94 = arith.constant 0 : i32
      %dma_start3A_95 = tpu.memref_slice %arg7[%mul3A_77, %dma_start3A_94] : memref<40x128xi32, #tpu.memory_space<vmem>> -> memref<1x128xi32, #tpu.memory_space<vmem>>
      %dma_start3A_96 = tpu.memref_squeeze %dma_start3A_95 : memref<1x128xi32, #tpu.memory_space<vmem>> -> memref<128xi32, #tpu.memory_space<vmem>>
      %dma_start3A_97 = arith.constant 0 : i32
      %dma_start3A_98 = arith.constant 0 : i32
      %dma_start3A_99 = tpu.memref_slice %arg10[%dma_start3A_97, %dma_start3A_98] : memref<10240x64xf32, #tpu.memory_space<vmem_shared>> -> memref<10240x64xf32, #tpu.memory_space<vmem_shared>>
      tpu.enqueue_indirect_dma source(%arg8 : memref<128x64xf32, #tpu.memory_space<vmem>>) target(%dma_start3A_99 : memref<10240x64xf32, #tpu.memory_space<vmem_shared>>) offsets(%dma_start3A_96 : memref<128xi32, #tpu.memory_space<vmem>>) semaphore(%arg12 : memref<!tpu.dma_semaphore, #tpu.memory_space<semaphore_mem>>) {add = true}
      %dma_wait3A_100 = arith.constant 0 : i32
      %dma_wait3A_101 = arith.constant 0 : i32
      %dma_wait3A_102 = tpu.memref_slice %arg2[%dma_wait3A_100, %dma_wait3A_101] : memref<10240x64xf32, #tpu.memory_space<hbm>> -> memref<128x64xf32, #tpu.memory_space<hbm>>
      %dma_wait3A_103 = arith.constant 0 : i32
      %dma_wait3A_104 = arith.constant 0 : i32
      %dma_wait3A_105 = tpu.memref_slice %arg2[%dma_wait3A_103, %dma_wait3A_104] : memref<10240x64xf32, #tpu.memory_space<hbm>> -> memref<128x64xf32, #tpu.memory_space<hbm>>
      tpu.wait_dma2 semaphore(%arg11 : memref<!tpu.dma_semaphore, #tpu.memory_space<semaphore_mem>>) src(%dma_wait3A_105 : memref<128x64xf32, #tpu.memory_space<hbm>>) dst(%arg9 : memref<128x64xf32, #tpu.memory_space<vmem>>)
      %dma_wait3A_106 = arith.constant 0 : i32
      %dma_wait3A_107 = arith.constant 0 : i32
      %dma_wait3A_108 = tpu.memref_slice %arg2[%dma_wait3A_106, %dma_wait3A_107] : memref<10240x64xf32, #tpu.memory_space<hbm>> -> memref<128x64xf32, #tpu.memory_space<hbm>>
      %dma_wait3A_109 = arith.constant 0 : i32
      %dma_wait3A_110 = arith.constant 0 : i32
      %dma_wait3A_111 = tpu.memref_slice %arg2[%dma_wait3A_109, %dma_wait3A_110] : memref<10240x64xf32, #tpu.memory_space<hbm>> -> memref<128x64xf32, #tpu.memory_space<hbm>>
      tpu.wait_dma2 semaphore(%arg12 : memref<!tpu.dma_semaphore, #tpu.memory_space<semaphore_mem>>) src(%dma_wait3A_111 : memref<128x64xf32, #tpu.memory_space<hbm>>) dst(%arg8 : memref<128x64xf32, #tpu.memory_space<vmem>>)
      %lt3A = arith.constant 19 : i32
      %lt3A_112 = arith.cmpi slt, %scan3A_75, %lt3A : i32
      %convert_element_type3A_113 = arith.extui %lt3A_112 : i1 to i32
      %cond3A_114 = arith.constant 0 : i32
      %cond3A_115 = arith.cmpi ne, %convert_element_type3A_113, %cond3A_114 : i32
      scf.if %cond3A_115 {
        %add3A_124 = arith.constant 2 : i32
        %add3A_125 = arith.addi %mul3A_77, %add3A_124 : i32
        %dma_start3A_126 = arith.constant 0 : i32
        %dma_start3A_127 = tpu.memref_slice %arg6[%add3A_125, %dma_start3A_126] : memref<40x128xi32, #tpu.memory_space<vmem>> -> memref<1x128xi32, #tpu.memory_space<vmem>>
        %dma_start3A_128 = tpu.memref_squeeze %dma_start3A_127 : memref<1x128xi32, #tpu.memory_space<vmem>> -> memref<128xi32, #tpu.memory_space<vmem>>
        %dma_start3A_129 = arith.constant 0 : i32
        %dma_start3A_130 = arith.constant 0 : i32
        %dma_start3A_131 = tpu.memref_slice %arg2[%dma_start3A_129, %dma_start3A_130] : memref<10240x64xf32, #tpu.memory_space<hbm>> -> memref<10240x64xf32, #tpu.memory_space<hbm>>
        tpu.enqueue_indirect_dma source(%dma_start3A_131 : memref<10240x64xf32, #tpu.memory_space<hbm>>) target(%arg8 : memref<128x64xf32, #tpu.memory_space<vmem>>) offsets(%dma_start3A_128 : memref<128xi32, #tpu.memory_space<vmem>>) semaphore(%arg11 : memref<!tpu.dma_semaphore, #tpu.memory_space<semaphore_mem>>)
      } else {
      }
      %add3A_116 = arith.constant 1 : i32
      %add3A_117 = arith.addi %mul3A_77, %add3A_116 : i32
      %dma_start3A_118 = arith.constant 0 : i32
      %dma_start3A_119 = tpu.memref_slice %arg7[%add3A_117, %dma_start3A_118] : memref<40x128xi32, #tpu.memory_space<vmem>> -> memref<1x128xi32, #tpu.memory_space<vmem>>
      %dma_start3A_120 = tpu.memref_squeeze %dma_start3A_119 : memref<1x128xi32, #tpu.memory_space<vmem>> -> memref<128xi32, #tpu.memory_space<vmem>>
      %dma_start3A_121 = arith.constant 0 : i32
      %dma_start3A_122 = arith.constant 0 : i32
      %dma_start3A_123 = tpu.memref_slice %arg10[%dma_start3A_121, %dma_start3A_122] : memref<10240x64xf32, #tpu.memory_space<vmem_shared>> -> memref<10240x64xf32, #tpu.memory_space<vmem_shared>>
      tpu.enqueue_indirect_dma source(%arg9 : memref<128x64xf32, #tpu.memory_space<vmem>>) target(%dma_start3A_123 : memref<10240x64xf32, #tpu.memory_space<vmem_shared>>) offsets(%dma_start3A_120 : memref<128xi32, #tpu.memory_space<vmem>>) semaphore(%arg12 : memref<!tpu.dma_semaphore, #tpu.memory_space<semaphore_mem>>) {add = true}
    }
    %scan3A_63 = arith.constant 20 : i32
    %dma_wait3A_64 = arith.constant 0 : i32
    %dma_wait3A_65 = arith.constant 0 : i32
    %dma_wait3A_66 = tpu.memref_slice %arg2[%dma_wait3A_64, %dma_wait3A_65] : memref<10240x64xf32, #tpu.memory_space<hbm>> -> memref<128x64xf32, #tpu.memory_space<hbm>>
    %dma_wait3A_67 = arith.constant 0 : i32
    %dma_wait3A_68 = arith.constant 0 : i32
    %dma_wait3A_69 = tpu.memref_slice %arg2[%dma_wait3A_67, %dma_wait3A_68] : memref<10240x64xf32, #tpu.memory_space<hbm>> -> memref<128x64xf32, #tpu.memory_space<hbm>>
    tpu.wait_dma2 semaphore(%arg12 : memref<!tpu.dma_semaphore, #tpu.memory_space<semaphore_mem>>) src(%dma_wait3A_69 : memref<128x64xf32, #tpu.memory_space<hbm>>) dst(%arg9 : memref<128x64xf32, #tpu.memory_space<vmem>>)
    %barrier3A_70 = arith.constant 0 : index
    tpu.barrier barrier_id(%barrier3A_70)
    %mul3A_71 = arith.constant 640 : i32
    %mul3A_72 = arith.muli %arg1, %mul3A_71 : i32
    %mul3A_73 = arith.constant 640 : i32
    %mul3A_74 = arith.muli %arg1, %mul3A_73 : i32
    "tpu.region"() ({
      %run_scoped3A = tpu.sem_alloc : memref<!tpu.dma_semaphore, #tpu.memory_space<semaphore_mem>>
      %dma_start3A_75 = arith.constant 0 : i32
      %dma_start3A_76 = tpu.memref_slice %arg5[%arg0, %mul3A_74, %dma_start3A_75] : memref<2x10240x64xf32, #tpu.memory_space<hbm>> -> memref<1x640x64xf32, #tpu.memory_space<hbm>>
      %dma_start3A_77 = tpu.memref_squeeze %dma_start3A_76 : memref<1x640x64xf32, #tpu.memory_space<hbm>> -> memref<640x64xf32, #tpu.memory_space<hbm>>
      %dma_start3A_78 = arith.constant 0 : i32
      %dma_start3A_79 = tpu.memref_slice %arg10[%mul3A_72, %dma_start3A_78] : memref<10240x64xf32, #tpu.memory_space<vmem_shared>> -> memref<640x64xf32, #tpu.memory_space<vmem_shared>>
      tpu.enqueue_dma source(%dma_start3A_79 : memref<640x64xf32, #tpu.memory_space<vmem_shared>>) target(%dma_start3A_77 : memref<640x64xf32, #tpu.memory_space<hbm>>) target_semaphore(%run_scoped3A : memref<!tpu.dma_semaphore, #tpu.memory_space<semaphore_mem>>)
      %dma_wait3A_80 = arith.constant 0 : i32
      %dma_wait3A_81 = tpu.memref_slice %arg5[%arg0, %mul3A_74, %dma_wait3A_80] : memref<2x10240x64xf32, #tpu.memory_space<hbm>> -> memref<1x640x64xf32, #tpu.memory_space<hbm>>
      %dma_wait3A_82 = tpu.memref_squeeze %dma_wait3A_81 : memref<1x640x64xf32, #tpu.memory_space<hbm>> -> memref<640x64xf32, #tpu.memory_space<hbm>>
      %dma_wait3A_83 = arith.constant 0 : i32
      %dma_wait3A_84 = tpu.memref_slice %arg10[%mul3A_72, %dma_wait3A_83] : memref<10240x64xf32, #tpu.memory_space<vmem_shared>> -> memref<640x64xf32, #tpu.memory_space<vmem_shared>>
      tpu.wait_dma2 semaphore(%run_scoped3A : memref<!tpu.dma_semaphore, #tpu.memory_space<semaphore_mem>>) src(%dma_wait3A_84 : memref<640x64xf32, #tpu.memory_space<vmem_shared>>) dst(%dma_wait3A_82 : memref<640x64xf32, #tpu.memory_space<hbm>>)
      tpu.yield
    }) : () -> ()
    return
  }
}

module attributes {stable_mosaic.version = 14 : i64} {
  func.func @_tc1_body(%arg0: i32, %arg1: memref<1280x128xf32, #tpu.memory_space<vmem>>, %arg2: memref<128x64xf32, #tpu.memory_space<vmem>>, %arg3: memref<1280x64xf32, #tpu.memory_space<vmem>>, %arg4: memref<1280x64xf32, #tpu.memory_space<vmem>>, %arg5: memref<1280x64xf32, #tpu.memory_space<vmem>>) attributes {dimension_semantics = [#tpu.dimension_semantics<arbitrary>], iteration_bounds = array<i64: 8>, scalar_prefetch = 0 : i64, scratch_operands = 0 : i64, tpu.core_type = #tpu.core_type<tc>, window_params = [{transform_indices = @transform_0, window_bounds = array<i64: 1280, 128>}, {pipeline_mode = #tpu.pipeline_mode<synchronous>, transform_indices = @transform_1, window_bounds = array<i64: 128, 64>}, {transform_indices = @transform_2, window_bounds = array<i64: 1280, 64>}, {transform_indices = @transform_3, window_bounds = array<i64: 1280, 64>}, {transform_indices = @transform_4, window_bounds = array<i64: 1280, 64>}]} {
    %get3A = arith.constant 0 : index
    %get3A_0 = arith.constant 0 : index
    %get3A_1 = vector.load %arg3[%get3A, %get3A_0] : memref<1280x64xf32, #tpu.memory_space<vmem>>, vector<1280x64xf32>
    %get3A_2 = arith.constant 0 : index
    %get3A_3 = arith.constant 0 : index
    %get3A_4 = vector.load %arg4[%get3A_2, %get3A_3] : memref<1280x64xf32, #tpu.memory_space<vmem>>, vector<1280x64xf32>
    %add3A = arith.addf %get3A_1, %get3A_4 : vector<1280x64xf32>
    %add3A_5 = arith.constant 1.000000e+00 : f32
    %add3A_6 = vector.broadcast %add3A_5 : f32 to vector<1280x64xf32>
    %add3A_7 = arith.addf %add3A, %add3A_6 : vector<1280x64xf32>
    %rsqrt3A = math.rsqrt %add3A_7 : vector<1280x64xf32>
    %get3A_8 = arith.constant 0 : index
    %get3A_9 = arith.constant 0 : index
    %get3A_10 = vector.load %arg1[%get3A_8, %get3A_9] : memref<1280x128xf32, #tpu.memory_space<vmem>>, vector<1280x128xf32>
    %get3A_11 = arith.constant 0 : index
    %get3A_12 = arith.constant 0 : index
    %get3A_13 = vector.load %arg2[%get3A_11, %get3A_12] : memref<128x64xf32, #tpu.memory_space<vmem>>, vector<128x64xf32>
    %dot_general3A = arith.constant dense<0.000000e+00> : vector<1280x64xf32>
    %dot_general3A_14 = tpu.matmul %get3A_10, %get3A_13, %dot_general3A {dimension_numbers = #tpu.dot_dimension_numbers<[1], [0], [0], [1], [0, 0, 1, 1], [], []>, transpose_lhs_hint = false} : vector<1280x128xf32>, vector<128x64xf32>, vector<1280x64xf32> -> vector<1280x64xf32>
    %mul3A = arith.mulf %dot_general3A_14, %rsqrt3A : vector<1280x64xf32>
    %swap3A = arith.constant 0 : index
    %swap3A_15 = arith.constant 0 : index
    %swap3A_16 = vector.load %arg5[%swap3A, %swap3A_15] : memref<1280x64xf32, #tpu.memory_space<vmem>>, vector<1280x64xf32>
    tpu.vector_store %arg5[%swap3A, %swap3A_15], %mul3A {strides = array<i32>} : memref<1280x64xf32, #tpu.memory_space<vmem>>, vector<1280x64xf32>,
    return
  }
  func.func @transform_0(%arg0: i32) -> (i32, i32) {
    %c0_i32 = arith.constant 0 : i32
    %c0_i32_0 = arith.constant 0 : i32
    return %arg0, %c0_i32 : i32, i32
  }
  func.func @transform_1(%arg0: i32) -> (i32, i32) {
    %c0_i32 = arith.constant 0 : i32
    %c0_i32_0 = arith.constant 0 : i32
    %c0_i32_1 = arith.constant 0 : i32
    return %c0_i32, %c0_i32_0 : i32, i32
  }
  func.func @transform_2(%arg0: i32) -> (i32, i32) {
    %c0_i32 = arith.constant 0 : i32
    %c0_i32_0 = arith.constant 0 : i32
    return %arg0, %c0_i32 : i32, i32
  }
  func.func @transform_3(%arg0: i32) -> (i32, i32) {
    %c0_i32 = arith.constant 0 : i32
    %c0_i32_0 = arith.constant 0 : i32
    return %arg0, %c0_i32 : i32, i32
  }
  func.func @transform_4(%arg0: i32) -> (i32, i32) {
    %c0_i32 = arith.constant 0 : i32
    %c0_i32_0 = arith.constant 0 : i32
    return %arg0, %c0_i32 : i32, i32
  }
}

module attributes {stable_mosaic.version = 14 : i64} {
  func.func @_tc2_body(%arg0: i32, %arg1: memref<1280x64xf32, #tpu.memory_space<vmem>>, %arg2: memref<1280x64xf32, #tpu.memory_space<vmem>>, %arg3: memref<1280x64xf32, #tpu.memory_space<vmem>>, %arg4: memref<1280x64xf32, #tpu.memory_space<vmem>>, %arg5: memref<1280x64xf32, #tpu.memory_space<vmem>>, %arg6: memref<64x64xf32, #tpu.memory_space<vmem>>, %arg7: memref<1x64xf32, #tpu.memory_space<vmem>>, %arg8: memref<1280x64xf32, #tpu.memory_space<vmem>>) attributes {dimension_semantics = [#tpu.dimension_semantics<arbitrary>], iteration_bounds = array<i64: 8>, scalar_prefetch = 0 : i64, scratch_operands = 0 : i64, tpu.core_type = #tpu.core_type<tc>, window_params = [{transform_indices = @transform_0, window_bounds = array<i64: 1280, 64>}, {transform_indices = @transform_1, window_bounds = array<i64: 1280, 64>}, {transform_indices = @transform_2, window_bounds = array<i64: 1280, 64>}, {transform_indices = @transform_3, window_bounds = array<i64: 1280, 64>}, {transform_indices = @transform_4, window_bounds = array<i64: 1280, 64>}, {pipeline_mode = #tpu.pipeline_mode<synchronous>, transform_indices = @transform_5, window_bounds = array<i64: 64, 64>}, {pipeline_mode = #tpu.pipeline_mode<synchronous>, transform_indices = @transform_6, window_bounds = array<i64: 1, 64>}, {transform_indices = @transform_7, window_bounds = array<i64: 1280, 64>}]} {
    %get3A = arith.constant 0 : index
    %get3A_0 = arith.constant 0 : index
    %get3A_1 = vector.load %arg4[%get3A, %get3A_0] : memref<1280x64xf32, #tpu.memory_space<vmem>>, vector<1280x64xf32>
    %get3A_2 = arith.constant 0 : index
    %get3A_3 = arith.constant 0 : index
    %get3A_4 = vector.load %arg5[%get3A_2, %get3A_3] : memref<1280x64xf32, #tpu.memory_space<vmem>>, vector<1280x64xf32>
    %add3A = arith.addf %get3A_1, %get3A_4 : vector<1280x64xf32>
    %add3A_5 = arith.constant 1.000000e+00 : f32
    %add3A_6 = vector.broadcast %add3A_5 : f32 to vector<1280x64xf32>
    %add3A_7 = arith.addf %add3A, %add3A_6 : vector<1280x64xf32>
    %rsqrt3A = math.rsqrt %add3A_7 : vector<1280x64xf32>
    %get3A_8 = arith.constant 0 : index
    %get3A_9 = arith.constant 0 : index
    %get3A_10 = vector.load %arg1[%get3A_8, %get3A_9] : memref<1280x64xf32, #tpu.memory_space<vmem>>, vector<1280x64xf32>
    %get3A_11 = arith.constant 0 : index
    %get3A_12 = arith.constant 0 : index
    %get3A_13 = vector.load %arg2[%get3A_11, %get3A_12] : memref<1280x64xf32, #tpu.memory_space<vmem>>, vector<1280x64xf32>
    %add3A_14 = arith.addf %get3A_10, %get3A_13 : vector<1280x64xf32>
    %get3A_15 = arith.constant 0 : index
    %get3A_16 = arith.constant 0 : index
    %get3A_17 = vector.load %arg3[%get3A_15, %get3A_16] : memref<1280x64xf32, #tpu.memory_space<vmem>>, vector<1280x64xf32>
    %add3A_18 = arith.addf %add3A_14, %get3A_17 : vector<1280x64xf32>
    %mul3A = arith.mulf %add3A_18, %rsqrt3A : vector<1280x64xf32>
    %get3A_19 = arith.constant 0 : index
    %get3A_20 = arith.constant 0 : index
    %get3A_21 = vector.load %arg7[%get3A_19, %get3A_20] : memref<1x64xf32, #tpu.memory_space<vmem>>, vector<1x64xf32>
    %add3A_22 = vector.broadcast %get3A_21 : vector<1x64xf32> to vector<1280x64xf32>
    %add3A_23 = arith.addf %mul3A, %add3A_22 : vector<1280x64xf32>
    %max3A = arith.constant 0.000000e+00 : f32
    %max3A_24 = vector.broadcast %max3A : f32 to vector<1280x64xf32>
    %max3A_25 = arith.maximumf %add3A_23, %max3A_24 : vector<1280x64xf32>
    %get3A_26 = arith.constant 0 : index
    %get3A_27 = arith.constant 0 : index
    %get3A_28 = vector.load %arg6[%get3A_26, %get3A_27] : memref<64x64xf32, #tpu.memory_space<vmem>>, vector<64x64xf32>
    %dot_general3A = arith.constant dense<0.000000e+00> : vector<1280x64xf32>
    %dot_general3A_29 = tpu.matmul %max3A_25, %get3A_28, %dot_general3A {dimension_numbers = #tpu.dot_dimension_numbers<[1], [0], [0], [1], [0, 0, 1, 1], [], []>, transpose_lhs_hint = false} : vector<1280x64xf32>, vector<64x64xf32>, vector<1280x64xf32> -> vector<1280x64xf32>
    %mul3A_30 = arith.mulf %dot_general3A_29, %rsqrt3A : vector<1280x64xf32>
    %swap3A = arith.constant 0 : index
    %swap3A_31 = arith.constant 0 : index
    %swap3A_32 = vector.load %arg8[%swap3A, %swap3A_31] : memref<1280x64xf32, #tpu.memory_space<vmem>>, vector<1280x64xf32>
    tpu.vector_store %arg8[%swap3A, %swap3A_31], %mul3A_30 {strides = array<i32>} : memref<1280x64xf32, #tpu.memory_space<vmem>>, vector<1280x64xf32>,
    return
  }
  func.func @transform_0(%arg0: i32) -> (i32, i32) {
    %c0_i32 = arith.constant 0 : i32
    %c0_i32_0 = arith.constant 0 : i32
    return %arg0, %c0_i32 : i32, i32
  }
  func.func @transform_1(%arg0: i32) -> (i32, i32) {
    %c0_i32 = arith.constant 0 : i32
    %c0_i32_0 = arith.constant 0 : i32
    return %arg0, %c0_i32 : i32, i32
  }
  func.func @transform_2(%arg0: i32) -> (i32, i32) {
    %c0_i32 = arith.constant 0 : i32
    %c0_i32_0 = arith.constant 0 : i32
    return %arg0, %c0_i32 : i32, i32
  }
  func.func @transform_3(%arg0: i32) -> (i32, i32) {
    %c0_i32 = arith.constant 0 : i32
    %c0_i32_0 = arith.constant 0 : i32
    return %arg0, %c0_i32 : i32, i32
  }
  func.func @transform_4(%arg0: i32) -> (i32, i32) {
    %c0_i32 = arith.constant 0 : i32
    %c0_i32_0 = arith.constant 0 : i32
    return %arg0, %c0_i32 : i32, i32
  }
  func.func @transform_5(%arg0: i32) -> (i32, i32) {
    %c0_i32 = arith.constant 0 : i32
    %c0_i32_0 = arith.constant 0 : i32
    %c0_i32_1 = arith.constant 0 : i32
    return %c0_i32, %c0_i32_0 : i32, i32
  }
  func.func @transform_6(%arg0: i32) -> (i32, i32) {
    %c0_i32 = arith.constant 0 : i32
    %c0_i32_0 = arith.constant 0 : i32
    %c0_i32_1 = arith.constant 0 : i32
    return %c0_i32, %c0_i32_0 : i32, i32
  }
  func.func @transform_7(%arg0: i32) -> (i32, i32) {
    %c0_i32 = arith.constant 0 : i32
    %c0_i32_0 = arith.constant 0 : i32
    return %arg0, %c0_i32 : i32, i32
  }
}

module attributes {stable_mosaic.version = 14 : i64} {
  func.func @_tc3_body(%arg0: i32, %arg1: memref<1280x64xf32, #tpu.memory_space<vmem>>, %arg2: memref<1280x64xf32, #tpu.memory_space<vmem>>, %arg3: memref<1280x64xf32, #tpu.memory_space<vmem>>, %arg4: memref<1280x64xf32, #tpu.memory_space<vmem>>, %arg5: memref<1280x64xf32, #tpu.memory_space<vmem>>, %arg6: memref<64x16xf32, #tpu.memory_space<vmem>>, %arg7: memref<1x64xf32, #tpu.memory_space<vmem>>, %arg8: memref<1x16xf32, #tpu.memory_space<vmem>>, %arg9: memref<1280x16xf32, #tpu.memory_space<vmem>>) attributes {dimension_semantics = [#tpu.dimension_semantics<arbitrary>], iteration_bounds = array<i64: 8>, scalar_prefetch = 0 : i64, scratch_operands = 0 : i64, tpu.core_type = #tpu.core_type<tc>, window_params = [{transform_indices = @transform_0, window_bounds = array<i64: 1280, 64>}, {transform_indices = @transform_1, window_bounds = array<i64: 1280, 64>}, {transform_indices = @transform_2, window_bounds = array<i64: 1280, 64>}, {transform_indices = @transform_3, window_bounds = array<i64: 1280, 64>}, {transform_indices = @transform_4, window_bounds = array<i64: 1280, 64>}, {pipeline_mode = #tpu.pipeline_mode<synchronous>, transform_indices = @transform_5, window_bounds = array<i64: 64, 16>}, {pipeline_mode = #tpu.pipeline_mode<synchronous>, transform_indices = @transform_6, window_bounds = array<i64: 1, 64>}, {pipeline_mode = #tpu.pipeline_mode<synchronous>, transform_indices = @transform_7, window_bounds = array<i64: 1, 16>}, {transform_indices = @transform_8, window_bounds = array<i64: 1280, 16>}]} {
    %get3A = arith.constant 0 : index
    %get3A_0 = arith.constant 0 : index
    %get3A_1 = vector.load %arg4[%get3A, %get3A_0] : memref<1280x64xf32, #tpu.memory_space<vmem>>, vector<1280x64xf32>
    %get3A_2 = arith.constant 0 : index
    %get3A_3 = arith.constant 0 : index
    %get3A_4 = vector.load %arg5[%get3A_2, %get3A_3] : memref<1280x64xf32, #tpu.memory_space<vmem>>, vector<1280x64xf32>
    %add3A = arith.addf %get3A_1, %get3A_4 : vector<1280x64xf32>
    %add3A_5 = arith.constant 1.000000e+00 : f32
    %add3A_6 = vector.broadcast %add3A_5 : f32 to vector<1280x64xf32>
    %add3A_7 = arith.addf %add3A, %add3A_6 : vector<1280x64xf32>
    %rsqrt3A = math.rsqrt %add3A_7 : vector<1280x64xf32>
    %get3A_8 = arith.constant 0 : index
    %get3A_9 = arith.constant 0 : index
    %get3A_10 = vector.load %arg1[%get3A_8, %get3A_9] : memref<1280x64xf32, #tpu.memory_space<vmem>>, vector<1280x64xf32>
    %get3A_11 = arith.constant 0 : index
    %get3A_12 = arith.constant 0 : index
    %get3A_13 = vector.load %arg2[%get3A_11, %get3A_12] : memref<1280x64xf32, #tpu.memory_space<vmem>>, vector<1280x64xf32>
    %add3A_14 = arith.addf %get3A_10, %get3A_13 : vector<1280x64xf32>
    %get3A_15 = arith.constant 0 : index
    %get3A_16 = arith.constant 0 : index
    %get3A_17 = vector.load %arg3[%get3A_15, %get3A_16] : memref<1280x64xf32, #tpu.memory_space<vmem>>, vector<1280x64xf32>
    %add3A_18 = arith.addf %add3A_14, %get3A_17 : vector<1280x64xf32>
    %mul3A = arith.mulf %add3A_18, %rsqrt3A : vector<1280x64xf32>
    %get3A_19 = arith.constant 0 : index
    %get3A_20 = arith.constant 0 : index
    %get3A_21 = vector.load %arg7[%get3A_19, %get3A_20] : memref<1x64xf32, #tpu.memory_space<vmem>>, vector<1x64xf32>
    %add3A_22 = vector.broadcast %get3A_21 : vector<1x64xf32> to vector<1280x64xf32>
    %add3A_23 = arith.addf %mul3A, %add3A_22 : vector<1280x64xf32>
    %max3A = arith.constant 0.000000e+00 : f32
    %max3A_24 = vector.broadcast %max3A : f32 to vector<1280x64xf32>
    %max3A_25 = arith.maximumf %add3A_23, %max3A_24 : vector<1280x64xf32>
    %get3A_26 = arith.constant 0 : index
    %get3A_27 = arith.constant 0 : index
    %get3A_28 = vector.load %arg6[%get3A_26, %get3A_27] : memref<64x16xf32, #tpu.memory_space<vmem>>, vector<64x16xf32>
    %dot_general3A = arith.constant dense<0.000000e+00> : vector<1280x16xf32>
    %dot_general3A_29 = tpu.matmul %max3A_25, %get3A_28, %dot_general3A {dimension_numbers = #tpu.dot_dimension_numbers<[1], [0], [0], [1], [0, 0, 1, 1], [], []>, transpose_lhs_hint = false} : vector<1280x64xf32>, vector<64x16xf32>, vector<1280x16xf32> -> vector<1280x16xf32>
    %get3A_30 = arith.constant 0 : index
    %get3A_31 = arith.constant 0 : index
    %get3A_32 = vector.load %arg8[%get3A_30, %get3A_31] : memref<1x16xf32, #tpu.memory_space<vmem>>, vector<1x16xf32>
    %add3A_33 = vector.broadcast %get3A_32 : vector<1x16xf32> to vector<1280x16xf32>
    %add3A_34 = arith.addf %dot_general3A_29, %add3A_33 : vector<1280x16xf32>
    %swap3A = arith.constant 0 : index
    %swap3A_35 = arith.constant 0 : index
    %swap3A_36 = vector.load %arg9[%swap3A, %swap3A_35] : memref<1280x16xf32, #tpu.memory_space<vmem>>, vector<1280x16xf32>
    tpu.vector_store %arg9[%swap3A, %swap3A_35], %add3A_34 {strides = array<i32>} : memref<1280x16xf32, #tpu.memory_space<vmem>>, vector<1280x16xf32>,
    return
  }
  func.func @transform_0(%arg0: i32) -> (i32, i32) {
    %c0_i32 = arith.constant 0 : i32
    %c0_i32_0 = arith.constant 0 : i32
    return %arg0, %c0_i32 : i32, i32
  }
  func.func @transform_1(%arg0: i32) -> (i32, i32) {
    %c0_i32 = arith.constant 0 : i32
    %c0_i32_0 = arith.constant 0 : i32
    return %arg0, %c0_i32 : i32, i32
  }
  func.func @transform_2(%arg0: i32) -> (i32, i32) {
    %c0_i32 = arith.constant 0 : i32
    %c0_i32_0 = arith.constant 0 : i32
    return %arg0, %c0_i32 : i32, i32
  }
  func.func @transform_3(%arg0: i32) -> (i32, i32) {
    %c0_i32 = arith.constant 0 : i32
    %c0_i32_0 = arith.constant 0 : i32
    return %arg0, %c0_i32 : i32, i32
  }
  func.func @transform_4(%arg0: i32) -> (i32, i32) {
    %c0_i32 = arith.constant 0 : i32
    %c0_i32_0 = arith.constant 0 : i32
    return %arg0, %c0_i32 : i32, i32
  }
  func.func @transform_5(%arg0: i32) -> (i32, i32) {
    %c0_i32 = arith.constant 0 : i32
    %c0_i32_0 = arith.constant 0 : i32
    %c0_i32_1 = arith.constant 0 : i32
    return %c0_i32, %c0_i32_0 : i32, i32
  }
  func.func @transform_6(%arg0: i32) -> (i32, i32) {
    %c0_i32 = arith.constant 0 : i32
    %c0_i32_0 = arith.constant 0 : i32
    %c0_i32_1 = arith.constant 0 : i32
    return %c0_i32, %c0_i32_0 : i32, i32
  }
  func.func @transform_7(%arg0: i32) -> (i32, i32) {
    %c0_i32 = arith.constant 0 : i32
    %c0_i32_0 = arith.constant 0 : i32
    %c0_i32_1 = arith.constant 0 : i32
    return %c0_i32, %c0_i32_0 : i32, i32
  }
  func.func @transform_8(%arg0: i32) -> (i32, i32) {
    %c0_i32 = arith.constant 0 : i32
    %c0_i32_0 = arith.constant 0 : i32
    return %arg0, %c0_i32 : i32, i32
  }
}

</mosaic_0001>

<sc_bundles>
// kernel: kernel.11.cloned.1.call-start
scs
__scs_entry_jumppad:
0x0: {  	(pc) =	sbr.rel $0x88, $3  }
0x1: {  	(tag) =	ssettag $0x0;
	lr =	simm.s32 $0x1  }
0x2: {  	[smem:$0x3F99] =	sst lr;
	_ =	strace $0xD0000000  }
0x3: {  	_ = 	snop  }
0x4: {  	_ = 	snop  }
0x5: {  	_ = 	snop  }
0x6: {  	_ = 	snop  }
0x7: {  	_ = 	snop  }
__scs_overlays_trampoline_lowered:
0x8: {  	[smem:$0x3FA8] =	sst s0  }
0x9: {  	[smem:$0x3FA9] =	sst s1  }
0xa: {  	[smem:$0x3FAA] =	sst s2  }
0xb: {  	[smem:$0x3FAB] =	sst s3  }
0xc: {  	[smem:$0x3FAC] =	sst s4  }
0xd: {  	[smem:$0x3FAD] =	sst s5  }
0xe: {  	[smem:$0x3FAE] =	sst s6  }
0xf: {  	[smem:$0x3FAF] =	sst s7  }
0x10: {  	[smem:$0x3FB0] =	sst s8  }
0x11: {  	[smem:$0x3FB1] =	sst s9;
	s0 =	simm.s32 @!p0 $0x0  }
0x12: {  	s1 =	sld [smem:$0x3F97];
	s0 =	simm.s32 @p0 $0x1  }
0x13: {  	[smem:$0x3FB2] =	sst s0;
	s0 =	simm.s32 @!p1 $0x0  }
0x14: {  	s2 =	sld [smem:$0x3F96];
	s0 =	simm.s32 @p1 $0x1  }
0x15: {  	[smem:$0x3FB3] =	sst s0;
	s0 =	simm.s32 @!p2 $0x0  }
0x16: {  	s3 =	sld [smem:$0x3FDB];
	s0 =	simm.s32 @p2 $0x1  }
0x17: {  	s4 =	simm.s32 $0x1BF5;
	[smem:$0x3FB5] =	sst s0  }
0x18: {  	s0 =	sld [smem:$0x3F98];
	_ =	swait.ge [sflag:s4], $0x0  }
0x19: {  	s7 =	sld [smem:$0x3F99]  }
0x1a: {  	s8 =	sadd.s32 $0xFFFFE003, lr  }
0x1b: {  	s9 =	sadd.s32 $0xFFFFFEF7, lr;
	s5 =	simm.s32 $0xFFFFFFFF;
	p2 =	slt.u32 s8, $0xFFFFF086  }
0x1c: {  	p1 =	slt.u32 s9, $0xF7A;
	s5 =	simm.s32 @!p2 $0x0  }
0x1d: {  	s5 =	simm.s32 @p1 $0x1;
	p0 =	seq.s32 s7, s2  }
0x1e: {  	s7 =	smul.u32 @!p0 $0xF7A, s2;
	p2 =	seq.s32 @!p0 s5, $0x0  }
0x1f: {  	s9 =	smul.u32 $0xF7A, s1;
	s8 =	simm.s32 @!p0 $0x1BF5;
	p2 =	por !p2, p0  }
0x20: {  	[sflag:s8] =	ssyncset.s32 @!p0 $0xFFFFF086;
	s6 =	sadd.s32 @!p0 s3, s7;
	s7 =	simm.s32 @!p0 $0x108  }
0x21: {  	s3 =	sadd.s32 s3, s9;
	s6 =	sadd.s32 @!p0 $0x88, s6;
	s7 =	simm.s32 @p2 $0x1082  }
0x22: {  	[simem:s7], [sflag:s8] =	dma.local @!p0 [hbm:s6], $0xF7A  }
0x23: {  	s9 =	sor.u32 $0xD0000000, s2;
	s6 =	simm.s32 $0x108;
	_ =	swait.ge @!p0 [sflag:s8], $0x0  }
0x24: {  	s3 =	sadd.s32 $0x88, s3;
	s6 =	simm.s32 @!p1 $0x1082;
	[sflag:s4] =	ssyncset.s32 $0xFFFFF086  }
0x25: {  	[simem:s6], [sflag:s4] =	dma.local [hbm:s3], $0xF7A  }
0x26: {  	[smem:$0x3F99] =	sst s1;
	(tag) =	ssettag s2;
	_ =	strace s9  }
0x27: {  	s1 =	sld [smem:$0x3FA9]  }
0x28: {  	s2 =	sld [smem:$0x3FAA]  }
0x29: {  	s4 =	sld [smem:$0x3FAC]  }
0x2a: {  	p0 =	seq.s32 s5, $0x0;
	s5 =	sld [smem:$0x3FAD]  }
0x2b: {  	s6 =	sld [smem:$0x3FAE]  }
0x2c: {  	s7 =	sld [smem:$0x3FAF]  }
0x2d: {  	s3 =	simm.s32 $0x108;
	s8 =	sld [smem:$0x3FB0]  }
0x2e: {  	s3 =	simm.s32 @!p0 $0x1082;
	s9 =	sld [smem:$0x3FB1]  }
0x2f: {  	lr =	sadd.s32 s0, s3;
	s0 =	sld [smem:$0x3FA8]  }
0x30: {  	s3 =	sld [smem:$0x3FAB]  }
0x31: {  	[smem:$0x3FB4] =	sst s10  }
0x32: {  	s10 =	sld [smem:$0x3FB2];
	_ =	sdelay $0x3  }
0x33: {  	p0 =	seq.s32 s10, $0x1;
	s10 =	sld [smem:$0x3FB4];
	_ =	sdelay $0x3  }
0x34: {  	[smem:$0x3FB4] =	sst s10  }
0x35: {  	s10 =	sld [smem:$0x3FB3];
	_ =	sdelay $0x3  }
0x36: {  	p1 =	seq.s32 s10, $0x1;
	s10 =	sld [smem:$0x3FB4];
	_ =	sdelay $0x3  }
0x37: {  	[smem:$0x3FB4] =	sst s10  }
0x38: {  	s10 =	sld [smem:$0x3FB5]  }
0x39: {  	_ = 	snop;
	(pc) =	sbr.ind lr, $3  }
0x3a: {  	_ = 	snop  }
0x3b: {  	_ = 	snop  }
0x3c: {  	p2 =	seq.s32 s10, $0x1;
	s10 =	sld [smem:$0x3FB4]  }
0x3d: {  	_ =	shalt  }
0x3e: {  	_ =	shalt  }
0x3f: {  	_ =	shalt  }
0x40: {  	_ =	shalt  }
0x41: {  	_ =	shalt  }
0x42: {  	_ =	shalt  }
0x43: {  	_ =	shalt  }
0x44: {  	_ =	shalt  }
0x45: {  	_ =	shalt  }
0x46: {  	_ =	shalt  }
0x47: {  	_ =	shalt  }
0x48: {  	_ =	shalt  }
0x49: {  	_ =	shalt  }
0x4a: {  	_ =	shalt  }
0x4b: {  	_ =	shalt  }
0x4c: {  	_ =	shalt  }
0x4d: {  	_ =	shalt  }
0x4e: {  	_ =	shalt  }
0x4f: {  	_ =	shalt  }
0x50: {  	_ =	shalt  }
0x51: {  	_ =	shalt  }
0x52: {  	_ =	shalt  }
0x53: {  	_ =	shalt  }
0x54: {  	_ =	shalt  }
0x55: {  	_ =	shalt  }
0x56: {  	_ =	shalt  }
0x57: {  	_ =	shalt  }
0x58: {  	_ =	shalt  }
0x59: {  	_ =	shalt  }
0x5a: {  	_ =	shalt  }
0x5b: {  	_ =	shalt  }
0x5c: {  	_ =	shalt  }
0x5d: {  	_ =	shalt  }
0x5e: {  	_ =	shalt  }
0x5f: {  	_ =	shalt  }
0x60: {  	_ =	shalt  }
0x61: {  	_ =	shalt  }
0x62: {  	_ =	shalt  }
0x63: {  	_ =	shalt  }
0x64: {  	_ =	shalt  }
0x65: {  	_ =	shalt  }
0x66: {  	_ =	shalt  }
0x67: {  	_ =	shalt  }
0x68: {  	_ =	shalt  }
0x69: {  	_ =	shalt  }
0x6a: {  	_ =	shalt  }
0x6b: {  	_ =	shalt  }
0x6c: {  	_ =	shalt  }
0x6d: {  	_ =	shalt  }
0x6e: {  	_ =	shalt  }
0x6f: {  	_ =	shalt  }
0x70: {  	_ =	shalt  }
0x71: {  	_ =	shalt  }
0x72: {  	_ =	shalt  }
0x73: {  	_ =	shalt  }
0x74: {  	_ =	shalt  }
0x75: {  	_ =	shalt  }
0x76: {  	_ =	shalt  }
0x77: {  	_ =	shalt  }
0x78: {  	_ =	shalt  }
0x79: {  	_ =	shalt  }
0x7a: {  	_ =	shalt  }
0x7b: {  	_ =	shalt  }
0x7c: {  	_ =	shalt  }
0x7d: {  	_ =	shalt  }
0x7e: {  	_ =	shalt  }
0x7f: {  	_ =	shalt  }
0x80: {  	_ =	shalt  }
0x81: {  	_ =	shalt  }
0x82: {  	_ =	shalt  }
0x83: {  	_ =	shalt  }
0x84: {  	_ =	shalt  }
0x85: {  	_ =	shalt  }
0x86: {  	_ =	shalt  }
0x87: {  	_ =	shalt  }
.Lfunc_end0:
.L_simem_size_0:
called_computation.1_lowered:
.L_overlay_start_0:
0x88: {  	s2 =	sld [smem:$0x3FD9]  }
0x89: {  	s3 =	sld [smem:$0x3FFE];
	_ =	sdelay $0x1  }
0x8a: {  	s1 =	srdreg.scid  }
0x8b: {  	s0 =	sand.u32 $0x1, s1  }
0x8c: {  	s16 =	sshll.u32 s0, $0xA;
	s2 =	sadd.s32 s3, s2  }
0x8d: {  	s2 =	sadd.s32 s2, s16  }
0x8e: {  	[smem:$0x3FC0] =	sst s2  }
0x8f: {  	_ = 	snop  }
0x90: {  	(tm) =	ssettm $0x1  }
0x91: {  	s17 =	sld [smem:$0x3FFB];
	_ =	sdelay $0x3  }
0x92: {  	_ =	strace s17  }
0x93: {  	s2 =	sld [smem:$0x3FFC];
	_ =	sdelay $0x3  }
0x94: {  	_ =	strace s2  }
0x95: {  	s2 =	sld [smem:$0x3FFD];
	_ =	sdelay $0x3  }
0x96: {  	_ =	strace s2  }
0x97: {  	_ =	strace $0x8FFFFFFF  }
0x98: {  	s18 =	sld [smem:$0x3FDB];
	_ =	sdelay $0x1  }
0x99: {  	s19 =	simm.s32 $_scs_section_size  }
0x9a: {  	s4 =	simm.s32 $_size__tile_overlayer_lowered;
	s5 =	simm.s32 $_tile_overlayer_lowered  }
0x9b: {  	s22 =	simm.s32 $0x1BFF;
	s21 =	sshll.u32 s5, $0x1;
	s2 =	sadd.s32 s19, s18  }
0x9c: {  	s6 =	simm.s32 $0x0;
	s20 =	sshll.u32 s4, $0x1;
	s4 =	sadd.s32 s21, s2  }
0x9d: {  	[timem:s6], [sflag:s22] =	dma.local [hbm:s4], s20  }
0x9e: {  	_ =	swait.ge [sflag:s22], s20  }
0x9f: {  	s3 =	ssub.s32 $0x0, s20;
	[sflag:s22] =	ssyncset.done $0x0  }
0xa0: {  	[sflag:s22] =	ssyncadd.s32 s3;
	_ =	sdelay $0x1  }
0xa1: {  	s23 =	simm.s32 $0x1B8B  }
0xa2: {  	_ =	swait.ge [sflag:s23], $0x1  }
0xa3: {  	[sflag:s23] =	ssyncset.done $0x0  }
0xa4: {  	s25 =	simm.s32 $0x1B8E;
	s24 =	sld [smem:$0x3FFE];
	[sflag:s23] =	ssyncadd.s32 $0xFFFFFFFF  }
0xa5: {  	s26 =	simm.s32 $execute0_lowered;
	[smem:$0x3FD2] =	sst s25  }
0xa6: {  	s4 =	sshll.u32 s26, $0x1;
	_ =	strace $0x80000049;
	[dreg:$0x1] =	wrdreg $0xFFFFFFFF  }
0xa7: {  	s28 =	simm.s32 $_size_execute0_lowered;
	s2 =	sadd.s32 s2, s4;
	[dreg:$0x0] =	wrdreg $0x0  }
0xa8: {  	s4 =	sshll.u32 s28, $0x1;
	[dreg:$0x2] =	wrdreg s2  }
0xa9: {  	[dreg:$0x3] =	wrdreg s4  }
0xaa: {  	[dreg:$0x4] =	wrdreg $0xC0  }
0xab: {  	_ =	task [dreg:s6], $0x5FFFF  }
0xac: {  	[dreg:$0x1] =	wrdreg $0xFFFFFFFF  }
0xad: {  	[dreg:$0x0] =	wrdreg $0x60  }
0xae: {  	[dreg:$0x2] =	wrdreg s24  }
0xaf: {  	[dreg:$0x3] =	wrdreg $0x68000  }
0xb0: {  	[dreg:$0x4] =	wrdreg $0x9  }
0xb1: {  	_ =	task.clear_ibuf [dreg:s6], $0x5FFFF;
	_ =	strace $0x90000049  }
0xb2: {  	s29 =	simm.s32 $0x9;
	_ =	strace $0x8000004B  }
0xb3: {  	_ =	swait.ge [sflag:s29], $0x1  }
0xb4: {  	[sflag:s29] =	ssyncadd.s32 $0xFFFFFFFF  }
0xb5: {  	_ =	strace $0x9000004B  }
0xb6: {  	_ =	sfence  }
0xb7: {  	s30 =	sld [smem:$0x0];
	_ =	sdelay $0x2  }
0xb8: {  	s31 =	sshll.u32 s1, $0xD;
	s1 =	sshrl.u32 s1, $0x2  }
0xb9: {  	s3 =	sand.u32 $0x4000, s31;
	s1 =	sadd.s32 s1, s30  }
0xba: {  	s0 =	sor.u32 s3, s0;
	s1 =	sshll.u32 s1, $0x11  }
0xbb: {  	s0 =	sor.u32 s1, s0  }
0xbc: {  	s0 =	sadd.s32 $0x8F2B, s0  }
0xbd: {  	[sflag:s0] =	ssyncadd.remote.s32 $0x1  }
0xbe: {  	_ =	sfence.sel $0xFFFF  }
0xbf: {  	[dreg:$0x0] =	wrdreg $0xFFFFFFFF;
	(pc) =	sbr.abs _section_cstart, $3  }
0xc0: {  	[dreg:$0x1] =	wrdreg $0xFFFFFFFF  }
0xc1: {  	_ =	task.clear_ibuf [dreg:s6], $0x2FFFF;
	_ =	strace $0x9FFFFFFF  }
0xc2: {  	(tm) =	ssettm $0x7FFFFFFF  }
0xc3: {  	_ =	shalt  }
tec
execute0_lowered:
.L_overlay_start_1:
0x0: {  	(tag) =	ssettag $0x1  }
0x1: {  	s5 =	rddreg [dreg:$0x0]  }
0x2: {  	s2 =	rddreg [dreg:$0x1]  }
0x3: {  	s0 =	rddreg [dreg:$0x2]  }
0x4: {  	s4 =	srdreg.scid;
	s1 =	stileid.u32;
	s3 =	simm.s32 $0x0  }
0x5: {  	s18 =	simm.s32 $0x1400;
	s19 =	simm.s32 $0x80;
	s20 =	simm.s32 $0x1  }
0x6: {  	s21 =	simm.s32 $0x4800;
	s22 =	simm.s32 $0x2;
	s23 =	simm.s32 $0x100  }
0x7: {  	s24 =	simm.s32 $0x1480;
	s25 =	simm.s32 $0x0;
	s6 =	sand.u32 $0x1, s4  }
0x8: {  	s7 =	smul.u32 $0xA000, s1;
	[smem:$0x7FF] =	sst s3;
	s4 =	sadd.s32 $0x8EE00, s5  }
0x9: {  	s12 =	sadd.s32 $0x2E00, s5;
	s13 =	sadd.s32 $0xCE00, s5;
	s9 =	smul.u32 $0x28000, s1  }
0xa: {  	s8 =	smul.u32 $0xA0000, s6;
	s29 =	ssub.s32 $0x2, s6;
	s6 =	sshll.u32 s6, $0x4  }
0xb: {  	_ =	strace $0x8000004A;
	s30 =	sshrl.u32 s29, $0x1;
	s10 =	sor.u32 s1, s6  }
0xc: {  	s31 =	sshrl.u32 s9, $0x2;
	s8 =	sadd.s32 s7, s8;
	s11 =	smul.u32 $0x2800, s10  }
0xd: {  	s15 =	ssub.s32 s29, s30;
	s9 =	sadd.s32 s31, s2;
	s16 =	smul.u32 $0x500, s10  }
0xe: {  	s8 =	sshrl.u32 s8, $0x3;
	s6 =	sadd.s32 $0x2000, s9;
	s15 =	smax.u32 s15, $0x1  }
.Ltmp0:
0xf: {  	s14 =	sadd.s32 s8, s5;
	s5 =	sadd.s32 s7, s2;
	(pc) =	sbr.rel .LBB2_1-.Ltmp0, $4  }
0x10: {  	s7 =	sadd.s32 $0x4000, s9;
	s8 =	sadd.s32 $0x6000, s9;
	s11 =	sshrl.u32 s11, $0x3  }
0x11: {  	s9 =	sadd.s32 $0x8000, s9;
	s10 =	sadd.s32 s12, s16;
	s17 =	sadd.s32 $0x280, s11  }
0x12: {  	s11 =	sadd.s32 s13, s16;
	s14 =	sadd.s32 $0xA2E00, s14;
	s16 =	simm.s32 $0x2800  }
0x13: {  	v0 =	vimm.f32 $0.0e+00;
	s12 =	sadd.s32 s12, s17;
	s13 =	sadd.s32 s13, s17;
	s17 =	simm.s32 $0x3  }
.LBB2_9:
0x14: {  	[spmem:s2] =	stream.indirect.scatter.add.f32 [tilespmem:s21], [sflag:$0x2], $0x40, s29, s19, $0xb8;
	[tilespmem:$0x10800] =	vst v63  }
0x15: {  	_ =	swait.ge [sflag:s22], $0x2000  }
0x16: {  	s26 =	sshll.u32 s1, $0x6;
	s25 =	sadd.s32 $0x1, s25;
	[sflag:s22] =	ssyncset.done $0x0  }
0x17: {  	s28 =	sshrl.u32 s5, $0x3;
	p0 =	sne.s32 s25, s15;
	[sflag:s22] =	ssyncadd.s32 $0xFFFFE000  }
.Ltmp1:
0x18: {  	s26 =	sor.u32 $0x1C03, s26;
	[bflag:$0x0] =	sbarrier.arrive $0xFFFF;
	(pc) =	sbr.rel @!p0 .LBB2_10-.Ltmp1, $4  }
0x19: {  	[hbm:s14], [sflag:s26] =	dma.local [spmem:s28], $0x1400  }
0x1a: {  	_ =	swait.ge [sflag:s17], $0x1400  }
0x1b: {  	[sflag:s17] =	ssyncset.done $0x0  }
0x1c: {  	[sflag:s17] =	ssyncadd.s32 $0xFFFFEC00  }
.LBB2_1:
0x1d: {  	s28 =	simm.s32 $0x100;
	s26 =	simm.s32 $0x0  }
.LBB2_2:
0x1e: {  	p0 =	sne.s32 s28, $0x7F00;
	[tilespmem:s26+$0x2830] =	vst v0;
	s29 =	smov.u32 s28;
	s28 =	sadd.s32 $0x100, s28  }
.Ltmp2:
0x1f: {  	[tilespmem:s26+$0x2820] =	vst v0;
	(pc) =	sbr.rel @p0 .LBB2_2-.Ltmp2, $3  }
0x20: {  	[tilespmem:s26+$0x2800] =	vst v0  }
0x21: {  	[tilespmem:s26+$0x2810] =	vst v0;
	_ =	sdelay $0x1  }
0x22: {  	s26 =	sshra.s32 s29, $0x2  }
0x23: {  	[tilespmem:s26+$0x2830] =	vst v0  }
0x24: {  	[tilespmem:s26+$0x2820] =	vst v0  }
0x25: {  	[tilespmem:s26+$0x2800] =	vst v0  }
0x26: {  	[tilespmem:s26+$0x2810] =	vst v0  }
0x27: {  	[spmem:s5] =	stream.linear.scatter [tilespmem:s16], [sflag:$0x3], $0x2000, $0x38;
	[tilespmem:$0x10800] =	vst v63  }
0x28: {  	_ =	swait.ge [sflag:s17], $0x2000  }
0x29: {  	[sflag:s17] =	ssyncset.done $0x0  }
0x2a: {  	[sflag:s17] =	ssyncadd.s32 $0xFFFFE000  }
0x2b: {  	[spmem:s6] =	stream.linear.scatter [tilespmem:s16], [sflag:$0x3], $0x2000, $0x38;
	[tilespmem:$0x10800] =	vst v63  }
0x2c: {  	_ =	swait.ge [sflag:s17], $0x2000  }
0x2d: {  	[sflag:s17] =	ssyncset.done $0x0  }
0x2e: {  	[sflag:s17] =	ssyncadd.s32 $0xFFFFE000  }
0x2f: {  	[spmem:s7] =	stream.linear.scatter [tilespmem:s16], [sflag:$0x3], $0x2000, $0x38;
	[tilespmem:$0x10800] =	vst v63  }
0x30: {  	_ =	swait.ge [sflag:s17], $0x2000  }
0x31: {  	[sflag:s17] =	ssyncset.done $0x0  }
0x32: {  	[sflag:s17] =	ssyncadd.s32 $0xFFFFE000  }
0x33: {  	[spmem:s8] =	stream.linear.scatter [tilespmem:s16], [sflag:$0x3], $0x2000, $0x38;
	[tilespmem:$0x10800] =	vst v63  }
0x34: {  	_ =	swait.ge [sflag:s17], $0x2000  }
0x35: {  	[sflag:s17] =	ssyncset.done $0x0  }
0x36: {  	[sflag:s17] =	ssyncadd.s32 $0xFFFFE000  }
0x37: {  	[spmem:s9] =	stream.linear.scatter [tilespmem:s16], [sflag:$0x3], $0x2000, $0x38;
	[tilespmem:$0x10800] =	vst v63  }
0x38: {  	_ =	swait.ge [sflag:s17], $0x2000  }
0x39: {  	[sflag:s17] =	ssyncset.done $0x0  }
0x3a: {  	[sflag:s17] =	ssyncadd.s32 $0xFFFFE000  }
0x3b: {  	[bflag:$0x0] =	sbarrier.arrive $0xFFFF  }
0x3c: {  	[tilespmem:s3], [sflag:$0x3] =	stream.linear.gather [hbm4b:s10+s3], $0x1400, $0x38;
	[tilespmem:$0x10800] =	vst v63  }
0x3d: {  	_ =	swait.ge [sflag:s17], $0x1400  }
0x3e: {  	[sflag:s17] =	ssyncset.done $0x0  }
0x3f: {  	[sflag:s17] =	ssyncadd.s32 $0xFFFFEC00  }
0x40: {  	[tilespmem:s18], [sflag:$0x3] =	stream.linear.gather [hbm4b:s11+s3], $0x1400, $0x38;
	[tilespmem:$0x10800] =	vst v63  }
0x41: {  	_ =	swait.ge [sflag:s17], $0x1400  }
0x42: {  	[sflag:s17] =	ssyncset.done $0x0  }
0x43: {  	[sflag:s17] =	ssyncadd.s32 $0xFFFFEC00  }
0x44: {  	[tilespmem:s16], [sflag:$0x1] =	stream.indirect.gather [hbm4b:s4+s19], $0x40, s3, s19, $0xb8;
	[tilespmem:$0x10800] =	vst v63  }
0x45: {  	_ =	swait.ge [sflag:s20], $0x2000  }
0x46: {  	[sflag:s20] =	ssyncset.done $0x0  }
0x47: {  	[sflag:s20] =	ssyncadd.s32 $0xFFFFE000  }
0x48: {  	[tilespmem:s21], [sflag:$0x1] =	stream.indirect.gather [hbm4b:s4+s19], $0x40, s19, s19, $0xb8;
	[tilespmem:$0x10800] =	vst v63  }
0x49: {  	_ = 	snop  }
0x4a: {  	[spmem:s2] =	stream.indirect.scatter.add.f32 [tilespmem:s16], [sflag:$0x2], $0x40, s18, s19, $0xb8;
	[tilespmem:$0x10800] =	vst v63  }
0x4b: {  	_ =	swait.ge [sflag:s20], $0x2000  }
0x4c: {  	[sflag:s20] =	ssyncset.done $0x0  }
0x4d: {  	[sflag:s20] =	ssyncadd.s32 $0xFFFFE000  }
0x4e: {  	_ =	swait.ge [sflag:s22], $0x2000  }
0x4f: {  	[sflag:s22] =	ssyncset.done $0x0  }
0x50: {  	[sflag:s22] =	ssyncadd.s32 $0xFFFFE000  }
0x51: {  	[tilespmem:s16], [sflag:$0x1] =	stream.indirect.gather [hbm4b:s4+s19], $0x40, s23, s19, $0xb8;
	[tilespmem:$0x10800] =	vst v63  }
0x52: {  	s26 =	simm.s32 $0xFFFFB800  }
0x53: {  	[spmem:s2] =	stream.indirect.scatter.add.f32 [tilespmem:s21], [sflag:$0x2], $0x40, s24, s19, $0xb8;
	[tilespmem:$0x10800] =	vst v63  }
.LBB2_4:
0x54: {  	_ =	swait.ge [sflag:s20], $0x2000  }
0x55: {  	[sflag:s20] =	ssyncset.done $0x0  }
0x56: {  	[sflag:s20] =	ssyncadd.s32 $0xFFFFE000  }
0x57: {  	_ =	swait.ge [sflag:s22], $0x2000  }
0x58: {  	s28 =	sshra.s32 s26, $0x2;
	[sflag:s22] =	ssyncset.done $0x0  }
0x59: {  	s29 =	sadd.s32 $0x1380, s28;
	[sflag:s22] =	ssyncadd.s32 $0xFFFFE000  }
0x5a: {  	[tilespmem:s21], [sflag:$0x1] =	stream.indirect.gather [hbm4b:s4+s19], $0x40, s29, s19, $0xb8;
	[tilespmem:$0x10800] =	vst v63  }
0x5b: {  	s29 =	sadd.s32 $0x2700, s28  }
0x5c: {  	[spmem:s2] =	stream.indirect.scatter.add.f32 [tilespmem:s16], [sflag:$0x2], $0x40, s29, s19, $0xb8;
	[tilespmem:$0x10800] =	vst v63  }
0x5d: {  	p0 =	seq.s32 s26, $0x0;
	_ =	swait.ge [sflag:s20], $0x2000  }
.Ltmp3:
0x5e: {  	[sflag:s20] =	ssyncset.done $0x0;
	(pc) =	sbr.rel @p0 .LBB2_6-.Ltmp3, $4  }
0x5f: {  	[sflag:s20] =	ssyncadd.s32 $0xFFFFE000  }
0x60: {  	_ =	swait.ge [sflag:s22], $0x2000  }
0x61: {  	[sflag:s22] =	ssyncset.done $0x0  }
0x62: {  	s29 =	sadd.s32 $0x2780, s28;
	[sflag:s22] =	ssyncadd.s32 $0xFFFFE000  }
.Ltmp4:
0x63: {  	(pc) =	sbr.rel .LBB2_4-.Ltmp4, $4  }
0x64: {  	s28 =	sadd.s32 $0x1400, s28  }
0x65: {  	[tilespmem:s16], [sflag:$0x1] =	stream.indirect.gather [hbm4b:s4+s19], $0x40, s28, s19, $0xb8;
	[tilespmem:$0x10800] =	vst v63  }
0x66: {  	s26 =	sadd.s32 $0x400, s26  }
0x67: {  	[spmem:s2] =	stream.indirect.scatter.add.f32 [tilespmem:s21], [sflag:$0x2], $0x40, s29, s19, $0xb8;
	[tilespmem:$0x10800] =	vst v63  }
.LBB2_6:
0x68: {  	[spmem:s2] =	stream.indirect.scatter.add.f32 [tilespmem:s21], [sflag:$0x2], $0x40, s29, s19, $0xb8;
	[tilespmem:$0x10800] =	vst v63  }
0x69: {  	_ =	swait.ge [sflag:s22], $0x2000  }
0x6a: {  	[sflag:s22] =	ssyncset.done $0x0  }
0x6b: {  	[sflag:s22] =	ssyncadd.s32 $0xFFFFE000  }
0x6c: {  	[tilespmem:s3], [sflag:$0x3] =	stream.linear.gather [hbm4b:s12+s3], $0x1400, $0x38;
	[tilespmem:$0x10800] =	vst v63  }
0x6d: {  	_ =	swait.ge [sflag:s17], $0x1400  }
0x6e: {  	[sflag:s17] =	ssyncset.done $0x0  }
0x6f: {  	[sflag:s17] =	ssyncadd.s32 $0xFFFFEC00  }
0x70: {  	[tilespmem:s18], [sflag:$0x3] =	stream.linear.gather [hbm4b:s13+s3], $0x1400, $0x38;
	[tilespmem:$0x10800] =	vst v63  }
0x71: {  	_ =	swait.ge [sflag:s17], $0x1400  }
0x72: {  	[sflag:s17] =	ssyncset.done $0x0  }
0x73: {  	[sflag:s17] =	ssyncadd.s32 $0xFFFFEC00  }
0x74: {  	[tilespmem:s16], [sflag:$0x1] =	stream.indirect.gather [hbm4b:s4+s19], $0x40, s3, s19, $0xb8;
	[tilespmem:$0x10800] =	vst v63  }
0x75: {  	_ =	swait.ge [sflag:s20], $0x2000  }
0x76: {  	[sflag:s20] =	ssyncset.done $0x0  }
0x77: {  	[sflag:s20] =	ssyncadd.s32 $0xFFFFE000  }
0x78: {  	[tilespmem:s21], [sflag:$0x1] =	stream.indirect.gather [hbm4b:s4+s19], $0x40, s19, s19, $0xb8;
	[tilespmem:$0x10800] =	vst v63  }
0x79: {  	_ = 	snop  }
0x7a: {  	[spmem:s2] =	stream.indirect.scatter.add.f32 [tilespmem:s16], [sflag:$0x2], $0x40, s18, s19, $0xb8;
	[tilespmem:$0x10800] =	vst v63  }
0x7b: {  	_ =	swait.ge [sflag:s20], $0x2000  }
0x7c: {  	[sflag:s20] =	ssyncset.done $0x0  }
0x7d: {  	[sflag:s20] =	ssyncadd.s32 $0xFFFFE000  }
0x7e: {  	_ =	swait.ge [sflag:s22], $0x2000  }
0x7f: {  	[sflag:s22] =	ssyncset.done $0x0  }
0x80: {  	[sflag:s22] =	ssyncadd.s32 $0xFFFFE000  }
0x81: {  	[tilespmem:s16], [sflag:$0x1] =	stream.indirect.gather [hbm4b:s4+s19], $0x40, s23, s19, $0xb8;
	[tilespmem:$0x10800] =	vst v63  }
0x82: {  	s26 =	simm.s32 $0xFFFFB800  }
0x83: {  	[spmem:s2] =	stream.indirect.scatter.add.f32 [tilespmem:s21], [sflag:$0x2], $0x40, s24, s19, $0xb8;
	[tilespmem:$0x10800] =	vst v63  }
.LBB2_7:
0x84: {  	_ =	swait.ge [sflag:s20], $0x2000  }
0x85: {  	[sflag:s20] =	ssyncset.done $0x0  }
0x86: {  	[sflag:s20] =	ssyncadd.s32 $0xFFFFE000  }
0x87: {  	_ =	swait.ge [sflag:s22], $0x2000  }
0x88: {  	s28 =	sshra.s32 s26, $0x2;
	[sflag:s22] =	ssyncset.done $0x0  }
0x89: {  	s29 =	sadd.s32 $0x1380, s28;
	[sflag:s22] =	ssyncadd.s32 $0xFFFFE000  }
0x8a: {  	[tilespmem:s21], [sflag:$0x1] =	stream.indirect.gather [hbm4b:s4+s19], $0x40, s29, s19, $0xb8;
	[tilespmem:$0x10800] =	vst v63  }
0x8b: {  	s29 =	sadd.s32 $0x2700, s28  }
0x8c: {  	[spmem:s2] =	stream.indirect.scatter.add.f32 [tilespmem:s16], [sflag:$0x2], $0x40, s29, s19, $0xb8;
	[tilespmem:$0x10800] =	vst v63  }
0x8d: {  	p0 =	seq.s32 s26, $0x0;
	_ =	swait.ge [sflag:s20], $0x2000  }
.Ltmp5:
0x8e: {  	[sflag:s20] =	ssyncset.done $0x0;
	(pc) =	sbr.rel @p0 .LBB2_9-.Ltmp5, $4  }
0x8f: {  	[sflag:s20] =	ssyncadd.s32 $0xFFFFE000  }
0x90: {  	_ =	swait.ge [sflag:s22], $0x2000  }
0x91: {  	[sflag:s22] =	ssyncset.done $0x0  }
0x92: {  	s29 =	sadd.s32 $0x2780, s28;
	[sflag:s22] =	ssyncadd.s32 $0xFFFFE000  }
.Ltmp6:
0x93: {  	(pc) =	sbr.rel .LBB2_7-.Ltmp6, $4  }
0x94: {  	s28 =	sadd.s32 $0x1400, s28  }
0x95: {  	[tilespmem:s16], [sflag:$0x1] =	stream.indirect.gather [hbm4b:s4+s19], $0x40, s28, s19, $0xb8;
	[tilespmem:$0x10800] =	vst v63  }
0x96: {  	s26 =	sadd.s32 $0x400, s26  }
0x97: {  	[spmem:s2] =	stream.indirect.scatter.add.f32 [tilespmem:s21], [sflag:$0x2], $0x40, s29, s19, $0xb8;
	[tilespmem:$0x10800] =	vst v63  }
.LBB2_10:
0x98: {  	_ =	sfence.sel $0x180000  }
0x99: {  	[bflag:$0x0] =	sbarrier.arrive $0xFFFF  }
0x9a: {  	p0 =	sne.s32 s1, $0x0;
	_ =	strace $0x9000004A  }
0x9b: {  	s0 =	sadd.s32 @!p0 $0x100000, s0;
	[bflag:$0x2] =	sbarrier.arrive $0xFFFF  }
0x9c: {  	[sflag:s0] =	ssyncadd.tile.s32 @!p0 $0x1;
	_ =	shalt  }
.Lfunc_end2:
_tile_overlayer_lowered:
.L_overlay_start_2:
0x9d: {  	(tag) =	ssettag $0x2  }
0x9e: {  	s0 =	rddreg [dreg:$0x0];
	s2 =	stileid.u32  }
0x9f: {  	s1 =	rddreg [dreg:$0x1];
	p0 =	sne.s32 s2, $0x0  }
0xa0: {  	s3 =	rddreg [dreg:$0x2];
	[bflag:$0x3] =	sbarrier.arrive $0xFFFF;
	s2 =	simm.s32 @!p0 $0x1C03  }
0xa1: {  	[timem:s3], [sflag:s2] =	dma.local @!p0 [hbm:s0], s1  }
0xa2: {  	s0 =	simm.s32 @!p0 $0x3  }
0xa3: {  	_ =	swait.ge @!p0 [sflag:s0], s1  }
0xa4: {  	s1 =	ssub.s32 @!p0 $0x0, s1;
	[sflag:s0] =	ssyncset.done @!p0 $0x0  }
0xa5: {  	[sflag:s0] =	ssyncadd.s32 @!p0 s1  }
0xa6: {  	[bflag:$0x3] =	sbarrier.arrive $0xFFFF  }
0xa7: {  	_ =	shalt  }

// kernel: kernel.14.cloned.1.call-start
scs
__scs_entry_jumppad:
0x0: {  	(pc) =	sbr.rel $0x88, $3  }
0x1: {  	(tag) =	ssettag $0x0;
	lr =	simm.s32 $0x1  }
0x2: {  	[smem:$0x3F99] =	sst lr;
	_ =	strace $0xD0000000  }
0x3: {  	_ = 	snop  }
0x4: {  	_ = 	snop  }
0x5: {  	_ = 	snop  }
0x6: {  	_ = 	snop  }
0x7: {  	_ = 	snop  }
__scs_overlays_trampoline_lowered:
0x8: {  	[smem:$0x3FA8] =	sst s0  }
0x9: {  	[smem:$0x3FA9] =	sst s1  }
0xa: {  	[smem:$0x3FAA] =	sst s2  }
0xb: {  	[smem:$0x3FAB] =	sst s3  }
0xc: {  	[smem:$0x3FAC] =	sst s4  }
0xd: {  	[smem:$0x3FAD] =	sst s5  }
0xe: {  	[smem:$0x3FAE] =	sst s6  }
0xf: {  	[smem:$0x3FAF] =	sst s7  }
0x10: {  	[smem:$0x3FB0] =	sst s8  }
0x11: {  	[smem:$0x3FB1] =	sst s9;
	s0 =	simm.s32 @!p0 $0x0  }
0x12: {  	s1 =	sld [smem:$0x3F97];
	s0 =	simm.s32 @p0 $0x1  }
0x13: {  	[smem:$0x3FB2] =	sst s0;
	s0 =	simm.s32 @!p1 $0x0  }
0x14: {  	s2 =	sld [smem:$0x3F96];
	s0 =	simm.s32 @p1 $0x1  }
0x15: {  	[smem:$0x3FB3] =	sst s0;
	s0 =	simm.s32 @!p2 $0x0  }
0x16: {  	s3 =	sld [smem:$0x3FDB];
	s0 =	simm.s32 @p2 $0x1  }
0x17: {  	s4 =	simm.s32 $0x1BF5;
	[smem:$0x3FB5] =	sst s0  }
0x18: {  	s0 =	sld [smem:$0x3F98];
	_ =	swait.ge [sflag:s4], $0x0  }
0x19: {  	s7 =	sld [smem:$0x3F99]  }
0x1a: {  	s8 =	sadd.s32 $0xFFFFE003, lr  }
0x1b: {  	s9 =	sadd.s32 $0xFFFFFEF7, lr;
	s5 =	simm.s32 $0xFFFFFFFF;
	p2 =	slt.u32 s8, $0xFFFFF086  }
0x1c: {  	p1 =	slt.u32 s9, $0xF7A;
	s5 =	simm.s32 @!p2 $0x0  }
0x1d: {  	s5 =	simm.s32 @p1 $0x1;
	p0 =	seq.s32 s7, s2  }
0x1e: {  	s7 =	smul.u32 @!p0 $0xF7A, s2;
	p2 =	seq.s32 @!p0 s5, $0x0  }
0x1f: {  	s9 =	smul.u32 $0xF7A, s1;
	s8 =	simm.s32 @!p0 $0x1BF5;
	p2 =	por !p2, p0  }
0x20: {  	[sflag:s8] =	ssyncset.s32 @!p0 $0xFFFFF086;
	s6 =	sadd.s32 @!p0 s3, s7;
	s7 =	simm.s32 @!p0 $0x108  }
0x21: {  	s3 =	sadd.s32 s3, s9;
	s6 =	sadd.s32 @!p0 $0x88, s6;
	s7 =	simm.s32 @p2 $0x1082  }
0x22: {  	[simem:s7], [sflag:s8] =	dma.local @!p0 [hbm:s6], $0xF7A  }
0x23: {  	s9 =	sor.u32 $0xD0000000, s2;
	s6 =	simm.s32 $0x108;
	_ =	swait.ge @!p0 [sflag:s8], $0x0  }
0x24: {  	s3 =	sadd.s32 $0x88, s3;
	s6 =	simm.s32 @!p1 $0x1082;
	[sflag:s4] =	ssyncset.s32 $0xFFFFF086  }
0x25: {  	[simem:s6], [sflag:s4] =	dma.local [hbm:s3], $0xF7A  }
0x26: {  	[smem:$0x3F99] =	sst s1;
	(tag) =	ssettag s2;
	_ =	strace s9  }
0x27: {  	s1 =	sld [smem:$0x3FA9]  }
0x28: {  	s2 =	sld [smem:$0x3FAA]  }
0x29: {  	s4 =	sld [smem:$0x3FAC]  }
0x2a: {  	p0 =	seq.s32 s5, $0x0;
	s5 =	sld [smem:$0x3FAD]  }
0x2b: {  	s6 =	sld [smem:$0x3FAE]  }
0x2c: {  	s7 =	sld [smem:$0x3FAF]  }
0x2d: {  	s3 =	simm.s32 $0x108;
	s8 =	sld [smem:$0x3FB0]  }
0x2e: {  	s3 =	simm.s32 @!p0 $0x1082;
	s9 =	sld [smem:$0x3FB1]  }
0x2f: {  	lr =	sadd.s32 s0, s3;
	s0 =	sld [smem:$0x3FA8]  }
0x30: {  	s3 =	sld [smem:$0x3FAB]  }
0x31: {  	[smem:$0x3FB4] =	sst s10  }
0x32: {  	s10 =	sld [smem:$0x3FB2];
	_ =	sdelay $0x3  }
0x33: {  	p0 =	seq.s32 s10, $0x1;
	s10 =	sld [smem:$0x3FB4];
	_ =	sdelay $0x3  }
0x34: {  	[smem:$0x3FB4] =	sst s10  }
0x35: {  	s10 =	sld [smem:$0x3FB3];
	_ =	sdelay $0x3  }
0x36: {  	p1 =	seq.s32 s10, $0x1;
	s10 =	sld [smem:$0x3FB4];
	_ =	sdelay $0x3  }
0x37: {  	[smem:$0x3FB4] =	sst s10  }
0x38: {  	s10 =	sld [smem:$0x3FB5]  }
0x39: {  	_ = 	snop;
	(pc) =	sbr.ind lr, $3  }
0x3a: {  	_ = 	snop  }
0x3b: {  	_ = 	snop  }
0x3c: {  	p2 =	seq.s32 s10, $0x1;
	s10 =	sld [smem:$0x3FB4]  }
0x3d: {  	_ =	shalt  }
0x3e: {  	_ =	shalt  }
0x3f: {  	_ =	shalt  }
0x40: {  	_ =	shalt  }
0x41: {  	_ =	shalt  }
0x42: {  	_ =	shalt  }
0x43: {  	_ =	shalt  }
0x44: {  	_ =	shalt  }
0x45: {  	_ =	shalt  }
0x46: {  	_ =	shalt  }
0x47: {  	_ =	shalt  }
0x48: {  	_ =	shalt  }
0x49: {  	_ =	shalt  }
0x4a: {  	_ =	shalt  }
0x4b: {  	_ =	shalt  }
0x4c: {  	_ =	shalt  }
0x4d: {  	_ =	shalt  }
0x4e: {  	_ =	shalt  }
0x4f: {  	_ =	shalt  }
0x50: {  	_ =	shalt  }
0x51: {  	_ =	shalt  }
0x52: {  	_ =	shalt  }
0x53: {  	_ =	shalt  }
0x54: {  	_ =	shalt  }
0x55: {  	_ =	shalt  }
0x56: {  	_ =	shalt  }
0x57: {  	_ =	shalt  }
0x58: {  	_ =	shalt  }
0x59: {  	_ =	shalt  }
0x5a: {  	_ =	shalt  }
0x5b: {  	_ =	shalt  }
0x5c: {  	_ =	shalt  }
0x5d: {  	_ =	shalt  }
0x5e: {  	_ =	shalt  }
0x5f: {  	_ =	shalt  }
0x60: {  	_ =	shalt  }
0x61: {  	_ =	shalt  }
0x62: {  	_ =	shalt  }
0x63: {  	_ =	shalt  }
0x64: {  	_ =	shalt  }
0x65: {  	_ =	shalt  }
0x66: {  	_ =	shalt  }
0x67: {  	_ =	shalt  }
0x68: {  	_ =	shalt  }
0x69: {  	_ =	shalt  }
0x6a: {  	_ =	shalt  }
0x6b: {  	_ =	shalt  }
0x6c: {  	_ =	shalt  }
0x6d: {  	_ =	shalt  }
0x6e: {  	_ =	shalt  }
0x6f: {  	_ =	shalt  }
0x70: {  	_ =	shalt  }
0x71: {  	_ =	shalt  }
0x72: {  	_ =	shalt  }
0x73: {  	_ =	shalt  }
0x74: {  	_ =	shalt  }
0x75: {  	_ =	shalt  }
0x76: {  	_ =	shalt  }
0x77: {  	_ =	shalt  }
0x78: {  	_ =	shalt  }
0x79: {  	_ =	shalt  }
0x7a: {  	_ =	shalt  }
0x7b: {  	_ =	shalt  }
0x7c: {  	_ =	shalt  }
0x7d: {  	_ =	shalt  }
0x7e: {  	_ =	shalt  }
0x7f: {  	_ =	shalt  }
0x80: {  	_ =	shalt  }
0x81: {  	_ =	shalt  }
0x82: {  	_ =	shalt  }
0x83: {  	_ =	shalt  }
0x84: {  	_ =	shalt  }
0x85: {  	_ =	shalt  }
0x86: {  	_ =	shalt  }
0x87: {  	_ =	shalt  }
.Lfunc_end0:
.L_simem_size_0:
called_computation.2_lowered:
.L_overlay_start_0:
0x88: {  	s2 =	sld [smem:$0x3FD9]  }
0x89: {  	s3 =	sld [smem:$0x3FFE];
	_ =	sdelay $0x1  }
0x8a: {  	s1 =	srdreg.scid  }
0x8b: {  	s0 =	sand.u32 $0x1, s1  }
0x8c: {  	s16 =	sshll.u32 s0, $0xA;
	s2 =	sadd.s32 s3, s2  }
0x8d: {  	s2 =	sadd.s32 s2, s16  }
0x8e: {  	[smem:$0x3FC0] =	sst s2  }
0x8f: {  	_ = 	snop  }
0x90: {  	(tm) =	ssettm $0x1  }
0x91: {  	s17 =	sld [smem:$0x3FFB];
	_ =	sdelay $0x3  }
0x92: {  	_ =	strace s17  }
0x93: {  	s2 =	sld [smem:$0x3FFC];
	_ =	sdelay $0x3  }
0x94: {  	_ =	strace s2  }
0x95: {  	s2 =	sld [smem:$0x3FFD];
	_ =	sdelay $0x3  }
0x96: {  	_ =	strace s2  }
0x97: {  	_ =	strace $0x8FFFFFFF  }
0x98: {  	s18 =	sld [smem:$0x3FDB];
	_ =	sdelay $0x1  }
0x99: {  	s19 =	simm.s32 $_scs_section_size  }
0x9a: {  	s4 =	simm.s32 $_size__tile_overlayer_lowered;
	s5 =	simm.s32 $_tile_overlayer_lowered  }
0x9b: {  	s22 =	simm.s32 $0x1BFF;
	s21 =	sshll.u32 s5, $0x1;
	s2 =	sadd.s32 s19, s18  }
0x9c: {  	s6 =	simm.s32 $0x0;
	s20 =	sshll.u32 s4, $0x1;
	s4 =	sadd.s32 s21, s2  }
0x9d: {  	[timem:s6], [sflag:s22] =	dma.local [hbm:s4], s20  }
0x9e: {  	_ =	swait.ge [sflag:s22], s20  }
0x9f: {  	s3 =	ssub.s32 $0x0, s20;
	[sflag:s22] =	ssyncset.done $0x0  }
0xa0: {  	[sflag:s22] =	ssyncadd.s32 s3;
	_ =	sdelay $0x1  }
0xa1: {  	s23 =	simm.s32 $0x1B8B  }
0xa2: {  	_ =	swait.ge [sflag:s23], $0x1  }
0xa3: {  	[sflag:s23] =	ssyncset.done $0x0  }
0xa4: {  	s25 =	simm.s32 $0x1B8E;
	s24 =	sld [smem:$0x3FFE];
	[sflag:s23] =	ssyncadd.s32 $0xFFFFFFFF  }
0xa5: {  	s26 =	simm.s32 $execute0_lowered;
	[smem:$0x3FD2] =	sst s25  }
0xa6: {  	s4 =	sshll.u32 s26, $0x1;
	_ =	strace $0x8000004C;
	[dreg:$0x1] =	wrdreg $0xFFFFFFFF  }
0xa7: {  	s28 =	simm.s32 $_size_execute0_lowered;
	s2 =	sadd.s32 s2, s4;
	[dreg:$0x0] =	wrdreg $0x0  }
0xa8: {  	s4 =	sshll.u32 s28, $0x1;
	[dreg:$0x2] =	wrdreg s2  }
0xa9: {  	[dreg:$0x3] =	wrdreg s4  }
0xaa: {  	[dreg:$0x4] =	wrdreg $0xC0  }
0xab: {  	_ =	task [dreg:s6], $0x5FFFF  }
0xac: {  	[dreg:$0x1] =	wrdreg $0xFFFFFFFF  }
0xad: {  	[dreg:$0x0] =	wrdreg $0x60  }
0xae: {  	[dreg:$0x2] =	wrdreg s24  }
0xaf: {  	[dreg:$0x3] =	wrdreg $0x68000  }
0xb0: {  	[dreg:$0x4] =	wrdreg $0x9  }
0xb1: {  	_ =	task.clear_ibuf [dreg:s6], $0x5FFFF;
	_ =	strace $0x9000004C  }
0xb2: {  	s29 =	simm.s32 $0x9;
	_ =	strace $0x8000004E  }
0xb3: {  	_ =	swait.ge [sflag:s29], $0x1  }
0xb4: {  	[sflag:s29] =	ssyncadd.s32 $0xFFFFFFFF  }
0xb5: {  	_ =	strace $0x9000004E  }
0xb6: {  	_ =	sfence  }
0xb7: {  	s30 =	sld [smem:$0x0];
	_ =	sdelay $0x2  }
0xb8: {  	s31 =	sshll.u32 s1, $0xD;
	s1 =	sshrl.u32 s1, $0x2  }
0xb9: {  	s3 =	sand.u32 $0x4000, s31;
	s1 =	sadd.s32 s1, s30  }
0xba: {  	s0 =	sor.u32 s3, s0;
	s1 =	sshll.u32 s1, $0x11  }
0xbb: {  	s0 =	sor.u32 s1, s0  }
0xbc: {  	s0 =	sadd.s32 $0x8F2B, s0  }
0xbd: {  	[sflag:s0] =	ssyncadd.remote.s32 $0x1  }
0xbe: {  	_ =	sfence.sel $0xFFFF  }
0xbf: {  	[dreg:$0x0] =	wrdreg $0xFFFFFFFF;
	(pc) =	sbr.abs _section_cstart, $3  }
0xc0: {  	[dreg:$0x1] =	wrdreg $0xFFFFFFFF  }
0xc1: {  	_ =	task.clear_ibuf [dreg:s6], $0x2FFFF;
	_ =	strace $0x9FFFFFFF  }
0xc2: {  	(tm) =	ssettm $0x7FFFFFFF  }
0xc3: {  	_ =	shalt  }
tec
execute0_lowered:
.L_overlay_start_1:
0x0: {  	(tag) =	ssettag $0x1  }
0x1: {  	s5 =	rddreg [dreg:$0x0]  }
0x2: {  	s2 =	rddreg [dreg:$0x1]  }
0x3: {  	s0 =	rddreg [dreg:$0x2]  }
0x4: {  	s4 =	srdreg.scid;
	s1 =	stileid.u32;
	s3 =	simm.s32 $0x0  }
0x5: {  	s18 =	simm.s32 $0x1400;
	s19 =	simm.s32 $0x80;
	s20 =	simm.s32 $0x1  }
0x6: {  	s21 =	simm.s32 $0x4800;
	s22 =	simm.s32 $0x2;
	s23 =	simm.s32 $0x100  }
0x7: {  	s24 =	simm.s32 $0x1480;
	s25 =	simm.s32 $0x0;
	s6 =	sand.u32 $0x1, s4  }
0x8: {  	s7 =	smul.u32 $0xA000, s1;
	[smem:$0x7FF] =	sst s3;
	s4 =	sadd.s32 $0x66E00, s5  }
0x9: {  	s12 =	sadd.s32 $0x2E00, s5;
	s13 =	sadd.s32 $0xCE00, s5;
	s9 =	smul.u32 $0x28000, s1  }
0xa: {  	s8 =	smul.u32 $0xA0000, s6;
	s29 =	ssub.s32 $0x2, s6;
	s6 =	sshll.u32 s6, $0x4  }
0xb: {  	_ =	strace $0x8000004D;
	s30 =	sshrl.u32 s29, $0x1;
	s10 =	sor.u32 s1, s6  }
0xc: {  	s31 =	sshrl.u32 s9, $0x2;
	s8 =	sadd.s32 s7, s8;
	s11 =	smul.u32 $0x2800, s10  }
0xd: {  	s15 =	ssub.s32 s29, s30;
	s9 =	sadd.s32 s31, s2;
	s16 =	smul.u32 $0x500, s10  }
0xe: {  	s8 =	sshrl.u32 s8, $0x3;
	s6 =	sadd.s32 $0x2000, s9;
	s15 =	smax.u32 s15, $0x1  }
.Ltmp0:
0xf: {  	s14 =	sadd.s32 s8, s5;
	s5 =	sadd.s32 s7, s2;
	(pc) =	sbr.rel .LBB2_1-.Ltmp0, $4  }
0x10: {  	s7 =	sadd.s32 $0x4000, s9;
	s8 =	sadd.s32 $0x6000, s9;
	s11 =	sshrl.u32 s11, $0x3  }
0x11: {  	s9 =	sadd.s32 $0x8000, s9;
	s10 =	sadd.s32 s12, s16;
	s17 =	sadd.s32 $0x280, s11  }
0x12: {  	s11 =	sadd.s32 s13, s16;
	s14 =	sadd.s32 $0x7AE00, s14;
	s16 =	simm.s32 $0x2800  }
0x13: {  	v0 =	vimm.f32 $0.0e+00;
	s12 =	sadd.s32 s12, s17;
	s13 =	sadd.s32 s13, s17;
	s17 =	simm.s32 $0x3  }
.LBB2_9:
0x14: {  	[spmem:s2] =	stream.indirect.scatter.add.f32 [tilespmem:s21], [sflag:$0x2], $0x40, s29, s19, $0xb8;
	[tilespmem:$0x10800] =	vst v63  }
0x15: {  	_ =	swait.ge [sflag:s22], $0x2000  }
0x16: {  	s26 =	sshll.u32 s1, $0x6;
	s25 =	sadd.s32 $0x1, s25;
	[sflag:s22] =	ssyncset.done $0x0  }
0x17: {  	s28 =	sshrl.u32 s5, $0x3;
	p0 =	sne.s32 s25, s15;
	[sflag:s22] =	ssyncadd.s32 $0xFFFFE000  }
.Ltmp1:
0x18: {  	s26 =	sor.u32 $0x1C03, s26;
	[bflag:$0x0] =	sbarrier.arrive $0xFFFF;
	(pc) =	sbr.rel @!p0 .LBB2_10-.Ltmp1, $4  }
0x19: {  	[hbm:s14], [sflag:s26] =	dma.local [spmem:s28], $0x1400  }
0x1a: {  	_ =	swait.ge [sflag:s17], $0x1400  }
0x1b: {  	[sflag:s17] =	ssyncset.done $0x0  }
0x1c: {  	[sflag:s17] =	ssyncadd.s32 $0xFFFFEC00  }
.LBB2_1:
0x1d: {  	s28 =	simm.s32 $0x100;
	s26 =	simm.s32 $0x0  }
.LBB2_2:
0x1e: {  	p0 =	sne.s32 s28, $0x7F00;
	[tilespmem:s26+$0x2830] =	vst v0;
	s29 =	smov.u32 s28;
	s28 =	sadd.s32 $0x100, s28  }
.Ltmp2:
0x1f: {  	[tilespmem:s26+$0x2820] =	vst v0;
	(pc) =	sbr.rel @p0 .LBB2_2-.Ltmp2, $3  }
0x20: {  	[tilespmem:s26+$0x2800] =	vst v0  }
0x21: {  	[tilespmem:s26+$0x2810] =	vst v0;
	_ =	sdelay $0x1  }
0x22: {  	s26 =	sshra.s32 s29, $0x2  }
0x23: {  	[tilespmem:s26+$0x2830] =	vst v0  }
0x24: {  	[tilespmem:s26+$0x2820] =	vst v0  }
0x25: {  	[tilespmem:s26+$0x2800] =	vst v0  }
0x26: {  	[tilespmem:s26+$0x2810] =	vst v0  }
0x27: {  	[spmem:s5] =	stream.linear.scatter [tilespmem:s16], [sflag:$0x3], $0x2000, $0x38;
	[tilespmem:$0x10800] =	vst v63  }
0x28: {  	_ =	swait.ge [sflag:s17], $0x2000  }
0x29: {  	[sflag:s17] =	ssyncset.done $0x0  }
0x2a: {  	[sflag:s17] =	ssyncadd.s32 $0xFFFFE000  }
0x2b: {  	[spmem:s6] =	stream.linear.scatter [tilespmem:s16], [sflag:$0x3], $0x2000, $0x38;
	[tilespmem:$0x10800] =	vst v63  }
0x2c: {  	_ =	swait.ge [sflag:s17], $0x2000  }
0x2d: {  	[sflag:s17] =	ssyncset.done $0x0  }
0x2e: {  	[sflag:s17] =	ssyncadd.s32 $0xFFFFE000  }
0x2f: {  	[spmem:s7] =	stream.linear.scatter [tilespmem:s16], [sflag:$0x3], $0x2000, $0x38;
	[tilespmem:$0x10800] =	vst v63  }
0x30: {  	_ =	swait.ge [sflag:s17], $0x2000  }
0x31: {  	[sflag:s17] =	ssyncset.done $0x0  }
0x32: {  	[sflag:s17] =	ssyncadd.s32 $0xFFFFE000  }
0x33: {  	[spmem:s8] =	stream.linear.scatter [tilespmem:s16], [sflag:$0x3], $0x2000, $0x38;
	[tilespmem:$0x10800] =	vst v63  }
0x34: {  	_ =	swait.ge [sflag:s17], $0x2000  }
0x35: {  	[sflag:s17] =	ssyncset.done $0x0  }
0x36: {  	[sflag:s17] =	ssyncadd.s32 $0xFFFFE000  }
0x37: {  	[spmem:s9] =	stream.linear.scatter [tilespmem:s16], [sflag:$0x3], $0x2000, $0x38;
	[tilespmem:$0x10800] =	vst v63  }
0x38: {  	_ =	swait.ge [sflag:s17], $0x2000  }
0x39: {  	[sflag:s17] =	ssyncset.done $0x0  }
0x3a: {  	[sflag:s17] =	ssyncadd.s32 $0xFFFFE000  }
0x3b: {  	[bflag:$0x0] =	sbarrier.arrive $0xFFFF  }
0x3c: {  	[tilespmem:s3], [sflag:$0x3] =	stream.linear.gather [hbm4b:s10+s3], $0x1400, $0x38;
	[tilespmem:$0x10800] =	vst v63  }
0x3d: {  	_ =	swait.ge [sflag:s17], $0x1400  }
0x3e: {  	[sflag:s17] =	ssyncset.done $0x0  }
0x3f: {  	[sflag:s17] =	ssyncadd.s32 $0xFFFFEC00  }
0x40: {  	[tilespmem:s18], [sflag:$0x3] =	stream.linear.gather [hbm4b:s11+s3], $0x1400, $0x38;
	[tilespmem:$0x10800] =	vst v63  }
0x41: {  	_ =	swait.ge [sflag:s17], $0x1400  }
0x42: {  	[sflag:s17] =	ssyncset.done $0x0  }
0x43: {  	[sflag:s17] =	ssyncadd.s32 $0xFFFFEC00  }
0x44: {  	[tilespmem:s16], [sflag:$0x1] =	stream.indirect.gather [hbm4b:s4+s19], $0x40, s3, s19, $0xb8;
	[tilespmem:$0x10800] =	vst v63  }
0x45: {  	_ =	swait.ge [sflag:s20], $0x2000  }
0x46: {  	[sflag:s20] =	ssyncset.done $0x0  }
0x47: {  	[sflag:s20] =	ssyncadd.s32 $0xFFFFE000  }
0x48: {  	[tilespmem:s21], [sflag:$0x1] =	stream.indirect.gather [hbm4b:s4+s19], $0x40, s19, s19, $0xb8;
	[tilespmem:$0x10800] =	vst v63  }
0x49: {  	_ = 	snop  }
0x4a: {  	[spmem:s2] =	stream.indirect.scatter.add.f32 [tilespmem:s16], [sflag:$0x2], $0x40, s18, s19, $0xb8;
	[tilespmem:$0x10800] =	vst v63  }
0x4b: {  	_ =	swait.ge [sflag:s20], $0x2000  }
0x4c: {  	[sflag:s20] =	ssyncset.done $0x0  }
0x4d: {  	[sflag:s20] =	ssyncadd.s32 $0xFFFFE000  }
0x4e: {  	_ =	swait.ge [sflag:s22], $0x2000  }
0x4f: {  	[sflag:s22] =	ssyncset.done $0x0  }
0x50: {  	[sflag:s22] =	ssyncadd.s32 $0xFFFFE000  }
0x51: {  	[tilespmem:s16], [sflag:$0x1] =	stream.indirect.gather [hbm4b:s4+s19], $0x40, s23, s19, $0xb8;
	[tilespmem:$0x10800] =	vst v63  }
0x52: {  	s26 =	simm.s32 $0xFFFFB800  }
0x53: {  	[spmem:s2] =	stream.indirect.scatter.add.f32 [tilespmem:s21], [sflag:$0x2], $0x40, s24, s19, $0xb8;
	[tilespmem:$0x10800] =	vst v63  }
.LBB2_4:
0x54: {  	_ =	swait.ge [sflag:s20], $0x2000  }
0x55: {  	[sflag:s20] =	ssyncset.done $0x0  }
0x56: {  	[sflag:s20] =	ssyncadd.s32 $0xFFFFE000  }
0x57: {  	_ =	swait.ge [sflag:s22], $0x2000  }
0x58: {  	s28 =	sshra.s32 s26, $0x2;
	[sflag:s22] =	ssyncset.done $0x0  }
0x59: {  	s29 =	sadd.s32 $0x1380, s28;
	[sflag:s22] =	ssyncadd.s32 $0xFFFFE000  }
0x5a: {  	[tilespmem:s21], [sflag:$0x1] =	stream.indirect.gather [hbm4b:s4+s19], $0x40, s29, s19, $0xb8;
	[tilespmem:$0x10800] =	vst v63  }
0x5b: {  	s29 =	sadd.s32 $0x2700, s28  }
0x5c: {  	[spmem:s2] =	stream.indirect.scatter.add.f32 [tilespmem:s16], [sflag:$0x2], $0x40, s29, s19, $0xb8;
	[tilespmem:$0x10800] =	vst v63  }
0x5d: {  	p0 =	seq.s32 s26, $0x0;
	_ =	swait.ge [sflag:s20], $0x2000  }
.Ltmp3:
0x5e: {  	[sflag:s20] =	ssyncset.done $0x0;
	(pc) =	sbr.rel @p0 .LBB2_6-.Ltmp3, $4  }
0x5f: {  	[sflag:s20] =	ssyncadd.s32 $0xFFFFE000  }
0x60: {  	_ =	swait.ge [sflag:s22], $0x2000  }
0x61: {  	[sflag:s22] =	ssyncset.done $0x0  }
0x62: {  	s29 =	sadd.s32 $0x2780, s28;
	[sflag:s22] =	ssyncadd.s32 $0xFFFFE000  }
.Ltmp4:
0x63: {  	(pc) =	sbr.rel .LBB2_4-.Ltmp4, $4  }
0x64: {  	s28 =	sadd.s32 $0x1400, s28  }
0x65: {  	[tilespmem:s16], [sflag:$0x1] =	stream.indirect.gather [hbm4b:s4+s19], $0x40, s28, s19, $0xb8;
	[tilespmem:$0x10800] =	vst v63  }
0x66: {  	s26 =	sadd.s32 $0x400, s26  }
0x67: {  	[spmem:s2] =	stream.indirect.scatter.add.f32 [tilespmem:s21], [sflag:$0x2], $0x40, s29, s19, $0xb8;
	[tilespmem:$0x10800] =	vst v63  }
.LBB2_6:
0x68: {  	[spmem:s2] =	stream.indirect.scatter.add.f32 [tilespmem:s21], [sflag:$0x2], $0x40, s29, s19, $0xb8;
	[tilespmem:$0x10800] =	vst v63  }
0x69: {  	_ =	swait.ge [sflag:s22], $0x2000  }
0x6a: {  	[sflag:s22] =	ssyncset.done $0x0  }
0x6b: {  	[sflag:s22] =	ssyncadd.s32 $0xFFFFE000  }
0x6c: {  	[tilespmem:s3], [sflag:$0x3] =	stream.linear.gather [hbm4b:s12+s3], $0x1400, $0x38;
	[tilespmem:$0x10800] =	vst v63  }
0x6d: {  	_ =	swait.ge [sflag:s17], $0x1400  }
0x6e: {  	[sflag:s17] =	ssyncset.done $0x0  }
0x6f: {  	[sflag:s17] =	ssyncadd.s32 $0xFFFFEC00  }
0x70: {  	[tilespmem:s18], [sflag:$0x3] =	stream.linear.gather [hbm4b:s13+s3], $0x1400, $0x38;
	[tilespmem:$0x10800] =	vst v63  }
0x71: {  	_ =	swait.ge [sflag:s17], $0x1400  }
0x72: {  	[sflag:s17] =	ssyncset.done $0x0  }
0x73: {  	[sflag:s17] =	ssyncadd.s32 $0xFFFFEC00  }
0x74: {  	[tilespmem:s16], [sflag:$0x1] =	stream.indirect.gather [hbm4b:s4+s19], $0x40, s3, s19, $0xb8;
	[tilespmem:$0x10800] =	vst v63  }
0x75: {  	_ =	swait.ge [sflag:s20], $0x2000  }
0x76: {  	[sflag:s20] =	ssyncset.done $0x0  }
0x77: {  	[sflag:s20] =	ssyncadd.s32 $0xFFFFE000  }
0x78: {  	[tilespmem:s21], [sflag:$0x1] =	stream.indirect.gather [hbm4b:s4+s19], $0x40, s19, s19, $0xb8;
	[tilespmem:$0x10800] =	vst v63  }
0x79: {  	_ = 	snop  }
0x7a: {  	[spmem:s2] =	stream.indirect.scatter.add.f32 [tilespmem:s16], [sflag:$0x2], $0x40, s18, s19, $0xb8;
	[tilespmem:$0x10800] =	vst v63  }
0x7b: {  	_ =	swait.ge [sflag:s20], $0x2000  }
0x7c: {  	[sflag:s20] =	ssyncset.done $0x0  }
0x7d: {  	[sflag:s20] =	ssyncadd.s32 $0xFFFFE000  }
0x7e: {  	_ =	swait.ge [sflag:s22], $0x2000  }
0x7f: {  	[sflag:s22] =	ssyncset.done $0x0  }
0x80: {  	[sflag:s22] =	ssyncadd.s32 $0xFFFFE000  }
0x81: {  	[tilespmem:s16], [sflag:$0x1] =	stream.indirect.gather [hbm4b:s4+s19], $0x40, s23, s19, $0xb8;
	[tilespmem:$0x10800] =	vst v63  }
0x82: {  	s26 =	simm.s32 $0xFFFFB800  }
0x83: {  	[spmem:s2] =	stream.indirect.scatter.add.f32 [tilespmem:s21], [sflag:$0x2], $0x40, s24, s19, $0xb8;
	[tilespmem:$0x10800] =	vst v63  }
.LBB2_7:
0x84: {  	_ =	swait.ge [sflag:s20], $0x2000  }
0x85: {  	[sflag:s20] =	ssyncset.done $0x0  }
0x86: {  	[sflag:s20] =	ssyncadd.s32 $0xFFFFE000  }
0x87: {  	_ =	swait.ge [sflag:s22], $0x2000  }
0x88: {  	s28 =	sshra.s32 s26, $0x2;
	[sflag:s22] =	ssyncset.done $0x0  }
0x89: {  	s29 =	sadd.s32 $0x1380, s28;
	[sflag:s22] =	ssyncadd.s32 $0xFFFFE000  }
0x8a: {  	[tilespmem:s21], [sflag:$0x1] =	stream.indirect.gather [hbm4b:s4+s19], $0x40, s29, s19, $0xb8;
	[tilespmem:$0x10800] =	vst v63  }
0x8b: {  	s29 =	sadd.s32 $0x2700, s28  }
0x8c: {  	[spmem:s2] =	stream.indirect.scatter.add.f32 [tilespmem:s16], [sflag:$0x2], $0x40, s29, s19, $0xb8;
	[tilespmem:$0x10800] =	vst v63  }
0x8d: {  	p0 =	seq.s32 s26, $0x0;
	_ =	swait.ge [sflag:s20], $0x2000  }
.Ltmp5:
0x8e: {  	[sflag:s20] =	ssyncset.done $0x0;
	(pc) =	sbr.rel @p0 .LBB2_9-.Ltmp5, $4  }
0x8f: {  	[sflag:s20] =	ssyncadd.s32 $0xFFFFE000  }
0x90: {  	_ =	swait.ge [sflag:s22], $0x2000  }
0x91: {  	[sflag:s22] =	ssyncset.done $0x0  }
0x92: {  	s29 =	sadd.s32 $0x2780, s28;
	[sflag:s22] =	ssyncadd.s32 $0xFFFFE000  }
.Ltmp6:
0x93: {  	(pc) =	sbr.rel .LBB2_7-.Ltmp6, $4  }
0x94: {  	s28 =	sadd.s32 $0x1400, s28  }
0x95: {  	[tilespmem:s16], [sflag:$0x1] =	stream.indirect.gather [hbm4b:s4+s19], $0x40, s28, s19, $0xb8;
	[tilespmem:$0x10800] =	vst v63  }
0x96: {  	s26 =	sadd.s32 $0x400, s26  }
0x97: {  	[spmem:s2] =	stream.indirect.scatter.add.f32 [tilespmem:s21], [sflag:$0x2], $0x40, s29, s19, $0xb8;
	[tilespmem:$0x10800] =	vst v63  }
.LBB2_10:
0x98: {  	_ =	sfence.sel $0x180000  }
0x99: {  	[bflag:$0x0] =	sbarrier.arrive $0xFFFF  }
0x9a: {  	p0 =	sne.s32 s1, $0x0;
	_ =	strace $0x9000004D  }
0x9b: {  	s0 =	sadd.s32 @!p0 $0x100000, s0;
	[bflag:$0x2] =	sbarrier.arrive $0xFFFF  }
0x9c: {  	[sflag:s0] =	ssyncadd.tile.s32 @!p0 $0x1;
	_ =	shalt  }
.Lfunc_end2:
_tile_overlayer_lowered:
.L_overlay_start_2:
0x9d: {  	(tag) =	ssettag $0x2  }
0x9e: {  	s0 =	rddreg [dreg:$0x0];
	s2 =	stileid.u32  }
0x9f: {  	s1 =	rddreg [dreg:$0x1];
	p0 =	sne.s32 s2, $0x0  }
0xa0: {  	s3 =	rddreg [dreg:$0x2];
	[bflag:$0x3] =	sbarrier.arrive $0xFFFF;
	s2 =	simm.s32 @!p0 $0x1C03  }
0xa1: {  	[timem:s3], [sflag:s2] =	dma.local @!p0 [hbm:s0], s1  }
0xa2: {  	s0 =	simm.s32 @!p0 $0x3  }
0xa3: {  	_ =	swait.ge @!p0 [sflag:s0], s1  }
0xa4: {  	s1 =	ssub.s32 @!p0 $0x0, s1;
	[sflag:s0] =	ssyncset.done @!p0 $0x0  }
0xa5: {  	[sflag:s0] =	ssyncadd.s32 @!p0 s1  }
0xa6: {  	[bflag:$0x3] =	sbarrier.arrive $0xFFFF  }
0xa7: {  	_ =	shalt  }

// kernel: kernel.8.cloned.1.call-start
scs
__scs_entry_jumppad:
0x0: {  	(pc) =	sbr.rel $0x88, $3  }
0x1: {  	(tag) =	ssettag $0x0;
	lr =	simm.s32 $0x1  }
0x2: {  	[smem:$0x3F99] =	sst lr;
	_ =	strace $0xD0000000  }
0x3: {  	_ = 	snop  }
0x4: {  	_ = 	snop  }
0x5: {  	_ = 	snop  }
0x6: {  	_ = 	snop  }
0x7: {  	_ = 	snop  }
__scs_overlays_trampoline_lowered:
0x8: {  	[smem:$0x3FA8] =	sst s0  }
0x9: {  	[smem:$0x3FA9] =	sst s1  }
0xa: {  	[smem:$0x3FAA] =	sst s2  }
0xb: {  	[smem:$0x3FAB] =	sst s3  }
0xc: {  	[smem:$0x3FAC] =	sst s4  }
0xd: {  	[smem:$0x3FAD] =	sst s5  }
0xe: {  	[smem:$0x3FAE] =	sst s6  }
0xf: {  	[smem:$0x3FAF] =	sst s7  }
0x10: {  	[smem:$0x3FB0] =	sst s8  }
0x11: {  	[smem:$0x3FB1] =	sst s9;
	s0 =	simm.s32 @!p0 $0x0  }
0x12: {  	s1 =	sld [smem:$0x3F97];
	s0 =	simm.s32 @p0 $0x1  }
0x13: {  	[smem:$0x3FB2] =	sst s0;
	s0 =	simm.s32 @!p1 $0x0  }
0x14: {  	s2 =	sld [smem:$0x3F96];
	s0 =	simm.s32 @p1 $0x1  }
0x15: {  	[smem:$0x3FB3] =	sst s0;
	s0 =	simm.s32 @!p2 $0x0  }
0x16: {  	s3 =	sld [smem:$0x3FDB];
	s0 =	simm.s32 @p2 $0x1  }
0x17: {  	s4 =	simm.s32 $0x1BF5;
	[smem:$0x3FB5] =	sst s0  }
0x18: {  	s0 =	sld [smem:$0x3F98];
	_ =	swait.ge [sflag:s4], $0x0  }
0x19: {  	s7 =	sld [smem:$0x3F99]  }
0x1a: {  	s8 =	sadd.s32 $0xFFFFE003, lr  }
0x1b: {  	s9 =	sadd.s32 $0xFFFFFEF7, lr;
	s5 =	simm.s32 $0xFFFFFFFF;
	p2 =	slt.u32 s8, $0xFFFFF086  }
0x1c: {  	p1 =	slt.u32 s9, $0xF7A;
	s5 =	simm.s32 @!p2 $0x0  }
0x1d: {  	s5 =	simm.s32 @p1 $0x1;
	p0 =	seq.s32 s7, s2  }
0x1e: {  	s7 =	smul.u32 @!p0 $0xF7A, s2;
	p2 =	seq.s32 @!p0 s5, $0x0  }
0x1f: {  	s9 =	smul.u32 $0xF7A, s1;
	s8 =	simm.s32 @!p0 $0x1BF5;
	p2 =	por !p2, p0  }
0x20: {  	[sflag:s8] =	ssyncset.s32 @!p0 $0xFFFFF086;
	s6 =	sadd.s32 @!p0 s3, s7;
	s7 =	simm.s32 @!p0 $0x108  }
0x21: {  	s3 =	sadd.s32 s3, s9;
	s6 =	sadd.s32 @!p0 $0x88, s6;
	s7 =	simm.s32 @p2 $0x1082  }
0x22: {  	[simem:s7], [sflag:s8] =	dma.local @!p0 [hbm:s6], $0xF7A  }
0x23: {  	s9 =	sor.u32 $0xD0000000, s2;
	s6 =	simm.s32 $0x108;
	_ =	swait.ge @!p0 [sflag:s8], $0x0  }
0x24: {  	s3 =	sadd.s32 $0x88, s3;
	s6 =	simm.s32 @!p1 $0x1082;
	[sflag:s4] =	ssyncset.s32 $0xFFFFF086  }
0x25: {  	[simem:s6], [sflag:s4] =	dma.local [hbm:s3], $0xF7A  }
0x26: {  	[smem:$0x3F99] =	sst s1;
	(tag) =	ssettag s2;
	_ =	strace s9  }
0x27: {  	s1 =	sld [smem:$0x3FA9]  }
0x28: {  	s2 =	sld [smem:$0x3FAA]  }
0x29: {  	s4 =	sld [smem:$0x3FAC]  }
0x2a: {  	p0 =	seq.s32 s5, $0x0;
	s5 =	sld [smem:$0x3FAD]  }
0x2b: {  	s6 =	sld [smem:$0x3FAE]  }
0x2c: {  	s7 =	sld [smem:$0x3FAF]  }
0x2d: {  	s3 =	simm.s32 $0x108;
	s8 =	sld [smem:$0x3FB0]  }
0x2e: {  	s3 =	simm.s32 @!p0 $0x1082;
	s9 =	sld [smem:$0x3FB1]  }
0x2f: {  	lr =	sadd.s32 s0, s3;
	s0 =	sld [smem:$0x3FA8]  }
0x30: {  	s3 =	sld [smem:$0x3FAB]  }
0x31: {  	[smem:$0x3FB4] =	sst s10  }
0x32: {  	s10 =	sld [smem:$0x3FB2];
	_ =	sdelay $0x3  }
0x33: {  	p0 =	seq.s32 s10, $0x1;
	s10 =	sld [smem:$0x3FB4];
	_ =	sdelay $0x3  }
0x34: {  	[smem:$0x3FB4] =	sst s10  }
0x35: {  	s10 =	sld [smem:$0x3FB3];
	_ =	sdelay $0x3  }
0x36: {  	p1 =	seq.s32 s10, $0x1;
	s10 =	sld [smem:$0x3FB4];
	_ =	sdelay $0x3  }
0x37: {  	[smem:$0x3FB4] =	sst s10  }
0x38: {  	s10 =	sld [smem:$0x3FB5]  }
0x39: {  	_ = 	snop;
	(pc) =	sbr.ind lr, $3  }
0x3a: {  	_ = 	snop  }
0x3b: {  	_ = 	snop  }
0x3c: {  	p2 =	seq.s32 s10, $0x1;
	s10 =	sld [smem:$0x3FB4]  }
0x3d: {  	_ =	shalt  }
0x3e: {  	_ =	shalt  }
0x3f: {  	_ =	shalt  }
0x40: {  	_ =	shalt  }
0x41: {  	_ =	shalt  }
0x42: {  	_ =	shalt  }
0x43: {  	_ =	shalt  }
0x44: {  	_ =	shalt  }
0x45: {  	_ =	shalt  }
0x46: {  	_ =	shalt  }
0x47: {  	_ =	shalt  }
0x48: {  	_ =	shalt  }
0x49: {  	_ =	shalt  }
0x4a: {  	_ =	shalt  }
0x4b: {  	_ =	shalt  }
0x4c: {  	_ =	shalt  }
0x4d: {  	_ =	shalt  }
0x4e: {  	_ =	shalt  }
0x4f: {  	_ =	shalt  }
0x50: {  	_ =	shalt  }
0x51: {  	_ =	shalt  }
0x52: {  	_ =	shalt  }
0x53: {  	_ =	shalt  }
0x54: {  	_ =	shalt  }
0x55: {  	_ =	shalt  }
0x56: {  	_ =	shalt  }
0x57: {  	_ =	shalt  }
0x58: {  	_ =	shalt  }
0x59: {  	_ =	shalt  }
0x5a: {  	_ =	shalt  }
0x5b: {  	_ =	shalt  }
0x5c: {  	_ =	shalt  }
0x5d: {  	_ =	shalt  }
0x5e: {  	_ =	shalt  }
0x5f: {  	_ =	shalt  }
0x60: {  	_ =	shalt  }
0x61: {  	_ =	shalt  }
0x62: {  	_ =	shalt  }
0x63: {  	_ =	shalt  }
0x64: {  	_ =	shalt  }
0x65: {  	_ =	shalt  }
0x66: {  	_ =	shalt  }
0x67: {  	_ =	shalt  }
0x68: {  	_ =	shalt  }
0x69: {  	_ =	shalt  }
0x6a: {  	_ =	shalt  }
0x6b: {  	_ =	shalt  }
0x6c: {  	_ =	shalt  }
0x6d: {  	_ =	shalt  }
0x6e: {  	_ =	shalt  }
0x6f: {  	_ =	shalt  }
0x70: {  	_ =	shalt  }
0x71: {  	_ =	shalt  }
0x72: {  	_ =	shalt  }
0x73: {  	_ =	shalt  }
0x74: {  	_ =	shalt  }
0x75: {  	_ =	shalt  }
0x76: {  	_ =	shalt  }
0x77: {  	_ =	shalt  }
0x78: {  	_ =	shalt  }
0x79: {  	_ =	shalt  }
0x7a: {  	_ =	shalt  }
0x7b: {  	_ =	shalt  }
0x7c: {  	_ =	shalt  }
0x7d: {  	_ =	shalt  }
0x7e: {  	_ =	shalt  }
0x7f: {  	_ =	shalt  }
0x80: {  	_ =	shalt  }
0x81: {  	_ =	shalt  }
0x82: {  	_ =	shalt  }
0x83: {  	_ =	shalt  }
0x84: {  	_ =	shalt  }
0x85: {  	_ =	shalt  }
0x86: {  	_ =	shalt  }
0x87: {  	_ =	shalt  }
.Lfunc_end0:
.L_simem_size_0:
called_computation_lowered:
.L_overlay_start_0:
0x88: {  	s2 =	sld [smem:$0x3FD9]  }
0x89: {  	s3 =	sld [smem:$0x3FFE];
	_ =	sdelay $0x1  }
0x8a: {  	s1 =	srdreg.scid  }
0x8b: {  	s0 =	sand.u32 $0x1, s1  }
0x8c: {  	s16 =	sshll.u32 s0, $0xA;
	s2 =	sadd.s32 s3, s2  }
0x8d: {  	s2 =	sadd.s32 s2, s16  }
0x8e: {  	[smem:$0x3FC0] =	sst s2  }
0x8f: {  	_ = 	snop  }
0x90: {  	(tm) =	ssettm $0x1  }
0x91: {  	s17 =	sld [smem:$0x3FFB];
	_ =	sdelay $0x3  }
0x92: {  	_ =	strace s17  }
0x93: {  	s2 =	sld [smem:$0x3FFC];
	_ =	sdelay $0x3  }
0x94: {  	_ =	strace s2  }
0x95: {  	s2 =	sld [smem:$0x3FFD];
	_ =	sdelay $0x3  }
0x96: {  	_ =	strace s2  }
0x97: {  	_ =	strace $0x8FFFFFFF  }
0x98: {  	s18 =	sld [smem:$0x3FDB];
	_ =	sdelay $0x1  }
0x99: {  	s19 =	simm.s32 $_scs_section_size  }
0x9a: {  	s4 =	simm.s32 $_size__tile_overlayer_lowered;
	s5 =	simm.s32 $_tile_overlayer_lowered  }
0x9b: {  	s22 =	simm.s32 $0x1BFF;
	s21 =	sshll.u32 s5, $0x1;
	s2 =	sadd.s32 s19, s18  }
0x9c: {  	s6 =	simm.s32 $0x0;
	s20 =	sshll.u32 s4, $0x1;
	s4 =	sadd.s32 s21, s2  }
0x9d: {  	[timem:s6], [sflag:s22] =	dma.local [hbm:s4], s20  }
0x9e: {  	_ =	swait.ge [sflag:s22], s20  }
0x9f: {  	s3 =	ssub.s32 $0x0, s20;
	[sflag:s22] =	ssyncset.done $0x0  }
0xa0: {  	[sflag:s22] =	ssyncadd.s32 s3;
	_ =	sdelay $0x1  }
0xa1: {  	s23 =	simm.s32 $0x1B8B  }
0xa2: {  	_ =	swait.ge [sflag:s23], $0x1  }
0xa3: {  	[sflag:s23] =	ssyncset.done $0x0  }
0xa4: {  	s25 =	simm.s32 $0x1B8E;
	s24 =	sld [smem:$0x3FFE];
	[sflag:s23] =	ssyncadd.s32 $0xFFFFFFFF  }
0xa5: {  	s26 =	simm.s32 $execute0_lowered;
	[smem:$0x3FD2] =	sst s25  }
0xa6: {  	s4 =	sshll.u32 s26, $0x1;
	_ =	strace $0x80000046;
	[dreg:$0x1] =	wrdreg $0xFFFFFFFF  }
0xa7: {  	s28 =	simm.s32 $_size_execute0_lowered;
	s2 =	sadd.s32 s2, s4;
	[dreg:$0x0] =	wrdreg $0x0  }
0xa8: {  	s4 =	sshll.u32 s28, $0x1;
	[dreg:$0x2] =	wrdreg s2  }
0xa9: {  	[dreg:$0x3] =	wrdreg s4  }
0xaa: {  	[dreg:$0x4] =	wrdreg $0xC0  }
0xab: {  	_ =	task [dreg:s6], $0x5FFFF  }
0xac: {  	[dreg:$0x1] =	wrdreg $0xFFFFFFFF  }
0xad: {  	[dreg:$0x0] =	wrdreg $0x60  }
0xae: {  	[dreg:$0x2] =	wrdreg s24  }
0xaf: {  	[dreg:$0x3] =	wrdreg $0xF5000  }
0xb0: {  	[dreg:$0x4] =	wrdreg $0x9  }
0xb1: {  	_ =	task.clear_ibuf [dreg:s6], $0x5FFFF;
	_ =	strace $0x90000046  }
0xb2: {  	s29 =	simm.s32 $0x9;
	_ =	strace $0x80000048  }
0xb3: {  	_ =	swait.ge [sflag:s29], $0x1  }
0xb4: {  	[sflag:s29] =	ssyncadd.s32 $0xFFFFFFFF  }
0xb5: {  	_ =	strace $0x90000048  }
0xb6: {  	_ =	sfence  }
0xb7: {  	s30 =	sld [smem:$0x0];
	_ =	sdelay $0x2  }
0xb8: {  	s31 =	sshll.u32 s1, $0xD;
	s1 =	sshrl.u32 s1, $0x2  }
0xb9: {  	s3 =	sand.u32 $0x4000, s31;
	s1 =	sadd.s32 s1, s30  }
0xba: {  	s0 =	sor.u32 s3, s0;
	s1 =	sshll.u32 s1, $0x11  }
0xbb: {  	s0 =	sor.u32 s1, s0  }
0xbc: {  	s0 =	sadd.s32 $0x8F2B, s0  }
0xbd: {  	[sflag:s0] =	ssyncadd.remote.s32 $0x1  }
0xbe: {  	_ =	sfence.sel $0xFFFF  }
0xbf: {  	[dreg:$0x0] =	wrdreg $0xFFFFFFFF;
	(pc) =	sbr.abs _section_cstart, $3  }
0xc0: {  	[dreg:$0x1] =	wrdreg $0xFFFFFFFF  }
0xc1: {  	_ =	task.clear_ibuf [dreg:s6], $0x2FFFF;
	_ =	strace $0x9FFFFFFF  }
0xc2: {  	(tm) =	ssettm $0x7FFFFFFF  }
0xc3: {  	_ =	shalt  }
tec
execute0_lowered:
.L_overlay_start_1:
0x0: {  	(tag) =	ssettag $0x1  }
0x1: {  	s3 =	rddreg [dreg:$0x0]  }
0x2: {  	s0 =	srdreg.scid;
	s5 =	rddreg [dreg:$0x1]  }
0x3: {  	s1 =	stileid.u32;
	s2 =	simm.s32 $0x0;
	s23 =	simm.s32 $0x1  }
0x4: {  	s24 =	simm.s32 $0x2800;
	s25 =	simm.s32 $0x5000;
	s26 =	simm.s32 $0x5500  }
0x5: {  	s28 =	simm.s32 $0x0;
	s4 =	sand.u32 $0x1, s0;
	s7 =	smul.u32 $0xA000, s1  }
0x6: {  	[smem:$0x7FF] =	sst s2;
	s9 =	smul.u32 $0xA00, s1;
	s6 =	sshll.u32 s4, $0x4  }
0x7: {  	s8 =	smul.u32 $0xA0000, s4;
	_ =	strace $0x80000047;
	s4 =	ssub.s32 $0x2, s4  }
0x8: {  	s6 =	sor.u32 s1, s6;
	s30 =	sshrl.u32 s4, $0x1;
	s31 =	sshrl.u32 s9, $0x2  }
0x9: {  	s6 =	smul.u32 $0x500, s6;
	s8 =	sadd.s32 s7, s8;
	s22 =	ssub.s32 s4, s30  }
0xa: {  	s7 =	sshrl.u32 s7, $0x2;
	s8 =	sshrl.u32 s8, $0x3;
	s22 =	smax.u32 s22, $0x1  }
0xb: {  	s6 =	sadd.s32 s6, s3;
	s21 =	sadd.s32 s8, s3;
	s3 =	sadd.s32 s31, s5  }
0xc: {  	s5 =	sadd.s32 s7, s5;
	s4 =	sadd.s32 $0xCE00, s6;
	s6 =	sadd.s32 $0x2800, s3  }
0xd: {  	s7 =	sadd.s32 $0x5000, s3;
	s8 =	sadd.s32 $0x7800, s3;
	s9 =	sadd.s32 $0xA000, s3  }
0xe: {  	s10 =	sadd.s32 $0xC800, s3;
	s11 =	sadd.s32 $0xF000, s3;
	s12 =	sadd.s32 $0x11800, s3  }
0xf: {  	s13 =	sadd.s32 $0x14000, s3;
	s14 =	sadd.s32 $0x16800, s3;
	s15 =	sadd.s32 $0x19000, s3  }
0x10: {  	s16 =	sadd.s32 $0x1B800, s3;
	s17 =	sadd.s32 $0x1E000, s3;
	s18 =	sadd.s32 $0x20800, s3  }
0x11: {  	v0 =	vimm.f32 $0.0e+00;
	v1 =	vimm.f32 $1.000000000e+00;
	s19 =	sadd.s32 $0x23000, s3;
	s20 =	sadd.s32 $0x25800, s3;
	s21 =	sadd.s32 $0x16E00, s21  }
.LBB2_1:
0x12: {  	[tilespmem:s2], [sflag:$0x1] =	stream.linear.gather [hbm4b:s4+s2], $0x2800, $0x38;
	[tilespmem:$0x11D00] =	vst v63  }
0x13: {  	_ =	swait.ge [sflag:s23], $0x2800  }
0x14: {  	[sflag:s23] =	ssyncset.done $0x0  }
0x15: {  	s29 =	simm.s32 $0x0;
	[sflag:s23] =	ssyncadd.s32 $0xFFFFD800  }
.LBB2_2:
0x16: {  	p0 =	sne.s32 s29, $0x9FC0  }
.Ltmp0:
0x17: {  	_ = 	snop;
	(pc) =	sbr.rel @p0 .LBB2_2-.Ltmp0, $3  }
0x18: {  	_ =	sdelay $0x1  }
0x19: {  	s30 =	sshra.s32 s29, $0x2  }
0x1a: {  	s29 =	sadd.s32 $0x40, s29;
	[tilespmem:s30+$0x2800] =	vst v0  }
0x1b: {  	s29 =	simm.s32 $0x0  }
.LBB2_4:
0x1c: {  	s30 =	sshra.s32 s29, $0x2  }
0x1d: {  	v2 =	vld [tilespmem:s30+$0x0];
	_ =	sdelay $0x7  }
0x1e: {  	[tilespmem:v2+s24+$0x0] =	vst.idx.add.f32.msk $0xffff, v1  }
0x1f: {  	v2 =	vld [tilespmem:s30+$0x10];
	_ =	sdelay $0x7  }
0x20: {  	[tilespmem:v2+s24+$0x0] =	vst.idx.add.f32.msk $0xffff, v1  }
0x21: {  	v2 =	vld [tilespmem:s30+$0x20];
	_ =	sdelay $0x7  }
0x22: {  	[tilespmem:v2+s24+$0x0] =	vst.idx.add.f32.msk $0xffff, v1  }
0x23: {  	v2 =	vld [tilespmem:s30+$0x30];
	_ =	sdelay $0x7  }
0x24: {  	[tilespmem:v2+s24+$0x0] =	vst.idx.add.f32.msk $0xffff, v1  }
0x25: {  	v2 =	vld [tilespmem:s30+$0x40];
	_ =	sdelay $0x7  }
0x26: {  	[tilespmem:v2+s24+$0x0] =	vst.idx.add.f32.msk $0xffff, v1  }
0x27: {  	v2 =	vld [tilespmem:s30+$0x50];
	_ =	sdelay $0x7  }
0x28: {  	[tilespmem:v2+s24+$0x0] =	vst.idx.add.f32.msk $0xffff, v1  }
0x29: {  	v2 =	vld [tilespmem:s30+$0x60];
	_ =	sdelay $0x7  }
0x2a: {  	[tilespmem:v2+s24+$0x0] =	vst.idx.add.f32.msk $0xffff, v1  }
0x2b: {  	v2 =	vld [tilespmem:s30+$0x70];
	_ =	sdelay $0x2  }
0x2c: {  	p0 =	sne.s32 s29, $0x9E00  }
.Ltmp1:
0x2d: {  	_ = 	snop;
	(pc) =	sbr.rel @p0 .LBB2_4-.Ltmp1, $2  }
0x2e: {  	_ =	sdelay $0x2  }
0x2f: {  	s29 =	sadd.s32 $0x200, s29;
	[tilespmem:v2+s24+$0x0] =	vst.idx.add.f32.msk $0xffff, v1  }
0x30: {  	[spmem:s5] =	stream.linear.scatter [tilespmem:s24], [sflag:$0x1], $0x2800, $0x38;
	[tilespmem:$0x11D00] =	vst v63  }
0x31: {  	_ =	swait.ge [sflag:s23], $0x2800  }
0x32: {  	[sflag:s23] =	ssyncset.done $0x0  }
0x33: {  	[sflag:s23] =	ssyncadd.s32 $0xFFFFD800  }
0x34: {  	[bflag:$0x0] =	sbarrier.arrive $0xFFFF  }
0x35: {  	[tilespmem:$0x5280] =	vst v0  }
0x36: {  	[tilespmem:$0x5290] =	vst v0  }
0x37: {  	[tilespmem:$0x52A0] =	vst v0  }
0x38: {  	[tilespmem:$0x52B0] =	vst v0  }
0x39: {  	[tilespmem:$0x52C0] =	vst v0  }
0x3a: {  	[tilespmem:$0x52D0] =	vst v0  }
0x3b: {  	[tilespmem:$0x52E0] =	vst v0  }
0x3c: {  	[tilespmem:$0x52F0] =	vst v0  }
0x3d: {  	[tilespmem:$0x5300] =	vst v0  }
0x3e: {  	[tilespmem:$0x5310] =	vst v0  }
0x3f: {  	[tilespmem:$0x5320] =	vst v0  }
0x40: {  	[tilespmem:$0x5330] =	vst v0  }
0x41: {  	[tilespmem:$0x5340] =	vst v0  }
0x42: {  	[tilespmem:$0x5350] =	vst v0  }
0x43: {  	[tilespmem:$0x5360] =	vst v0  }
0x44: {  	[tilespmem:$0x5370] =	vst v0  }
0x45: {  	[tilespmem:$0x5380] =	vst v0  }
0x46: {  	[tilespmem:$0x5390] =	vst v0  }
0x47: {  	[tilespmem:$0x53A0] =	vst v0  }
0x48: {  	[tilespmem:$0x53B0] =	vst v0  }
0x49: {  	[tilespmem:$0x53C0] =	vst v0  }
0x4a: {  	[tilespmem:$0x53D0] =	vst v0  }
0x4b: {  	[tilespmem:$0x53E0] =	vst v0  }
0x4c: {  	[tilespmem:$0x53F0] =	vst v0  }
0x4d: {  	[tilespmem:$0x5400] =	vst v0  }
0x4e: {  	[tilespmem:$0x5410] =	vst v0  }
0x4f: {  	[tilespmem:$0x5420] =	vst v0  }
0x50: {  	[tilespmem:$0x5430] =	vst v0  }
0x51: {  	[tilespmem:$0x5440] =	vst v0  }
0x52: {  	[tilespmem:$0x5450] =	vst v0  }
0x53: {  	[tilespmem:$0x5460] =	vst v0  }
0x54: {  	[tilespmem:$0x5470] =	vst v0  }
0x55: {  	[tilespmem:$0x5480] =	vst v0  }
0x56: {  	[tilespmem:$0x5490] =	vst v0  }
0x57: {  	[tilespmem:$0x54A0] =	vst v0  }
0x58: {  	[tilespmem:$0x54B0] =	vst v0  }
0x59: {  	[tilespmem:$0x54C0] =	vst v0  }
0x5a: {  	[tilespmem:$0x54D0] =	vst v0  }
0x5b: {  	[tilespmem:$0x54E0] =	vst v0  }
0x5c: {  	[tilespmem:$0x54F0] =	vst v0  }
0x5d: {  	[tilespmem:s25], [sflag:$0x1] =	stream.linear.gather [spmem:s3], $0x280, $0x38;
	[tilespmem:$0x11D00] =	vst v63  }
0x5e: {  	_ =	swait.ge [sflag:s23], $0x280  }
0x5f: {  	[sflag:s23] =	ssyncset.done $0x0  }
0x60: {  	s29 =	simm.s32 $0x0;
	[sflag:s23] =	ssyncadd.s32 $0xFFFFFD80  }
0x61: {  	s30 =	simm.s32 $0x40;
	v2 =	vld [tilespmem:s29+$0x5000]  }
.LBB2_6:
0x62: {  	p0 =	sne.s32 s30, $0x9C0;
	v3 =	vld [tilespmem:s29+$0x5280];
	_ =	sdelay $0x2  }
.Ltmp2:
0x63: {  	(pc) =	sbr.rel @p0 .LBB2_6-.Ltmp2, $4  }
0x64: {  	_ = 	snop  }
0x65: {  	v3 =	vadd.f32 v2, v3  }
0x66: {  	s31 =	sshra.s32 s30, $0x2  }
0x67: {  	s30 =	sadd.s32 $0x40, s30;
	v2 =	vld [tilespmem:s31+$0x5000];
	[tilespmem:s29+$0x5280] =	vst v3;
	s29 =	smov.u32 s31  }
0x68: {  	v3 =	vld [tilespmem:s29+$0x5280];
	_ =	sdelay $0x4  }
0x69: {  	v2 =	vadd.f32 v2, v3;
	_ =	sdelay $0x1  }
0x6a: {  	[tilespmem:s29+$0x5280] =	vst v2  }
0x6b: {  	[tilespmem:s25], [sflag:$0x1] =	stream.linear.gather [spmem:s6], $0x280, $0x38;
	[tilespmem:$0x11D00] =	vst v63  }
0x6c: {  	_ =	swait.ge [sflag:s23], $0x280  }
0x6d: {  	[sflag:s23] =	ssyncset.done $0x0  }
0x6e: {  	s29 =	simm.s32 $0x0;
	[sflag:s23] =	ssyncadd.s32 $0xFFFFFD80  }
0x6f: {  	s30 =	simm.s32 $0x40;
	v2 =	vld [tilespmem:s29+$0x5000]  }
.LBB2_8:
0x70: {  	p0 =	sne.s32 s30, $0x9C0;
	v3 =	vld [tilespmem:s29+$0x5280];
	_ =	sdelay $0x2  }
.Ltmp3:
0x71: {  	(pc) =	sbr.rel @p0 .LBB2_8-.Ltmp3, $4  }
0x72: {  	_ = 	snop  }
0x73: {  	v3 =	vadd.f32 v2, v3  }
0x74: {  	s31 =	sshra.s32 s30, $0x2  }
0x75: {  	s30 =	sadd.s32 $0x40, s30;
	v2 =	vld [tilespmem:s31+$0x5000];
	[tilespmem:s29+$0x5280] =	vst v3;
	s29 =	smov.u32 s31  }
0x76: {  	v3 =	vld [tilespmem:s29+$0x5280];
	_ =	sdelay $0x4  }
0x77: {  	v2 =	vadd.f32 v2, v3;
	_ =	sdelay $0x1  }
0x78: {  	[tilespmem:s29+$0x5280] =	vst v2  }
0x79: {  	[tilespmem:s25], [sflag:$0x1] =	stream.linear.gather [spmem:s7], $0x280, $0x38;
	[tilespmem:$0x11D00] =	vst v63  }
0x7a: {  	_ =	swait.ge [sflag:s23], $0x280  }
0x7b: {  	[sflag:s23] =	ssyncset.done $0x0  }
0x7c: {  	s29 =	simm.s32 $0x0;
	[sflag:s23] =	ssyncadd.s32 $0xFFFFFD80  }
0x7d: {  	s30 =	simm.s32 $0x40;
	v2 =	vld [tilespmem:s29+$0x5000]  }
.LBB2_10:
0x7e: {  	p0 =	sne.s32 s30, $0x9C0;
	v3 =	vld [tilespmem:s29+$0x5280];
	_ =	sdelay $0x2  }
.Ltmp4:
0x7f: {  	(pc) =	sbr.rel @p0 .LBB2_10-.Ltmp4, $4  }
0x80: {  	_ = 	snop  }
0x81: {  	v3 =	vadd.f32 v2, v3  }
0x82: {  	s31 =	sshra.s32 s30, $0x2  }
0x83: {  	s30 =	sadd.s32 $0x40, s30;
	v2 =	vld [tilespmem:s31+$0x5000];
	[tilespmem:s29+$0x5280] =	vst v3;
	s29 =	smov.u32 s31  }
0x84: {  	v3 =	vld [tilespmem:s29+$0x5280];
	_ =	sdelay $0x4  }
0x85: {  	v2 =	vadd.f32 v2, v3;
	_ =	sdelay $0x1  }
0x86: {  	[tilespmem:s29+$0x5280] =	vst v2  }
0x87: {  	[tilespmem:s25], [sflag:$0x1] =	stream.linear.gather [spmem:s8], $0x280, $0x38;
	[tilespmem:$0x11D00] =	vst v63  }
0x88: {  	_ =	swait.ge [sflag:s23], $0x280  }
0x89: {  	[sflag:s23] =	ssyncset.done $0x0  }
0x8a: {  	s29 =	simm.s32 $0x0;
	[sflag:s23] =	ssyncadd.s32 $0xFFFFFD80  }
0x8b: {  	s30 =	simm.s32 $0x40;
	v2 =	vld [tilespmem:s29+$0x5000]  }
.LBB2_12:
0x8c: {  	p0 =	sne.s32 s30, $0x9C0;
	v3 =	vld [tilespmem:s29+$0x5280];
	_ =	sdelay $0x2  }
.Ltmp5:
0x8d: {  	(pc) =	sbr.rel @p0 .LBB2_12-.Ltmp5, $4  }
0x8e: {  	_ = 	snop  }
0x8f: {  	v3 =	vadd.f32 v2, v3  }
0x90: {  	s31 =	sshra.s32 s30, $0x2  }
0x91: {  	s30 =	sadd.s32 $0x40, s30;
	v2 =	vld [tilespmem:s31+$0x5000];
	[tilespmem:s29+$0x5280] =	vst v3;
	s29 =	smov.u32 s31  }
0x92: {  	v3 =	vld [tilespmem:s29+$0x5280];
	_ =	sdelay $0x4  }
0x93: {  	v2 =	vadd.f32 v2, v3;
	_ =	sdelay $0x1  }
0x94: {  	[tilespmem:s29+$0x5280] =	vst v2  }
0x95: {  	[tilespmem:s25], [sflag:$0x1] =	stream.linear.gather [spmem:s9], $0x280, $0x38;
	[tilespmem:$0x11D00] =	vst v63  }
0x96: {  	_ =	swait.ge [sflag:s23], $0x280  }
0x97: {  	[sflag:s23] =	ssyncset.done $0x0  }
0x98: {  	s29 =	simm.s32 $0x0;
	[sflag:s23] =	ssyncadd.s32 $0xFFFFFD80  }
0x99: {  	s30 =	simm.s32 $0x40;
	v2 =	vld [tilespmem:s29+$0x5000]  }
.LBB2_14:
0x9a: {  	p0 =	sne.s32 s30, $0x9C0;
	v3 =	vld [tilespmem:s29+$0x5280];
	_ =	sdelay $0x2  }
.Ltmp6:
0x9b: {  	(pc) =	sbr.rel @p0 .LBB2_14-.Ltmp6, $4  }
0x9c: {  	_ = 	snop  }
0x9d: {  	v3 =	vadd.f32 v2, v3  }
0x9e: {  	s31 =	sshra.s32 s30, $0x2  }
0x9f: {  	s30 =	sadd.s32 $0x40, s30;
	v2 =	vld [tilespmem:s31+$0x5000];
	[tilespmem:s29+$0x5280] =	vst v3;
	s29 =	smov.u32 s31  }
0xa0: {  	v3 =	vld [tilespmem:s29+$0x5280];
	_ =	sdelay $0x4  }
0xa1: {  	v2 =	vadd.f32 v2, v3;
	_ =	sdelay $0x1  }
0xa2: {  	[tilespmem:s29+$0x5280] =	vst v2  }
0xa3: {  	[tilespmem:s25], [sflag:$0x1] =	stream.linear.gather [spmem:s10], $0x280, $0x38;
	[tilespmem:$0x11D00] =	vst v63  }
0xa4: {  	_ =	swait.ge [sflag:s23], $0x280  }
0xa5: {  	[sflag:s23] =	ssyncset.done $0x0  }
0xa6: {  	s29 =	simm.s32 $0x0;
	[sflag:s23] =	ssyncadd.s32 $0xFFFFFD80  }
0xa7: {  	s30 =	simm.s32 $0x40;
	v2 =	vld [tilespmem:s29+$0x5000]  }
.LBB2_16:
0xa8: {  	p0 =	sne.s32 s30, $0x9C0;
	v3 =	vld [tilespmem:s29+$0x5280];
	_ =	sdelay $0x2  }
.Ltmp7:
0xa9: {  	(pc) =	sbr.rel @p0 .LBB2_16-.Ltmp7, $4  }
0xaa: {  	_ = 	snop  }
0xab: {  	v3 =	vadd.f32 v2, v3  }
0xac: {  	s31 =	sshra.s32 s30, $0x2  }
0xad: {  	s30 =	sadd.s32 $0x40, s30;
	v2 =	vld [tilespmem:s31+$0x5000];
	[tilespmem:s29+$0x5280] =	vst v3;
	s29 =	smov.u32 s31  }
0xae: {  	v3 =	vld [tilespmem:s29+$0x5280];
	_ =	sdelay $0x4  }
0xaf: {  	v2 =	vadd.f32 v2, v3;
	_ =	sdelay $0x1  }
0xb0: {  	[tilespmem:s29+$0x5280] =	vst v2  }
0xb1: {  	[tilespmem:s25], [sflag:$0x1] =	stream.linear.gather [spmem:s11], $0x280, $0x38;
	[tilespmem:$0x11D00] =	vst v63  }
0xb2: {  	_ =	swait.ge [sflag:s23], $0x280  }
0xb3: {  	[sflag:s23] =	ssyncset.done $0x0  }
0xb4: {  	s29 =	simm.s32 $0x0;
	[sflag:s23] =	ssyncadd.s32 $0xFFFFFD80  }
0xb5: {  	s30 =	simm.s32 $0x40;
	v2 =	vld [tilespmem:s29+$0x5000]  }
.LBB2_18:
0xb6: {  	p0 =	sne.s32 s30, $0x9C0;
	v3 =	vld [tilespmem:s29+$0x5280];
	_ =	sdelay $0x2  }
.Ltmp8:
0xb7: {  	(pc) =	sbr.rel @p0 .LBB2_18-.Ltmp8, $4  }
0xb8: {  	_ = 	snop  }
0xb9: {  	v3 =	vadd.f32 v2, v3  }
0xba: {  	s31 =	sshra.s32 s30, $0x2  }
0xbb: {  	s30 =	sadd.s32 $0x40, s30;
	v2 =	vld [tilespmem:s31+$0x5000];
	[tilespmem:s29+$0x5280] =	vst v3;
	s29 =	smov.u32 s31  }
0xbc: {  	v3 =	vld [tilespmem:s29+$0x5280];
	_ =	sdelay $0x4  }
0xbd: {  	v2 =	vadd.f32 v2, v3;
	_ =	sdelay $0x1  }
0xbe: {  	[tilespmem:s29+$0x5280] =	vst v2  }
0xbf: {  	[tilespmem:s25], [sflag:$0x1] =	stream.linear.gather [spmem:s12], $0x280, $0x38;
	[tilespmem:$0x11D00] =	vst v63  }
0xc0: {  	_ =	swait.ge [sflag:s23], $0x280  }
0xc1: {  	[sflag:s23] =	ssyncset.done $0x0  }
0xc2: {  	s29 =	simm.s32 $0x0;
	[sflag:s23] =	ssyncadd.s32 $0xFFFFFD80  }
0xc3: {  	s30 =	simm.s32 $0x40;
	v2 =	vld [tilespmem:s29+$0x5000]  }
.LBB2_20:
0xc4: {  	p0 =	sne.s32 s30, $0x9C0;
	v3 =	vld [tilespmem:s29+$0x5280];
	_ =	sdelay $0x2  }
.Ltmp9:
0xc5: {  	(pc) =	sbr.rel @p0 .LBB2_20-.Ltmp9, $4  }
0xc6: {  	_ = 	snop  }
0xc7: {  	v3 =	vadd.f32 v2, v3  }
0xc8: {  	s31 =	sshra.s32 s30, $0x2  }
0xc9: {  	s30 =	sadd.s32 $0x40, s30;
	v2 =	vld [tilespmem:s31+$0x5000];
	[tilespmem:s29+$0x5280] =	vst v3;
	s29 =	smov.u32 s31  }
0xca: {  	v3 =	vld [tilespmem:s29+$0x5280];
	_ =	sdelay $0x4  }
0xcb: {  	v2 =	vadd.f32 v2, v3;
	_ =	sdelay $0x1  }
0xcc: {  	[tilespmem:s29+$0x5280] =	vst v2  }
0xcd: {  	[tilespmem:s25], [sflag:$0x1] =	stream.linear.gather [spmem:s13], $0x280, $0x38;
	[tilespmem:$0x11D00] =	vst v63  }
0xce: {  	_ =	swait.ge [sflag:s23], $0x280  }
0xcf: {  	[sflag:s23] =	ssyncset.done $0x0  }
0xd0: {  	s29 =	simm.s32 $0x0;
	[sflag:s23] =	ssyncadd.s32 $0xFFFFFD80  }
0xd1: {  	s30 =	simm.s32 $0x40;
	v2 =	vld [tilespmem:s29+$0x5000]  }
.LBB2_22:
0xd2: {  	p0 =	sne.s32 s30, $0x9C0;
	v3 =	vld [tilespmem:s29+$0x5280];
	_ =	sdelay $0x2  }
.Ltmp10:
0xd3: {  	(pc) =	sbr.rel @p0 .LBB2_22-.Ltmp10, $4  }
0xd4: {  	_ = 	snop  }
0xd5: {  	v3 =	vadd.f32 v2, v3  }
0xd6: {  	s31 =	sshra.s32 s30, $0x2  }
0xd7: {  	s30 =	sadd.s32 $0x40, s30;
	v2 =	vld [tilespmem:s31+$0x5000];
	[tilespmem:s29+$0x5280] =	vst v3;
	s29 =	smov.u32 s31  }
0xd8: {  	v3 =	vld [tilespmem:s29+$0x5280];
	_ =	sdelay $0x4  }
0xd9: {  	v2 =	vadd.f32 v2, v3;
	_ =	sdelay $0x1  }
0xda: {  	[tilespmem:s29+$0x5280] =	vst v2  }
0xdb: {  	[tilespmem:s25], [sflag:$0x1] =	stream.linear.gather [spmem:s14], $0x280, $0x38;
	[tilespmem:$0x11D00] =	vst v63  }
0xdc: {  	_ =	swait.ge [sflag:s23], $0x280  }
0xdd: {  	[sflag:s23] =	ssyncset.done $0x0  }
0xde: {  	s29 =	simm.s32 $0x0;
	[sflag:s23] =	ssyncadd.s32 $0xFFFFFD80  }
0xdf: {  	s30 =	simm.s32 $0x40;
	v2 =	vld [tilespmem:s29+$0x5000]  }
.LBB2_24:
0xe0: {  	p0 =	sne.s32 s30, $0x9C0;
	v3 =	vld [tilespmem:s29+$0x5280];
	_ =	sdelay $0x2  }
.Ltmp11:
0xe1: {  	(pc) =	sbr.rel @p0 .LBB2_24-.Ltmp11, $4  }
0xe2: {  	_ = 	snop  }
0xe3: {  	v3 =	vadd.f32 v2, v3  }
0xe4: {  	s31 =	sshra.s32 s30, $0x2  }
0xe5: {  	s30 =	sadd.s32 $0x40, s30;
	v2 =	vld [tilespmem:s31+$0x5000];
	[tilespmem:s29+$0x5280] =	vst v3;
	s29 =	smov.u32 s31  }
0xe6: {  	v3 =	vld [tilespmem:s29+$0x5280];
	_ =	sdelay $0x4  }
0xe7: {  	v2 =	vadd.f32 v2, v3;
	_ =	sdelay $0x1  }
0xe8: {  	[tilespmem:s29+$0x5280] =	vst v2  }
0xe9: {  	[tilespmem:s25], [sflag:$0x1] =	stream.linear.gather [spmem:s15], $0x280, $0x38;
	[tilespmem:$0x11D00] =	vst v63  }
0xea: {  	_ =	swait.ge [sflag:s23], $0x280  }
0xeb: {  	[sflag:s23] =	ssyncset.done $0x0  }
0xec: {  	s29 =	simm.s32 $0x0;
	[sflag:s23] =	ssyncadd.s32 $0xFFFFFD80  }
0xed: {  	s30 =	simm.s32 $0x40;
	v2 =	vld [tilespmem:s29+$0x5000]  }
.LBB2_26:
0xee: {  	p0 =	sne.s32 s30, $0x9C0;
	v3 =	vld [tilespmem:s29+$0x5280];
	_ =	sdelay $0x2  }
.Ltmp12:
0xef: {  	(pc) =	sbr.rel @p0 .LBB2_26-.Ltmp12, $4  }
0xf0: {  	_ = 	snop  }
0xf1: {  	v3 =	vadd.f32 v2, v3  }
0xf2: {  	s31 =	sshra.s32 s30, $0x2  }
0xf3: {  	s30 =	sadd.s32 $0x40, s30;
	v2 =	vld [tilespmem:s31+$0x5000];
	[tilespmem:s29+$0x5280] =	vst v3;
	s29 =	smov.u32 s31  }
0xf4: {  	v3 =	vld [tilespmem:s29+$0x5280];
	_ =	sdelay $0x4  }
0xf5: {  	v2 =	vadd.f32 v2, v3;
	_ =	sdelay $0x1  }
0xf6: {  	[tilespmem:s29+$0x5280] =	vst v2  }
0xf7: {  	[tilespmem:s25], [sflag:$0x1] =	stream.linear.gather [spmem:s16], $0x280, $0x38;
	[tilespmem:$0x11D00] =	vst v63  }
0xf8: {  	_ =	swait.ge [sflag:s23], $0x280  }
0xf9: {  	[sflag:s23] =	ssyncset.done $0x0  }
0xfa: {  	s29 =	simm.s32 $0x0;
	[sflag:s23] =	ssyncadd.s32 $0xFFFFFD80  }
0xfb: {  	s30 =	simm.s32 $0x40;
	v2 =	vld [tilespmem:s29+$0x5000]  }
.LBB2_28:
0xfc: {  	p0 =	sne.s32 s30, $0x9C0;
	v3 =	vld [tilespmem:s29+$0x5280];
	_ =	sdelay $0x2  }
.Ltmp13:
0xfd: {  	(pc) =	sbr.rel @p0 .LBB2_28-.Ltmp13, $4  }
0xfe: {  	_ = 	snop  }
0xff: {  	v3 =	vadd.f32 v2, v3  }
0x100: {  	s31 =	sshra.s32 s30, $0x2  }
0x101: {  	s30 =	sadd.s32 $0x40, s30;
	v2 =	vld [tilespmem:s31+$0x5000];
	[tilespmem:s29+$0x5280] =	vst v3;
	s29 =	smov.u32 s31  }
0x102: {  	v3 =	vld [tilespmem:s29+$0x5280];
	_ =	sdelay $0x4  }
0x103: {  	v2 =	vadd.f32 v2, v3;
	_ =	sdelay $0x1  }
0x104: {  	[tilespmem:s29+$0x5280] =	vst v2  }
0x105: {  	[tilespmem:s25], [sflag:$0x1] =	stream.linear.gather [spmem:s17], $0x280, $0x38;
	[tilespmem:$0x11D00] =	vst v63  }
0x106: {  	_ =	swait.ge [sflag:s23], $0x280  }
0x107: {  	[sflag:s23] =	ssyncset.done $0x0  }
0x108: {  	s29 =	simm.s32 $0x0;
	[sflag:s23] =	ssyncadd.s32 $0xFFFFFD80  }
0x109: {  	s30 =	simm.s32 $0x40;
	v2 =	vld [tilespmem:s29+$0x5000]  }
.LBB2_30:
0x10a: {  	p0 =	sne.s32 s30, $0x9C0;
	v3 =	vld [tilespmem:s29+$0x5280];
	_ =	sdelay $0x2  }
.Ltmp14:
0x10b: {  	(pc) =	sbr.rel @p0 .LBB2_30-.Ltmp14, $4  }
0x10c: {  	_ = 	snop  }
0x10d: {  	v3 =	vadd.f32 v2, v3  }
0x10e: {  	s31 =	sshra.s32 s30, $0x2  }
0x10f: {  	s30 =	sadd.s32 $0x40, s30;
	v2 =	vld [tilespmem:s31+$0x5000];
	[tilespmem:s29+$0x5280] =	vst v3;
	s29 =	smov.u32 s31  }
0x110: {  	v3 =	vld [tilespmem:s29+$0x5280];
	_ =	sdelay $0x4  }
0x111: {  	v2 =	vadd.f32 v2, v3;
	_ =	sdelay $0x1  }
0x112: {  	[tilespmem:s29+$0x5280] =	vst v2  }
0x113: {  	[tilespmem:s25], [sflag:$0x1] =	stream.linear.gather [spmem:s18], $0x280, $0x38;
	[tilespmem:$0x11D00] =	vst v63  }
0x114: {  	_ =	swait.ge [sflag:s23], $0x280  }
0x115: {  	[sflag:s23] =	ssyncset.done $0x0  }
0x116: {  	s29 =	simm.s32 $0x0;
	[sflag:s23] =	ssyncadd.s32 $0xFFFFFD80  }
0x117: {  	s30 =	simm.s32 $0x40;
	v2 =	vld [tilespmem:s29+$0x5000]  }
.LBB2_32:
0x118: {  	p0 =	sne.s32 s30, $0x9C0;
	v3 =	vld [tilespmem:s29+$0x5280];
	_ =	sdelay $0x2  }
.Ltmp15:
0x119: {  	(pc) =	sbr.rel @p0 .LBB2_32-.Ltmp15, $4  }
0x11a: {  	_ = 	snop  }
0x11b: {  	v3 =	vadd.f32 v2, v3  }
0x11c: {  	s31 =	sshra.s32 s30, $0x2  }
0x11d: {  	s30 =	sadd.s32 $0x40, s30;
	v2 =	vld [tilespmem:s31+$0x5000];
	[tilespmem:s29+$0x5280] =	vst v3;
	s29 =	smov.u32 s31  }
0x11e: {  	v3 =	vld [tilespmem:s29+$0x5280];
	_ =	sdelay $0x4  }
0x11f: {  	v2 =	vadd.f32 v2, v3;
	_ =	sdelay $0x1  }
0x120: {  	[tilespmem:s29+$0x5280] =	vst v2  }
0x121: {  	[tilespmem:s25], [sflag:$0x1] =	stream.linear.gather [spmem:s19], $0x280, $0x38;
	[tilespmem:$0x11D00] =	vst v63  }
0x122: {  	_ =	swait.ge [sflag:s23], $0x280  }
0x123: {  	[sflag:s23] =	ssyncset.done $0x0  }
0x124: {  	s29 =	simm.s32 $0x0;
	[sflag:s23] =	ssyncadd.s32 $0xFFFFFD80  }
0x125: {  	s30 =	simm.s32 $0x40;
	v2 =	vld [tilespmem:s29+$0x5000]  }
.LBB2_34:
0x126: {  	p0 =	sne.s32 s30, $0x9C0;
	v3 =	vld [tilespmem:s29+$0x5280];
	_ =	sdelay $0x2  }
.Ltmp16:
0x127: {  	(pc) =	sbr.rel @p0 .LBB2_34-.Ltmp16, $4  }
0x128: {  	_ = 	snop  }
0x129: {  	v3 =	vadd.f32 v2, v3  }
0x12a: {  	s31 =	sshra.s32 s30, $0x2  }
0x12b: {  	s30 =	sadd.s32 $0x40, s30;
	v2 =	vld [tilespmem:s31+$0x5000];
	[tilespmem:s29+$0x5280] =	vst v3;
	s29 =	smov.u32 s31  }
0x12c: {  	v3 =	vld [tilespmem:s29+$0x5280];
	_ =	sdelay $0x4  }
0x12d: {  	v2 =	vadd.f32 v2, v3;
	_ =	sdelay $0x1  }
0x12e: {  	[tilespmem:s29+$0x5280] =	vst v2  }
0x12f: {  	[tilespmem:s25], [sflag:$0x1] =	stream.linear.gather [spmem:s20], $0x280, $0x38;
	[tilespmem:$0x11D00] =	vst v63  }
0x130: {  	_ =	swait.ge [sflag:s23], $0x280  }
0x131: {  	[sflag:s23] =	ssyncset.done $0x0  }
0x132: {  	s29 =	simm.s32 $0x0;
	[sflag:s23] =	ssyncadd.s32 $0xFFFFFD80  }
0x133: {  	s31 =	simm.s32 $0x40;
	s30 =	simm.s32 $0x0;
	v2 =	vld [tilespmem:s29+$0x5000]  }
.LBB2_36:
0x134: {  	p0 =	sne.s32 s31, $0x9C0;
	v3 =	vld [tilespmem:s30+$0x5280];
	_ =	sdelay $0x2  }
.Ltmp17:
0x135: {  	(pc) =	sbr.rel @p0 .LBB2_36-.Ltmp17, $4  }
0x136: {  	_ = 	snop  }
0x137: {  	v3 =	vadd.f32 v2, v3  }
0x138: {  	s0 =	sshra.s32 s31, $0x2  }
0x139: {  	s31 =	sadd.s32 $0x40, s31;
	v2 =	vld [tilespmem:s0+$0x5000];
	[tilespmem:s30+$0x5280] =	vst v3;
	s30 =	smov.u32 s0  }
0x13a: {  	v3 =	vld [tilespmem:s30+$0x5280];
	_ =	sdelay $0x4  }
0x13b: {  	v2 =	vadd.f32 v2, v3;
	_ =	sdelay $0x1  }
0x13c: {  	[tilespmem:s30+$0x5280] =	vst v2  }
0x13d: {  	v2 =	vld [tilespmem:s29+$0x5280];
	_ =	sdelay $0x4  }
0x13e: {  	v3 =	vbroadcast v2, $0x0  }
0x13f: {  	s29 =	simm.s32 $0x5700  }
0x140: {  	[tilespmem:s29+$0xFFFFFE00] =	vst v3  }
0x141: {  	[tilespmem:s29+$0xFFFFFE10] =	vst v3  }
0x142: {  	v4 =	vbroadcast v2, $0x1;
	[tilespmem:s29+$0xFFFFFE20] =	vst v3  }
0x143: {  	[tilespmem:s29+$0xFFFFFE30] =	vst v3  }
0x144: {  	[tilespmem:s29+$0xFFFFFE40] =	vst v4  }
0x145: {  	[tilespmem:s29+$0xFFFFFE50] =	vst v4  }
0x146: {  	v58 =	vbroadcast v2, $0x3;
	[tilespmem:s29+$0xFFFFFE60] =	vst v4  }
0x147: {  	[tilespmem:s29+$0xFFFFFE70] =	vst v4  }
0x148: {  	[tilespmem:s29+$0xFFFFFEC0] =	vst v58  }
0x149: {  	[tilespmem:s29+$0xFFFFFED0] =	vst v58  }
0x14a: {  	v59 =	vbroadcast v2, $0x5;
	[tilespmem:s29+$0xFFFFFEE0] =	vst v58  }
0x14b: {  	[tilespmem:s29+$0xFFFFFEF0] =	vst v58  }
0x14c: {  	[tilespmem:s29+$0xFFFFFF40] =	vst v59  }
0x14d: {  	[tilespmem:s29+$0xFFFFFF50] =	vst v59  }
0x14e: {  	v60 =	vbroadcast v2, $0x7;
	[tilespmem:s29+$0xFFFFFF60] =	vst v59  }
0x14f: {  	[tilespmem:s29+$0xFFFFFF70] =	vst v59  }
0x150: {  	[tilespmem:s29+$0xFFFFFFC0] =	vst v60  }
0x151: {  	[tilespmem:s29+$0xFFFFFFD0] =	vst v60  }
0x152: {  	v61 =	vbroadcast v2, $0x9;
	[tilespmem:s29+$0xFFFFFFE0] =	vst v60  }
0x153: {  	[tilespmem:s29+$0xFFFFFFF0] =	vst v60  }
0x154: {  	[tilespmem:s29+$0x40] =	vst v61  }
0x155: {  	[tilespmem:s29+$0x50] =	vst v61  }
0x156: {  	v62 =	vbroadcast v2, $0xB;
	[tilespmem:s29+$0x60] =	vst v61  }
0x157: {  	[tilespmem:s29+$0x70] =	vst v61  }
0x158: {  	v3 =	vbroadcast v2, $0x2;
	[tilespmem:s29+$0xC0] =	vst v62  }
0x159: {  	[tilespmem:s29+$0xD0] =	vst v62  }
0x15a: {  	[tilespmem:s29+$0xFFFFFE80] =	vst v3  }
0x15b: {  	[tilespmem:s29+$0xFFFFFE90] =	vst v3  }
0x15c: {  	[tilespmem:s29+$0xFFFFFEA0] =	vst v3  }
0x15d: {  	[tilespmem:s29+$0xFFFFFEB0] =	vst v3;
	v3 =	vbroadcast v2, $0x4  }
0x15e: {  	[tilespmem:s29+$0xE0] =	vst v62  }
0x15f: {  	[tilespmem:s29+$0xFFFFFF00] =	vst v3  }
0x160: {  	[tilespmem:s29+$0xFFFFFF10] =	vst v3  }
0x161: {  	[tilespmem:s29+$0xFFFFFF20] =	vst v3  }
0x162: {  	[tilespmem:s29+$0xFFFFFF30] =	vst v3;
	v3 =	vbroadcast v2, $0x6  }
0x163: {  	[tilespmem:s29+$0xF0] =	vst v62  }
0x164: {  	[tilespmem:s29+$0xFFFFFF80] =	vst v3  }
0x165: {  	[tilespmem:s29+$0xFFFFFF90] =	vst v3  }
0x166: {  	v63 =	vbroadcast v2, $0xD;
	[tilespmem:s29+$0xFFFFFFA0] =	vst v3  }
0x167: {  	[tilespmem:s29+$0xFFFFFFB0] =	vst v3;
	v3 =	vbroadcast v2, $0x8  }
0x168: {  	[tilespmem:s29+$0x140] =	vst v63  }
0x169: {  	[tilespmem:s29+$0x0] =	vst v3  }
0x16a: {  	[tilespmem:s29+$0x10] =	vst v3  }
0x16b: {  	[tilespmem:s29+$0x20] =	vst v3  }
0x16c: {  	[tilespmem:s29+$0x30] =	vst v3;
	v3 =	vbroadcast v2, $0xA  }
0x16d: {  	[tilespmem:s29+$0x150] =	vst v63  }
0x16e: {  	[tilespmem:s29+$0x80] =	vst v3  }
0x16f: {  	[tilespmem:s29+$0x90] =	vst v3  }
0x170: {  	[tilespmem:s29+$0xA0] =	vst v3  }
0x171: {  	[tilespmem:s29+$0xB0] =	vst v3;
	v3 =	vbroadcast v2, $0xC  }
0x172: {  	[tilespmem:s29+$0x160] =	vst v63  }
0x173: {  	[tilespmem:s29+$0x100] =	vst v3  }
0x174: {  	[tilespmem:s29+$0x110] =	vst v3  }
0x175: {  	[tilespmem:s29+$0x120] =	vst v3  }
0x176: {  	[tilespmem:s29+$0x130] =	vst v3;
	v3 =	vbroadcast v2, $0xE  }
0x177: {  	[tilespmem:s29+$0x170] =	vst v63  }
0x178: {  	[tilespmem:s29+$0x180] =	vst v3  }
0x179: {  	[tilespmem:s29+$0x190] =	vst v3  }
0x17a: {  	v2 =	vbroadcast v2, $0xF;
	[tilespmem:s29+$0x1A0] =	vst v3  }
0x17b: {  	[tilespmem:s29+$0x1B0] =	vst v3  }
0x17c: {  	[tilespmem:s29+$0x1C0] =	vst v2  }
0x17d: {  	[tilespmem:s29+$0x1D0] =	vst v2  }
0x17e: {  	[tilespmem:s29+$0x1E0] =	vst v2  }
0x17f: {  	s31 =	simm.s32 $0x10;
	s30 =	simm.s32 $0x80;
	[tilespmem:s29+$0x1F0] =	vst v2  }
.LBB2_38:
0x180: {  	p0 =	sne.s32 s30, $0x9C0;
	v2 =	vld [tilespmem:s31+$0x5280];
	_ =	sdelay $0x4  }
0x181: {  	v3 =	vbroadcast v2, $0x0;
	v4 =	vbroadcast v2, $0x1  }
0x182: {  	s29 =	sadd.s32 $0x400, s29;
	v5 =	vbroadcast v2, $0x2;
	v6 =	vbroadcast v2, $0x3  }
0x183: {  	v7 =	vbroadcast v2, $0x4;
	v8 =	vbroadcast v2, $0x5;
	[tilespmem:s29+$0xFFFFFE00] =	vst v3  }
0x184: {  	v9 =	vbroadcast v2, $0x6;
	v10 =	vbroadcast v2, $0x7;
	[tilespmem:s29+$0xFFFFFE10] =	vst v3  }
0x185: {  	v11 =	vbroadcast v2, $0x8;
	v12 =	vbroadcast v2, $0x9;
	[tilespmem:s29+$0xFFFFFE20] =	vst v3  }
0x186: {  	v13 =	vbroadcast v2, $0xB;
	[tilespmem:s29+$0xFFFFFE30] =	vst v3;
	v3 =	vbroadcast v2, $0xA  }
0x187: {  	v14 =	vbroadcast v2, $0xC;
	v15 =	vbroadcast v2, $0xD;
	[tilespmem:s29+$0xFFFFFE40] =	vst v4  }
0x188: {  	v16 =	vbroadcast v2, $0xE;
	v2 =	vbroadcast v2, $0xF;
	[tilespmem:s29+$0xFFFFFE50] =	vst v4  }
0x189: {  	[tilespmem:s29+$0xFFFFFE60] =	vst v4  }
0x18a: {  	[tilespmem:s29+$0xFFFFFE70] =	vst v4  }
0x18b: {  	[tilespmem:s29+$0xFFFFFE80] =	vst v5  }
0x18c: {  	[tilespmem:s29+$0xFFFFFE90] =	vst v5  }
0x18d: {  	[tilespmem:s29+$0xFFFFFEA0] =	vst v5  }
0x18e: {  	[tilespmem:s29+$0xFFFFFEB0] =	vst v5  }
0x18f: {  	[tilespmem:s29+$0xFFFFFEC0] =	vst v6  }
0x190: {  	[tilespmem:s29+$0xFFFFFED0] =	vst v6  }
0x191: {  	[tilespmem:s29+$0xFFFFFEE0] =	vst v6  }
0x192: {  	[tilespmem:s29+$0xFFFFFEF0] =	vst v6  }
0x193: {  	[tilespmem:s29+$0xFFFFFF00] =	vst v7  }
0x194: {  	[tilespmem:s29+$0xFFFFFF10] =	vst v7  }
0x195: {  	[tilespmem:s29+$0xFFFFFF20] =	vst v7  }
0x196: {  	[tilespmem:s29+$0xFFFFFF30] =	vst v7  }
0x197: {  	[tilespmem:s29+$0xFFFFFF40] =	vst v8  }
0x198: {  	[tilespmem:s29+$0xFFFFFF50] =	vst v8  }
0x199: {  	[tilespmem:s29+$0xFFFFFF60] =	vst v8  }
0x19a: {  	[tilespmem:s29+$0xFFFFFF70] =	vst v8  }
0x19b: {  	[tilespmem:s29+$0xFFFFFF80] =	vst v9  }
0x19c: {  	[tilespmem:s29+$0xFFFFFF90] =	vst v9  }
0x19d: {  	[tilespmem:s29+$0xFFFFFFA0] =	vst v9  }
0x19e: {  	[tilespmem:s29+$0xFFFFFFB0] =	vst v9  }
0x19f: {  	[tilespmem:s29+$0xFFFFFFC0] =	vst v10  }
0x1a0: {  	[tilespmem:s29+$0xFFFFFFD0] =	vst v10  }
0x1a1: {  	[tilespmem:s29+$0xFFFFFFE0] =	vst v10  }
0x1a2: {  	[tilespmem:s29+$0xFFFFFFF0] =	vst v10  }
0x1a3: {  	[tilespmem:s29+$0x0] =	vst v11  }
0x1a4: {  	[tilespmem:s29+$0x10] =	vst v11  }
0x1a5: {  	[tilespmem:s29+$0x20] =	vst v11  }
0x1a6: {  	[tilespmem:s29+$0x30] =	vst v11  }
0x1a7: {  	[tilespmem:s29+$0x40] =	vst v12  }
0x1a8: {  	[tilespmem:s29+$0x50] =	vst v12  }
0x1a9: {  	[tilespmem:s29+$0x60] =	vst v12  }
0x1aa: {  	[tilespmem:s29+$0x70] =	vst v12  }
0x1ab: {  	[tilespmem:s29+$0x80] =	vst v3  }
0x1ac: {  	[tilespmem:s29+$0x90] =	vst v3  }
0x1ad: {  	[tilespmem:s29+$0xA0] =	vst v3  }
0x1ae: {  	[tilespmem:s29+$0xB0] =	vst v3  }
0x1af: {  	[tilespmem:s29+$0xC0] =	vst v13  }
0x1b0: {  	[tilespmem:s29+$0xD0] =	vst v13  }
0x1b1: {  	[tilespmem:s29+$0xE0] =	vst v13  }
0x1b2: {  	[tilespmem:s29+$0xF0] =	vst v13  }
0x1b3: {  	[tilespmem:s29+$0x100] =	vst v14  }
0x1b4: {  	[tilespmem:s29+$0x110] =	vst v14  }
0x1b5: {  	[tilespmem:s29+$0x120] =	vst v14  }
0x1b6: {  	[tilespmem:s29+$0x130] =	vst v14  }
0x1b7: {  	[tilespmem:s29+$0x140] =	vst v15  }
0x1b8: {  	[tilespmem:s29+$0x150] =	vst v15  }
0x1b9: {  	[tilespmem:s29+$0x160] =	vst v15  }
0x1ba: {  	[tilespmem:s29+$0x170] =	vst v15  }
0x1bb: {  	[tilespmem:s29+$0x180] =	vst v16  }
0x1bc: {  	[tilespmem:s29+$0x190] =	vst v16  }
0x1bd: {  	[tilespmem:s29+$0x1A0] =	vst v16  }
.Ltmp18:
0x1be: {  	[tilespmem:s29+$0x1B0] =	vst v16;
	(pc) =	sbr.rel @p0 .LBB2_38-.Ltmp18, $4  }
0x1bf: {  	[tilespmem:s29+$0x1C0] =	vst v2  }
0x1c0: {  	[tilespmem:s29+$0x1D0] =	vst v2  }
0x1c1: {  	[tilespmem:s29+$0x1E0] =	vst v2  }
0x1c2: {  	s31 =	sshra.s32 s30, $0x2;
	s30 =	sadd.s32 $0x40, s30;
	[tilespmem:s29+$0x1F0] =	vst v2  }
0x1c3: {  	v2 =	vld [tilespmem:s31+$0x5280];
	_ =	sdelay $0x4  }
0x1c4: {  	v3 =	vbroadcast v2, $0x0  }
0x1c5: {  	s29 =	sadd.s32 $0x400, s29  }
0x1c6: {  	[tilespmem:s29+$0xFFFFFE00] =	vst v3  }
0x1c7: {  	[tilespmem:s29+$0xFFFFFE10] =	vst v3  }
0x1c8: {  	v4 =	vbroadcast v2, $0x1;
	[tilespmem:s29+$0xFFFFFE20] =	vst v3  }
0x1c9: {  	[tilespmem:s29+$0xFFFFFE30] =	vst v3  }
0x1ca: {  	[tilespmem:s29+$0xFFFFFE40] =	vst v4  }
0x1cb: {  	[tilespmem:s29+$0xFFFFFE50] =	vst v4  }
0x1cc: {  	v58 =	vbroadcast v2, $0x3;
	[tilespmem:s29+$0xFFFFFE60] =	vst v4  }
0x1cd: {  	[tilespmem:s29+$0xFFFFFE70] =	vst v4  }
0x1ce: {  	[tilespmem:s29+$0xFFFFFEC0] =	vst v58  }
0x1cf: {  	[tilespmem:s29+$0xFFFFFED0] =	vst v58  }
0x1d0: {  	v59 =	vbroadcast v2, $0x5;
	[tilespmem:s29+$0xFFFFFEE0] =	vst v58  }
0x1d1: {  	[tilespmem:s29+$0xFFFFFEF0] =	vst v58  }
0x1d2: {  	[tilespmem:s29+$0xFFFFFF40] =	vst v59  }
0x1d3: {  	[tilespmem:s29+$0xFFFFFF50] =	vst v59  }
0x1d4: {  	v60 =	vbroadcast v2, $0x7;
	[tilespmem:s29+$0xFFFFFF60] =	vst v59  }
0x1d5: {  	[tilespmem:s29+$0xFFFFFF70] =	vst v59  }
0x1d6: {  	[tilespmem:s29+$0xFFFFFFC0] =	vst v60  }
0x1d7: {  	[tilespmem:s29+$0xFFFFFFD0] =	vst v60  }
0x1d8: {  	v61 =	vbroadcast v2, $0x9;
	[tilespmem:s29+$0xFFFFFFE0] =	vst v60  }
0x1d9: {  	[tilespmem:s29+$0xFFFFFFF0] =	vst v60  }
0x1da: {  	[tilespmem:s29+$0x40] =	vst v61  }
0x1db: {  	[tilespmem:s29+$0x50] =	vst v61  }
0x1dc: {  	v62 =	vbroadcast v2, $0xB;
	[tilespmem:s29+$0x60] =	vst v61  }
0x1dd: {  	[tilespmem:s29+$0x70] =	vst v61  }
0x1de: {  	v3 =	vbroadcast v2, $0x2;
	[tilespmem:s29+$0xC0] =	vst v62  }
0x1df: {  	[tilespmem:s29+$0xD0] =	vst v62  }
0x1e0: {  	[tilespmem:s29+$0xFFFFFE80] =	vst v3  }
0x1e1: {  	[tilespmem:s29+$0xFFFFFE90] =	vst v3  }
0x1e2: {  	[tilespmem:s29+$0xFFFFFEA0] =	vst v3  }
0x1e3: {  	[tilespmem:s29+$0xFFFFFEB0] =	vst v3;
	v3 =	vbroadcast v2, $0x4  }
0x1e4: {  	[tilespmem:s29+$0xE0] =	vst v62  }
0x1e5: {  	[tilespmem:s29+$0xFFFFFF00] =	vst v3  }
0x1e6: {  	[tilespmem:s29+$0xFFFFFF10] =	vst v3  }
0x1e7: {  	[tilespmem:s29+$0xFFFFFF20] =	vst v3  }
0x1e8: {  	[tilespmem:s29+$0xFFFFFF30] =	vst v3;
	v3 =	vbroadcast v2, $0x6  }
0x1e9: {  	[tilespmem:s29+$0xF0] =	vst v62  }
0x1ea: {  	[tilespmem:s29+$0xFFFFFF80] =	vst v3  }
0x1eb: {  	[tilespmem:s29+$0xFFFFFF90] =	vst v3  }
0x1ec: {  	v63 =	vbroadcast v2, $0xD;
	[tilespmem:s29+$0xFFFFFFA0] =	vst v3  }
0x1ed: {  	[tilespmem:s29+$0xFFFFFFB0] =	vst v3;
	v3 =	vbroadcast v2, $0x8  }
0x1ee: {  	[tilespmem:s29+$0x140] =	vst v63  }
0x1ef: {  	[tilespmem:s29+$0x0] =	vst v3  }
0x1f0: {  	[tilespmem:s29+$0x10] =	vst v3  }
0x1f1: {  	[tilespmem:s29+$0x20] =	vst v3  }
0x1f2: {  	[tilespmem:s29+$0x30] =	vst v3;
	v3 =	vbroadcast v2, $0xA  }
0x1f3: {  	[tilespmem:s29+$0x150] =	vst v63  }
0x1f4: {  	[tilespmem:s29+$0x80] =	vst v3  }
0x1f5: {  	[tilespmem:s29+$0x90] =	vst v3  }
0x1f6: {  	[tilespmem:s29+$0xA0] =	vst v3  }
0x1f7: {  	[tilespmem:s29+$0xB0] =	vst v3;
	v3 =	vbroadcast v2, $0xC  }
0x1f8: {  	[tilespmem:s29+$0x160] =	vst v63  }
0x1f9: {  	[tilespmem:s29+$0x100] =	vst v3  }
0x1fa: {  	[tilespmem:s29+$0x110] =	vst v3  }
0x1fb: {  	[tilespmem:s29+$0x120] =	vst v3  }
0x1fc: {  	[tilespmem:s29+$0x130] =	vst v3;
	v3 =	vbroadcast v2, $0xE  }
0x1fd: {  	[tilespmem:s29+$0x170] =	vst v63  }
0x1fe: {  	[tilespmem:s29+$0x180] =	vst v3  }
0x1ff: {  	[tilespmem:s29+$0x190] =	vst v3  }
0x200: {  	v2 =	vbroadcast v2, $0xF;
	[tilespmem:s29+$0x1A0] =	vst v3  }
0x201: {  	[tilespmem:s29+$0x1B0] =	vst v3  }
0x202: {  	[tilespmem:s29+$0x1C0] =	vst v2  }
0x203: {  	s28 =	sadd.s32 $0x1, s28;
	[tilespmem:s29+$0x1D0] =	vst v2  }
0x204: {  	p0 =	sne.s32 s28, s22;
	[tilespmem:s29+$0x1E0] =	vst v2  }
.Ltmp19:
0x205: {  	[tilespmem:s29+$0x1F0] =	vst v2;
	(pc) =	sbr.rel @p0 .LBB2_1-.Ltmp19, $4  }
0x206: {  	[hbm4b:s21+s2] =	stream.linear.scatter [tilespmem:s26], [sflag:$0x1], $0xA000, $0x38;
	[tilespmem:$0x11D00] =	vst v63  }
0x207: {  	_ =	swait.ge [sflag:s23], $0xA000  }
0x208: {  	[sflag:s23] =	ssyncset.done $0x0  }
0x209: {  	[sflag:s23] =	ssyncadd.s32 $0xFFFF6000  }
0x20a: {  	_ =	sfence.sel $0x180000  }
0x20b: {  	[bflag:$0x0] =	sbarrier.arrive $0xFFFF  }
0x20c: {  	_ =	strace $0x90000047  }
0x20d: {  	[bflag:$0x2] =	sbarrier.arrive $0xFFFF  }
0x20e: {  	p0 =	sne.s32 s1, $0x0;
	s0 =	rddreg [dreg:$0x2]  }
0x20f: {  	s0 =	sadd.s32 @!p0 $0x100000, s0  }
0x210: {  	[sflag:s0] =	ssyncadd.tile.s32 @!p0 $0x1;
	_ =	shalt  }
.Lfunc_end2:
_tile_overlayer_lowered:
.L_overlay_start_2:
0x211: {  	(tag) =	ssettag $0x2  }
0x212: {  	s0 =	rddreg [dreg:$0x0];
	s2 =	stileid.u32  }
0x213: {  	s1 =	rddreg [dreg:$0x1];
	p0 =	sne.s32 s2, $0x0  }
0x214: {  	s3 =	rddreg [dreg:$0x2];
	[bflag:$0x3] =	sbarrier.arrive $0xFFFF;
	s2 =	simm.s32 @!p0 $0x1C01  }
0x215: {  	[timem:s3], [sflag:s2] =	dma.local @!p0 [hbm:s0], s1  }
0x216: {  	s0 =	simm.s32 @!p0 $0x1  }
0x217: {  	_ =	swait.ge @!p0 [sflag:s0], s1  }
0x218: {  	s1 =	ssub.s32 @!p0 $0x0, s1;
	[sflag:s0] =	ssyncset.done @!p0 $0x0  }
0x219: {  	[sflag:s0] =	ssyncadd.s32 @!p0 s1  }
0x21a: {  	[bflag:$0x3] =	sbarrier.arrive $0xFFFF  }
0x21b: {  	_ =	shalt  }

</sc_bundles>
